<compile_context>
chip_gen: v7x
topology: tpu7x:2x2x1
jax: 0.10.2.dev20260603
libtpu: 0.0.44.dev20260713+nightly
codegen_flags: <defaults>
</compile_context>

<pallas_src>
import functools

import jax
import jax.numpy as jnp
from jax import lax
from jax.experimental import pallas as pl
from jax.experimental.pallas import tpu as pltpu
from jax.experimental.pallas import tpu_sc as plsc

N = 10000
IN_DIM = 128
HID = 32
HEADS = 8

NTILES = 32
CH = 128
NP2 = 10112
DUMP = N
RPT = NP2 // 16


def _matmul(xin, w, bm):
    m, k = xin.shape
    nout = w.shape[1]

    def body(x_ref, w_ref, o_ref):
        o_ref[...] = jnp.dot(x_ref[...], w_ref[...],
                             preferred_element_type=jnp.float32)

    return pl.pallas_call(
        body,
        grid=(m // bm,),
        in_specs=[pl.BlockSpec((bm, k), lambda i: (i, 0)),
                  pl.BlockSpec((k, nout), lambda i: (0, 0))],
        out_specs=pl.BlockSpec((bm, nout), lambda i: (i, 0)),
        out_shape=jax.ShapeDtypeStruct((m, nout), jnp.float32),
    )(xin, w)


def _edge_pass(h_tab, ta_tab, td_tab, srcp, dstp, zg, z16, gw, lanes,
               with_den, ep, w_mode="none", w_arr=None):
    pt = ep // NTILES
    nch = pt // CH
    assert nch % 2 == 0
    mesh = plsc.VectorSubcoreMesh(core_axis_name="c", subcore_axis_name="s")

    out_type = [jax.ShapeDtypeStruct((2 * NP2, gw), jnp.float32)]
    if with_den:
        out_type.append(jax.ShapeDtypeStruct((2 * NP2, 16), jnp.float32))
    if w_mode == "emit":
        out_type.append(jax.ShapeDtypeStruct((ep, 16), jnp.float32))

    scratch = [
        [pltpu.VMEM((CH,), jnp.int32)] * 2,
        [pltpu.VMEM((CH,), jnp.int32)] * 2,
        pltpu.VMEM((CH, 16), jnp.float32),
        pltpu.VMEM((CH, 16), jnp.float32),
        pltpu.VMEM((CH, 16), jnp.float32),
        [pltpu.VMEM((CH, gw), jnp.float32)] * 2,
        pltpu.VMEM_SHARED((NP2, gw), jnp.float32),
        pltpu.VMEM_SHARED((NP2, 16), jnp.float32),
        [pltpu.SemaphoreType.DMA] * 2,
        [pltpu.SemaphoreType.DMA] * 2,
        pltpu.SemaphoreType.DMA,
        pltpu.SemaphoreType.DMA,
    ]

    def body(h_hbm, ta_hbm, td_hbm, s_hbm, d_hbm, zg_hbm, z16_hbm, *rest):
        if w_mode == "reuse":
            w_hbm = rest[0]
            rest = rest[1:]
        else:
            w_hbm = None
        nouts = 1 + (1 if with_den else 0) + (1 if w_mode == "emit" else 0)
        acc_out = rest[0]
        den_out = rest[1] if with_den else None
        w_out = rest[nouts - 1] if w_mode == "emit" else None
        (idx_s, idx_d, tar, tdr, wbuf, rows, acc_sh, den_sh,
         isem, gsem, tsem, wsem) = rest[nouts:]

        cid = lax.axis_index("c")
        sid = lax.axis_index("s")
        gt = cid * 16 + sid
        r0 = sid * RPT

        pltpu.sync_copy(zg_hbm.at[pl.ds(r0, RPT)], acc_sh.at[pl.ds(r0, RPT)])
        if with_den:
            pltpu.sync_copy(z16_hbm.at[pl.ds(r0, RPT)],
                            den_sh.at[pl.ds(r0, RPT)])
        plsc.subcore_barrier()

        def start_idx(j, b, sync):
            base = (j * NTILES + gt) * CH
            if sync:
                pltpu.sync_copy(s_hbm.at[pl.ds(base, CH)], idx_s[b])
                pltpu.sync_copy(d_hbm.at[pl.ds(base, CH)], idx_d[b])
            else:
                pltpu.async_copy(s_hbm.at[pl.ds(base, CH)], idx_s[b], isem[b])
                pltpu.async_copy(d_hbm.at[pl.ds(base, CH)], idx_d[b], isem[b])

        def wait_idx(b):
            base = gt * pt
            pltpu.make_async_copy(s_hbm.at[pl.ds(base, CH)],
                                  idx_s[b], isem[b]).wait()
            pltpu.make_async_copy(d_hbm.at[pl.ds(base, CH)],
                                  idx_d[b], isem[b]).wait()

        def start_logit_gathers(b):
            pltpu.async_copy(ta_hbm.at[idx_s[b]], tar, tsem)
            pltpu.async_copy(td_hbm.at[idx_d[b]], tdr, tsem)

        def wait_logit_gathers(b):
            pltpu.make_async_copy(ta_hbm.at[idx_s[b]], tar, tsem).wait()
            pltpu.make_async_copy(td_hbm.at[idx_d[b]], tdr, tsem).wait()

        def start_rows_gather(b):
            pltpu.async_copy(h_hbm.at[idx_s[b]], rows[b], gsem[b])

        def wait_rows_gather(b):
            pltpu.make_async_copy(h_hbm.at[idx_s[b]], rows[b],
                                  gsem[b]).wait()

        def wchunk_base(j):
            return (j * NTILES + gt) * CH

        def start_w_load(j):
            pltpu.async_copy(w_hbm.at[pl.ds(wchunk_base(j), CH)], wbuf, wsem)

        def wait_w_load(j):
            pltpu.make_async_copy(w_hbm.at[pl.ds(wchunk_base(j), CH)],
                                  wbuf, wsem).wait()

        def start_w_spill(j):
            pltpu.async_copy(wbuf, w_out.at[pl.ds(wchunk_base(j), CH)], wsem)

        def wait_w_spill(j):
            pltpu.make_async_copy(wbuf, w_out.at[pl.ds(wchunk_base(j), CH)],
                                  wsem).wait()

        start_idx(0, 0, True)
        if w_mode == "reuse":
            start_w_load(0)
        else:
            start_logit_gathers(0)
        start_rows_gather(0)
        start_idx(1, 1, False)

        def pair(io, carry):
            for b in range(2):
                j = io * 2 + b

                if w_mode == "reuse":
                    wait_w_load(j)
                    @pl.when(j + 1 < nch)
                    def _():
                        wait_idx(1 - b)
                        start_rows_gather(1 - b)
                else:
                    wait_logit_gathers(b)
                    if w_mode == "emit":
                        @pl.when(j > 0)
                        def _():
                            wait_w_spill(j - 1)

                    def ebody(e, c):
                        a = tar[e, :] + tdr[e, :]
                        a = jnp.where(a > 0.0, a, a * 0.2)
                        wbuf[e, :] = jnp.exp(a)
                        return c

                    lax.fori_loop(0, CH, ebody, 0)
                    if w_mode == "emit":
                        start_w_spill(j)

                    @pl.when(j + 1 < nch)
                    def _():
                        wait_idx(1 - b)
                        start_logit_gathers(1 - b)
                        start_rows_gather(1 - b)

                wait_rows_gather(b)

                def mbody(e, c):
                    w = wbuf[e, :]
                    for v in range(gw // 16):
                        ws = w[lanes[v]]
                        rows[b][e, pl.ds(v * 16, 16)] = (
                            rows[b][e, pl.ds(v * 16, 16)] * ws)
                    return c

                lax.fori_loop(0, CH, mbody, 0)

                if with_den:
                    pltpu.sync_copy(wbuf, den_sh.at[idx_d[b]], add=True)
                pltpu.sync_copy(rows[b], acc_sh.at[idx_d[b]], add=True)

                if w_mode == "reuse":
                    @pl.when(j + 1 < nch)
                    def _():
                        start_w_load(j + 1)

                @pl.when(j + 2 < nch)
                def _():
                    start_idx(j + 2, b, False)
            return carry

        lax.fori_loop(0, nch // 2, pair, 0)

        if w_mode == "emit":
            wait_w_spill(nch - 1)
        plsc.subcore_barrier()

        pltpu.sync_copy(acc_sh.at[pl.ds(r0, RPT)],
                        acc_out.at[pl.ds(cid * NP2 + r0, RPT)])
        if with_den:
            pltpu.sync_copy(den_sh.at[pl.ds(r0, RPT)],
                            den_out.at[pl.ds(cid * NP2 + r0, RPT)])

    fn = pl.kernel(body, out_type=out_type, mesh=mesh, scratch_types=scratch,
                   compiler_params=pltpu.CompilerParams(
                       use_tc_tiling_on_sc=False))
    if w_mode == "reuse":
        return fn(h_tab, ta_tab, td_tab, srcp, dstp, zg, z16, w_arr)
    return fn(h_tab, ta_tab, td_tab, srcp, dstp, zg, z16)


def _l2_project(g0a, g0b, g1a, g1b, d0, d1, r1, b1r, w2cat, bm):
    m = g0a.shape[0]
    nout = w2cat.shape[1]

    def body(a_ref, b_ref, c_ref, e_ref, p_ref, q_ref, r_ref, bias_ref,
             w_ref, o_ref):
        den = jnp.dot(p_ref[...] + q_ref[...], r_ref[...],
                      preferred_element_type=jnp.float32) + 1e-16
        h0 = jnp.maximum((a_ref[...] + b_ref[...]) / den[:, :128]
                         + bias_ref[:, :128], 0.0)
        h1 = jnp.maximum((c_ref[...] + e_ref[...]) / den[:, 128:]
                         + bias_ref[:, 128:], 0.0)
        o_ref[...] = (jnp.dot(h0, w_ref[:128, :],
                              preferred_element_type=jnp.float32)
                      + jnp.dot(h1, w_ref[128:, :],
                                preferred_element_type=jnp.float32))

    return pl.pallas_call(
        body,
        grid=(m // bm,),
        in_specs=[pl.BlockSpec((bm, 128), lambda i: (i, 0)),
                  pl.BlockSpec((bm, 128), lambda i: (i, 0)),
                  pl.BlockSpec((bm, 128), lambda i: (i, 0)),
                  pl.BlockSpec((bm, 128), lambda i: (i, 0)),
                  pl.BlockSpec((bm, 16), lambda i: (i, 0)),
                  pl.BlockSpec((bm, 16), lambda i: (i, 0)),
                  pl.BlockSpec((16, 256), lambda i: (0, 0)),
                  pl.BlockSpec((1, 256), lambda i: (0, 0)),
                  pl.BlockSpec((256, nout), lambda i: (0, 0))],
        out_specs=pl.BlockSpec((bm, nout), lambda i: (i, 0)),
        out_shape=jax.ShapeDtypeStruct((m, nout), jnp.float32),
    )(g0a, g0b, g1a, g1b, d0, d1, r1, b1r, w2cat)


def _final(a0, a1, d0, d1, r2, b2r, bm):
    m = a0.shape[0]

    def body(a_ref, b_ref, p_ref, q_ref, r_ref, bias_ref, o_ref):
        den = jnp.dot(p_ref[...] + q_ref[...], r_ref[...],
                      preferred_element_type=jnp.float32) + 1e-16
        o_ref[...] = jnp.maximum((a_ref[...] + b_ref[...]) / den
                                 + bias_ref[...], 0.0)

    return pl.pallas_call(
        body,
        grid=(m // bm,),
        in_specs=[pl.BlockSpec((bm, 32), lambda i: (i, 0)),
                  pl.BlockSpec((bm, 32), lambda i: (i, 0)),
                  pl.BlockSpec((bm, 16), lambda i: (i, 0)),
                  pl.BlockSpec((bm, 16), lambda i: (i, 0)),
                  pl.BlockSpec((16, 32), lambda i: (0, 0)),
                  pl.BlockSpec((1, 32), lambda i: (0, 0))],
        out_specs=pl.BlockSpec((bm, 32), lambda i: (i, 0)),
        out_shape=jax.ShapeDtypeStruct((m, 32), jnp.float32),
    )(a0, a1, d0, d1, r2, b2r)


def _pad_rows(a):
    return jnp.pad(a, ((0, NP2 - N), (0, 0)))


def kernel(x, edge_index, W1, att_src1, att_dst1, b1, W2, att_src2,
           att_dst2, b2):
    e = edge_index.shape[1]
    epr = e + N
    ep = ((epr + 2 * NTILES * CH - 1) // (2 * NTILES * CH)) * (2 * NTILES * CH)

    loop = jnp.arange(N, dtype=jnp.int32)
    padv = jnp.full((ep - epr,), DUMP, dtype=jnp.int32)
    srcp = jnp.concatenate([edge_index[0].astype(jnp.int32), loop, padv])
    dstp = jnp.concatenate([edge_index[1].astype(jnp.int32), loop, padv])

    eye8 = jnp.eye(HEADS, dtype=jnp.float32)
    as1 = (att_src1[0][:, :, None] * eye8[:, None, :]).reshape(HEADS * HID,
                                                               HEADS)
    ad1 = (att_dst1[0][:, :, None] * eye8[:, None, :]).reshape(HEADS * HID,
                                                               HEADS)
    as1 = jnp.pad(as1, ((0, 0), (0, 16 - HEADS)))
    ad1 = jnp.pad(ad1, ((0, 0), (0, 16 - HEADS)))
    w1cat = jnp.concatenate([W1, W1 @ as1, W1 @ ad1], axis=1)

    as2 = jnp.pad(att_src2[0].reshape(HID, 1), ((0, 0), (0, 15)))
    ad2 = jnp.pad(att_dst2[0].reshape(HID, 1), ((0, 0), (0, 15)))
    w2cat = jnp.concatenate([W2, W2 @ as2, W2 @ ad2], axis=1)

    r1 = (jnp.arange(16, dtype=jnp.int32)[:, None]
          == (jnp.arange(256, dtype=jnp.int32) // HID)[None, :]
          ).astype(jnp.float32)
    r2 = jnp.concatenate([jnp.ones((1, 32), jnp.float32),
                          jnp.zeros((15, 32), jnp.float32)])

    zg128 = jnp.zeros((NP2, 128), jnp.float32)
    zg32 = jnp.zeros((NP2, 32), jnp.float32)
    z16 = jnp.zeros((NP2, 16), jnp.float32)

    o1 = _matmul(x, w1cat, 400)
    hg0 = _pad_rows(o1[:, :128])
    hg1 = _pad_rows(o1[:, 128:256])
    ta1 = _pad_rows(o1[:, 256:272])
    td1 = _pad_rows(o1[:, 272:288])

    lanes0 = [v // 2 for v in range(8)]
    lanes1 = [4 + v // 2 for v in range(8)]
    acc0, den1, w1 = _edge_pass(hg0, ta1, td1, srcp, dstp, zg128, z16,
                                128, lanes0, True, ep, w_mode="emit")
    (acc1,) = _edge_pass(hg1, ta1, td1, srcp, dstp, zg128, z16,
                         128, lanes1, False, ep, w_mode="reuse", w_arr=w1)

    o2 = _l2_project(acc0[:N], acc0[NP2:NP2 + N],
                     acc1[:N], acc1[NP2:NP2 + N],
                     den1[:N], den1[NP2:NP2 + N],
                     r1, b1.reshape(1, -1), w2cat, 400)
    h2 = _pad_rows(o2[:, :32])
    ta2 = _pad_rows(o2[:, 32:48])
    td2 = _pad_rows(o2[:, 48:64])

    acc2, den2 = _edge_pass(h2, ta2, td2, srcp, dstp, zg32, z16,
                            32, [0, 0], True, ep)

    return _final(acc2[:N], acc2[NP2:NP2 + N],
                  den2[:N], den2[NP2:NP2 + N],
                  r2, b2.reshape(1, -1), 400)

# --- scband reference (transcript-rebuilt; emitter-appended) ---
"""Pipeline reference for scband-task-gnn-62500364091967 (READ-ONLY COPY).

The authoritative reference and input builder live on the scoring server;
editing this copy changes nothing except your own understanding.
"""

import jax, jax.numpy as jnp
import numpy as np

N = 10000
E = 320000
IN_DIM = 128
HID = 32
HEADS = 8


def setup_inputs(seed: int = 0) -> dict:
    key = jax.random.key(seed)
    ks = jax.random.split(key, 12)
    x = jax.random.normal(ks[0], (N, IN_DIM), dtype=jnp.float32)
    edge_index = jax.random.randint(ks[1], (2, E), 0, N)
    W1 = jax.random.normal(ks[2], (IN_DIM, HEADS * HID), dtype=jnp.float32) * 0.1
    att_src1 = jax.random.normal(ks[3], (1, HEADS, HID), dtype=jnp.float32) * 0.1
    att_dst1 = jax.random.normal(ks[4], (1, HEADS, HID), dtype=jnp.float32) * 0.1
    b1 = jnp.zeros((HEADS * HID,), dtype=jnp.float32)
    W2 = jax.random.normal(ks[5], (HEADS * HID, HID), dtype=jnp.float32) * 0.1
    att_src2 = jax.random.normal(ks[6], (1, 1, HID), dtype=jnp.float32) * 0.1
    att_dst2 = jax.random.normal(ks[7], (1, 1, HID), dtype=jnp.float32) * 0.1
    b2 = jnp.zeros((HID,), dtype=jnp.float32)
    return {"x": x, "edge_index": edge_index, "W1": W1, "att_src1": att_src1,
            "att_dst1": att_dst1, "b1": b1, "W2": W2, "att_src2": att_src2,
            "att_dst2": att_dst2, "b2": b2}


def _gat_layer(x, edge_index, W, att_src, att_dst, bias, heads, out_ch):
    n = x.shape[0]
    # PyG GATConv default: add self loops
    loop = jnp.arange(n, dtype=edge_index.dtype)
    src = jnp.concatenate([edge_index[0], loop])
    dst = jnp.concatenate([edge_index[1], loop])
    h = (x @ W).reshape(n, heads, out_ch)                 # [N, H, C]
    a_src = (h * att_src).sum(-1)                          # [N, H]
    a_dst = (h * att_dst).sum(-1)                          # [N, H]
    alpha = a_src[src] + a_dst[dst]                        # [E', H]
    alpha = jax.nn.leaky_relu(alpha, negative_slope=0.2)
    # softmax over incoming edges of each dst node
    amax = jax.ops.segment_max(alpha, dst, num_segments=n)
    amax = jnp.where(jnp.isfinite(amax), amax, 0.0)
    ex = jnp.exp(alpha - amax[dst])
    denom = jax.ops.segment_sum(ex, dst, num_segments=n)
    coef = ex / (denom[dst] + 1e-16)                       # [E', H]
    msg = h[src] * coef[..., None]                         # [E', H, C]
    out = jax.ops.segment_sum(msg, dst, num_segments=n)    # [N, H, C]
    out = out.reshape(n, heads * out_ch)
    return out + bias


def reference(x, edge_index, W1, att_src1, att_dst1, b1, W2, att_src2, att_dst2, b2):
    h = _gat_layer(x, edge_index, W1, att_src1, att_dst1, b1, HEADS, HID)
    h = jax.nn.relu(h)
    # dropout is identity in eval mode
    out = _gat_layer(h, edge_index, W2, att_src2, att_dst2, b2, 1, HID)
    return jax.nn.relu(out)

if __name__ == "__main__":
    import jax
    _d = setup_inputs()
    print(jax.jit(kernel)(*tuple(_d.values())))

</pallas_src>

<mosaic_0001>
#map = affine_map<(d0, d1) -> (0, 0)>
#map1 = affine_map<(d0, d1) -> (0)>
module attributes {stable_mosaic.version = 14 : i64} {
  func.func @body(%arg0: i32, %arg1: i32, %arg2: memref<10112x128xf32, #tpu.memory_space<hbm>>, %arg3: memref<10112x16xf32, #tpu.memory_space<hbm>>, %arg4: memref<10112x16xf32, #tpu.memory_space<hbm>>, %arg5: memref<335872xi32, #tpu.memory_space<hbm>>, %arg6: memref<335872xi32, #tpu.memory_space<hbm>>, %arg7: memref<10112x128xf32, #tpu.memory_space<hbm>>, %arg8: memref<10112x16xf32, #tpu.memory_space<hbm>>, %arg9: memref<335872x16xf32, #tpu.memory_space<hbm>>, %arg10: memref<20224x128xf32, #tpu.memory_space<hbm>>, %arg11: memref<128xi32, #tpu.memory_space<vmem>>, %arg12: memref<128xi32, #tpu.memory_space<vmem>>, %arg13: memref<128xi32, #tpu.memory_space<vmem>>, %arg14: memref<128xi32, #tpu.memory_space<vmem>>, %arg15: memref<128x16xf32, #tpu.memory_space<vmem>>, %arg16: memref<128x16xf32, #tpu.memory_space<vmem>>, %arg17: memref<128x16xf32, #tpu.memory_space<vmem>>, %arg18: memref<128x128xf32, #tpu.memory_space<vmem>>, %arg19: memref<128x128xf32, #tpu.memory_space<vmem>>, %arg20: memref<10112x128xf32, #tpu.memory_space<vmem_shared>>, %arg21: memref<10112x16xf32, #tpu.memory_space<vmem_shared>>, %arg22: memref<!tpu.dma_semaphore, #tpu.memory_space<semaphore_mem>>, %arg23: memref<!tpu.dma_semaphore, #tpu.memory_space<semaphore_mem>>, %arg24: memref<!tpu.dma_semaphore, #tpu.memory_space<semaphore_mem>>, %arg25: memref<!tpu.dma_semaphore, #tpu.memory_space<semaphore_mem>>, %arg26: memref<!tpu.dma_semaphore, #tpu.memory_space<semaphore_mem>>, %arg27: memref<!tpu.dma_semaphore, #tpu.memory_space<semaphore_mem>>) attributes {dimension_semantics = [#tpu.dimension_semantics<core_parallel>, #tpu.dimension_semantics<subcore_parallel>], iteration_bounds = array<i64: 2, 16>, scalar_prefetch = 0 : i64, scratch_operands = 17 : i64, tpu.core_type = #tpu.core_type<sc_vector_subcore>, window_params = [{transform_indices = #map}, {transform_indices = #map}, {transform_indices = #map}, {transform_indices = #map1}, {transform_indices = #map1}, {transform_indices = #map}, {transform_indices = #map}, {transform_indices = #map}, {transform_indices = #map}]} {
    %mul3A = arith.constant 16 : i32
    %mul3A_0 = arith.muli %arg0, %mul3A : i32
    %add3A = arith.addi %mul3A_0, %arg1 : i32
    %mul3A_1 = arith.constant 632 : i32
    %mul3A_2 = arith.muli %arg1, %mul3A_1 : i32
    "tpu.region"() ({
      %run_scoped3A = tpu.sem_alloc : memref<!tpu.dma_semaphore, #tpu.memory_space<semaphore_mem>>
      %dma_start3A_34 = arith.constant 0 : i32
      %dma_start3A_35 = tpu.memref_slice %arg20[%mul3A_2, %dma_start3A_34] : memref<10112x128xf32, #tpu.memory_space<vmem_shared>> -> memref<632x128xf32, #tpu.memory_space<vmem_shared>>
      %dma_start3A_36 = arith.constant 0 : i32
      %dma_start3A_37 = tpu.memref_slice %arg7[%mul3A_2, %dma_start3A_36] : memref<10112x128xf32, #tpu.memory_space<hbm>> -> memref<632x128xf32, #tpu.memory_space<hbm>>
      tpu.enqueue_dma source(%dma_start3A_37 : memref<632x128xf32, #tpu.memory_space<hbm>>) target(%dma_start3A_35 : memref<632x128xf32, #tpu.memory_space<vmem_shared>>) target_semaphore(%run_scoped3A : memref<!tpu.dma_semaphore, #tpu.memory_space<semaphore_mem>>)
      %dma_wait3A = arith.constant 0 : i32
      %dma_wait3A_38 = tpu.memref_slice %arg20[%mul3A_2, %dma_wait3A] : memref<10112x128xf32, #tpu.memory_space<vmem_shared>> -> memref<632x128xf32, #tpu.memory_space<vmem_shared>>
      %dma_wait3A_39 = arith.constant 0 : i32
      %dma_wait3A_40 = tpu.memref_slice %arg7[%mul3A_2, %dma_wait3A_39] : memref<10112x128xf32, #tpu.memory_space<hbm>> -> memref<632x128xf32, #tpu.memory_space<hbm>>
      tpu.wait_dma2 semaphore(%run_scoped3A : memref<!tpu.dma_semaphore, #tpu.memory_space<semaphore_mem>>) src(%dma_wait3A_40 : memref<632x128xf32, #tpu.memory_space<hbm>>) dst(%dma_wait3A_38 : memref<632x128xf32, #tpu.memory_space<vmem_shared>>)
      tpu.yield
    }) : () -> ()
    %barrier3A = arith.constant 0 : index
    tpu.barrier barrier_id(%barrier3A)
    %add3A_3 = arith.constant 0 : i32
    %add3A_4 = arith.addi %add3A_3, %add3A : i32
    %mul3A_5 = arith.constant 128 : i32
    %mul3A_6 = arith.muli %add3A_4, %mul3A_5 : i32
    "tpu.region"() ({
      %run_scoped3A = tpu.sem_alloc : memref<!tpu.dma_semaphore, #tpu.memory_space<semaphore_mem>>
      %dma_start3A_34 = tpu.memref_slice %arg5[%mul3A_6] : memref<335872xi32, #tpu.memory_space<hbm>> -> memref<128xi32, #tpu.memory_space<hbm>>
      %dma_start3A_35 = tpu.memref_slice %arg5[%mul3A_6] : memref<335872xi32, #tpu.memory_space<hbm>> -> memref<128xi32, #tpu.memory_space<hbm>>
      tpu.enqueue_dma source(%dma_start3A_35 : memref<128xi32, #tpu.memory_space<hbm>>) target(%arg11 : memref<128xi32, #tpu.memory_space<vmem>>) target_semaphore(%run_scoped3A : memref<!tpu.dma_semaphore, #tpu.memory_space<semaphore_mem>>)
      %dma_wait3A = tpu.memref_slice %arg5[%mul3A_6] : memref<335872xi32, #tpu.memory_space<hbm>> -> memref<128xi32, #tpu.memory_space<hbm>>
      %dma_wait3A_36 = tpu.memref_slice %arg5[%mul3A_6] : memref<335872xi32, #tpu.memory_space<hbm>> -> memref<128xi32, #tpu.memory_space<hbm>>
      tpu.wait_dma2 semaphore(%run_scoped3A : memref<!tpu.dma_semaphore, #tpu.memory_space<semaphore_mem>>) src(%dma_wait3A_36 : memref<128xi32, #tpu.memory_space<hbm>>) dst(%arg11 : memref<128xi32, #tpu.memory_space<vmem>>)
      tpu.yield
    }) : () -> ()
    "tpu.region"() ({
      %run_scoped3A = tpu.sem_alloc : memref<!tpu.dma_semaphore, #tpu.memory_space<semaphore_mem>>
      %dma_start3A_34 = tpu.memref_slice %arg6[%mul3A_6] : memref<335872xi32, #tpu.memory_space<hbm>> -> memref<128xi32, #tpu.memory_space<hbm>>
      %dma_start3A_35 = tpu.memref_slice %arg6[%mul3A_6] : memref<335872xi32, #tpu.memory_space<hbm>> -> memref<128xi32, #tpu.memory_space<hbm>>
      tpu.enqueue_dma source(%dma_start3A_35 : memref<128xi32, #tpu.memory_space<hbm>>) target(%arg13 : memref<128xi32, #tpu.memory_space<vmem>>) target_semaphore(%run_scoped3A : memref<!tpu.dma_semaphore, #tpu.memory_space<semaphore_mem>>)
      %dma_wait3A = tpu.memref_slice %arg6[%mul3A_6] : memref<335872xi32, #tpu.memory_space<hbm>> -> memref<128xi32, #tpu.memory_space<hbm>>
      %dma_wait3A_36 = tpu.memref_slice %arg6[%mul3A_6] : memref<335872xi32, #tpu.memory_space<hbm>> -> memref<128xi32, #tpu.memory_space<hbm>>
      tpu.wait_dma2 semaphore(%run_scoped3A : memref<!tpu.dma_semaphore, #tpu.memory_space<semaphore_mem>>) src(%dma_wait3A_36 : memref<128xi32, #tpu.memory_space<hbm>>) dst(%arg13 : memref<128xi32, #tpu.memory_space<vmem>>)
      tpu.yield
    }) : () -> ()
    %add3A_7 = arith.constant 0 : i32
    %add3A_8 = arith.addi %add3A_7, %add3A : i32
    %mul3A_9 = arith.constant 128 : i32
    %mul3A_10 = arith.muli %add3A_8, %mul3A_9 : i32
    %dma_start3A = arith.constant 0 : i32
    %dma_start3A_11 = tpu.memref_slice %arg9[%mul3A_10, %dma_start3A] : memref<335872x16xf32, #tpu.memory_space<hbm>> -> memref<128x16xf32, #tpu.memory_space<hbm>>
    %dma_start3A_12 = arith.constant 0 : i32
    %dma_start3A_13 = tpu.memref_slice %arg9[%mul3A_10, %dma_start3A_12] : memref<335872x16xf32, #tpu.memory_space<hbm>> -> memref<128x16xf32, #tpu.memory_space<hbm>>
    tpu.enqueue_dma source(%dma_start3A_13 : memref<128x16xf32, #tpu.memory_space<hbm>>) target(%arg17 : memref<128x16xf32, #tpu.memory_space<vmem>>) target_semaphore(%arg27 : memref<!tpu.dma_semaphore, #tpu.memory_space<semaphore_mem>>)
    %dma_start3A_14 = arith.constant 0 : i32
    %dma_start3A_15 = arith.constant 0 : i32
    %dma_start3A_16 = tpu.memref_slice %arg2[%dma_start3A_14, %dma_start3A_15] : memref<10112x128xf32, #tpu.memory_space<hbm>> -> memref<10112x128xf32, #tpu.memory_space<hbm>>
    tpu.enqueue_indirect_dma source(%dma_start3A_16 : memref<10112x128xf32, #tpu.memory_space<hbm>>) target(%arg18 : memref<128x128xf32, #tpu.memory_space<vmem>>) offsets(%arg11 : memref<128xi32, #tpu.memory_space<vmem>>) semaphore(%arg24 : memref<!tpu.dma_semaphore, #tpu.memory_space<semaphore_mem>>)
    %add3A_17 = arith.constant 32 : i32
    %add3A_18 = arith.addi %add3A_17, %add3A : i32
    %mul3A_19 = arith.constant 128 : i32
    %mul3A_20 = arith.muli %add3A_18, %mul3A_19 : i32
    %dma_start3A_21 = tpu.memref_slice %arg5[%mul3A_20] : memref<335872xi32, #tpu.memory_space<hbm>> -> memref<128xi32, #tpu.memory_space<hbm>>
    %dma_start3A_22 = tpu.memref_slice %arg5[%mul3A_20] : memref<335872xi32, #tpu.memory_space<hbm>> -> memref<128xi32, #tpu.memory_space<hbm>>
    tpu.enqueue_dma source(%dma_start3A_22 : memref<128xi32, #tpu.memory_space<hbm>>) target(%arg12 : memref<128xi32, #tpu.memory_space<vmem>>) target_semaphore(%arg23 : memref<!tpu.dma_semaphore, #tpu.memory_space<semaphore_mem>>)
    %dma_start3A_23 = tpu.memref_slice %arg6[%mul3A_20] : memref<335872xi32, #tpu.memory_space<hbm>> -> memref<128xi32, #tpu.memory_space<hbm>>
    %dma_start3A_24 = tpu.memref_slice %arg6[%mul3A_20] : memref<335872xi32, #tpu.memory_space<hbm>> -> memref<128xi32, #tpu.memory_space<hbm>>
    tpu.enqueue_dma source(%dma_start3A_24 : memref<128xi32, #tpu.memory_space<hbm>>) target(%arg14 : memref<128xi32, #tpu.memory_space<vmem>>) target_semaphore(%arg23 : memref<!tpu.dma_semaphore, #tpu.memory_space<semaphore_mem>>)
    %scan3A = arith.constant 0 : i32
    %scan3A_25 = arith.constant 0 : i32
    %scan3A_26 = arith.constant 41 : i32
    %scan3A_27 = arith.addi %scan3A_25, %scan3A_26 : i32
    %scan3A_28 = arith.constant 1 : i32
    scf.for %scan3A_34 = %scan3A_25 to %scan3A_27 step %scan3A_28  : i32 {
      %mul3A_35 = arith.constant 2 : i32
      %mul3A_36 = arith.muli %scan3A_34, %mul3A_35 : i32
      %add3A_37 = arith.constant 0 : i32
      %add3A_38 = arith.addi %mul3A_36, %add3A_37 : i32
      %mul3A_39 = arith.constant 32 : i32
      %mul3A_40 = arith.muli %add3A_38, %mul3A_39 : i32
      %add3A_41 = arith.addi %mul3A_40, %add3A : i32
      %mul3A_42 = arith.constant 128 : i32
      %mul3A_43 = arith.muli %add3A_41, %mul3A_42 : i32
      %dma_wait3A = arith.constant 0 : i32
      %dma_wait3A_44 = tpu.memref_slice %arg9[%mul3A_43, %dma_wait3A] : memref<335872x16xf32, #tpu.memory_space<hbm>> -> memref<128x16xf32, #tpu.memory_space<hbm>>
      %dma_wait3A_45 = arith.constant 0 : i32
      %dma_wait3A_46 = tpu.memref_slice %arg9[%mul3A_43, %dma_wait3A_45] : memref<335872x16xf32, #tpu.memory_space<hbm>> -> memref<128x16xf32, #tpu.memory_space<hbm>>
      tpu.wait_dma2 semaphore(%arg27 : memref<!tpu.dma_semaphore, #tpu.memory_space<semaphore_mem>>) src(%dma_wait3A_46 : memref<128x16xf32, #tpu.memory_space<hbm>>) dst(%arg17 : memref<128x16xf32, #tpu.memory_space<vmem>>)
      %add3A_47 = arith.constant 1 : i32
      %add3A_48 = arith.addi %add3A_38, %add3A_47 : i32
      %lt3A = arith.constant 82 : i32
      %lt3A_49 = arith.cmpi slt, %add3A_48, %lt3A : i32
      %convert_element_type3A = arith.extui %lt3A_49 : i1 to i32
      %cond3A = arith.constant 0 : i32
      %cond3A_50 = arith.cmpi ne, %convert_element_type3A, %cond3A : i32
      scf.if %cond3A_50 {
        %mul3A_117 = arith.constant 10496 : i32
        %mul3A_118 = arith.muli %add3A, %mul3A_117 : i32
        %dma_wait3A_119 = tpu.memref_slice %arg5[%mul3A_118] : memref<335872xi32, #tpu.memory_space<hbm>> -> memref<128xi32, #tpu.memory_space<hbm>>
        %dma_wait3A_120 = tpu.memref_slice %arg5[%mul3A_118] : memref<335872xi32, #tpu.memory_space<hbm>> -> memref<128xi32, #tpu.memory_space<hbm>>
        tpu.wait_dma2 semaphore(%arg23 : memref<!tpu.dma_semaphore, #tpu.memory_space<semaphore_mem>>) src(%dma_wait3A_120 : memref<128xi32, #tpu.memory_space<hbm>>) dst(%arg12 : memref<128xi32, #tpu.memory_space<vmem>>)
        %dma_wait3A_121 = tpu.memref_slice %arg6[%mul3A_118] : memref<335872xi32, #tpu.memory_space<hbm>> -> memref<128xi32, #tpu.memory_space<hbm>>
        %dma_wait3A_122 = tpu.memref_slice %arg6[%mul3A_118] : memref<335872xi32, #tpu.memory_space<hbm>> -> memref<128xi32, #tpu.memory_space<hbm>>
        tpu.wait_dma2 semaphore(%arg23 : memref<!tpu.dma_semaphore, #tpu.memory_space<semaphore_mem>>) src(%dma_wait3A_122 : memref<128xi32, #tpu.memory_space<hbm>>) dst(%arg14 : memref<128xi32, #tpu.memory_space<vmem>>)
        %dma_start3A_123 = arith.constant 0 : i32
        %dma_start3A_124 = arith.constant 0 : i32
        %dma_start3A_125 = tpu.memref_slice %arg2[%dma_start3A_123, %dma_start3A_124] : memref<10112x128xf32, #tpu.memory_space<hbm>> -> memref<10112x128xf32, #tpu.memory_space<hbm>>
        tpu.enqueue_indirect_dma source(%dma_start3A_125 : memref<10112x128xf32, #tpu.memory_space<hbm>>) target(%arg19 : memref<128x128xf32, #tpu.memory_space<vmem>>) offsets(%arg12 : memref<128xi32, #tpu.memory_space<vmem>>) semaphore(%arg25 : memref<!tpu.dma_semaphore, #tpu.memory_space<semaphore_mem>>)
      } else {
      }
      %dma_wait3A_51 = arith.constant 0 : i32
      %dma_wait3A_52 = arith.constant 0 : i32
      %dma_wait3A_53 = tpu.memref_slice %arg2[%dma_wait3A_51, %dma_wait3A_52] : memref<10112x128xf32, #tpu.memory_space<hbm>> -> memref<10112x128xf32, #tpu.memory_space<hbm>>
      tpu.wait_indirect_dma semaphore(%arg24 : memref<!tpu.dma_semaphore, #tpu.memory_space<semaphore_mem>>) src(%dma_wait3A_53 : memref<10112x128xf32, #tpu.memory_space<hbm>>) dst(%arg18 : memref<128x128xf32, #tpu.memory_space<vmem>>)
      %scan3A_54 = arith.constant 0 : i32
      %scan3A_55 = arith.constant 0 : i32
      %scan3A_56 = arith.constant 128 : i32
      %scan3A_57 = arith.addi %scan3A_55, %scan3A_56 : i32
      %scan3A_58 = arith.constant 1 : i32
      scf.for %scan3A_117 = %scan3A_55 to %scan3A_57 step %scan3A_58  : i32 {
        %get3A = arith.index_cast %scan3A_117 : i32 to index
        %get3A_118 = arith.constant 0 : index
        %get3A_119 = tpu.vector_load %arg17[%get3A, %get3A_118] {strides = array<i32>} : memref<128x16xf32, #tpu.memory_space<vmem>>, vector<1x16xf32>,
        %get3A_120 = vector.shape_cast %get3A_119 : vector<1x16xf32> to vector<16xf32>
        %slice3A = vector.extract_strided_slice %get3A_120 {offsets = [4], sizes = [1], strides = [1]} : vector<16xf32> to vector<1xf32>
        %squeeze3A = vector.extract %slice3A[0] : f32 from vector<1xf32>
        %get3A_121 = arith.index_cast %scan3A_117 : i32 to index
        %get3A_122 = arith.constant 0 : index
        %get3A_123 = tpu.vector_load %arg18[%get3A_121, %get3A_122] {strides = array<i32>} : memref<128x128xf32, #tpu.memory_space<vmem>>, vector<1x16xf32>,
        %get3A_124 = vector.shape_cast %get3A_123 : vector<1x16xf32> to vector<16xf32>
        %mul3A_125 = vector.broadcast %squeeze3A : f32 to vector<16xf32>
        %mul3A_126 = arith.mulf %get3A_124, %mul3A_125 : vector<16xf32>
        %swap3A = arith.index_cast %scan3A_117 : i32 to index
        %swap3A_127 = arith.constant 0 : index
        %swap3A_128 = tpu.vector_load %arg18[%swap3A, %swap3A_127] {strides = array<i32>} : memref<128x128xf32, #tpu.memory_space<vmem>>, vector<1x16xf32>,
        %swap3A_129 = vector.shape_cast %swap3A_128 : vector<1x16xf32> to vector<16xf32>
        %swap3A_130 = vector.shape_cast %mul3A_126 : vector<16xf32> to vector<1x16xf32>
        tpu.vector_store %arg18[%swap3A, %swap3A_127], %swap3A_130 {strides = array<i32>} : memref<128x128xf32, #tpu.memory_space<vmem>>, vector<1x16xf32>,
        %slice3A_131 = vector.extract_strided_slice %get3A_120 {offsets = [4], sizes = [1], strides = [1]} : vector<16xf32> to vector<1xf32>
        %squeeze3A_132 = vector.extract %slice3A_131[0] : f32 from vector<1xf32>
        %get3A_133 = arith.index_cast %scan3A_117 : i32 to index
        %get3A_134 = arith.constant 16 : index
        %get3A_135 = tpu.vector_load %arg18[%get3A_133, %get3A_134] {strides = array<i32>} : memref<128x128xf32, #tpu.memory_space<vmem>>, vector<1x16xf32>,
        %get3A_136 = vector.shape_cast %get3A_135 : vector<1x16xf32> to vector<16xf32>
        %mul3A_137 = vector.broadcast %squeeze3A_132 : f32 to vector<16xf32>
        %mul3A_138 = arith.mulf %get3A_136, %mul3A_137 : vector<16xf32>
        %swap3A_139 = arith.index_cast %scan3A_117 : i32 to index
        %swap3A_140 = arith.constant 16 : index
        %swap3A_141 = tpu.vector_load %arg18[%swap3A_139, %swap3A_140] {strides = array<i32>} : memref<128x128xf32, #tpu.memory_space<vmem>>, vector<1x16xf32>,
        %swap3A_142 = vector.shape_cast %swap3A_141 : vector<1x16xf32> to vector<16xf32>
        %swap3A_143 = vector.shape_cast %mul3A_138 : vector<16xf32> to vector<1x16xf32>
        tpu.vector_store %arg18[%swap3A_139, %swap3A_140], %swap3A_143 {strides = array<i32>} : memref<128x128xf32, #tpu.memory_space<vmem>>, vector<1x16xf32>,
        %slice3A_144 = vector.extract_strided_slice %get3A_120 {offsets = [5], sizes = [1], strides = [1]} : vector<16xf32> to vector<1xf32>
        %squeeze3A_145 = vector.extract %slice3A_144[0] : f32 from vector<1xf32>
        %get3A_146 = arith.index_cast %scan3A_117 : i32 to index
        %get3A_147 = arith.constant 32 : index
        %get3A_148 = tpu.vector_load %arg18[%get3A_146, %get3A_147] {strides = array<i32>} : memref<128x128xf32, #tpu.memory_space<vmem>>, vector<1x16xf32>,
        %get3A_149 = vector.shape_cast %get3A_148 : vector<1x16xf32> to vector<16xf32>
        %mul3A_150 = vector.broadcast %squeeze3A_145 : f32 to vector<16xf32>
        %mul3A_151 = arith.mulf %get3A_149, %mul3A_150 : vector<16xf32>
        %swap3A_152 = arith.index_cast %scan3A_117 : i32 to index
        %swap3A_153 = arith.constant 32 : index
        %swap3A_154 = tpu.vector_load %arg18[%swap3A_152, %swap3A_153] {strides = array<i32>} : memref<128x128xf32, #tpu.memory_space<vmem>>, vector<1x16xf32>,
        %swap3A_155 = vector.shape_cast %swap3A_154 : vector<1x16xf32> to vector<16xf32>
        %swap3A_156 = vector.shape_cast %mul3A_151 : vector<16xf32> to vector<1x16xf32>
        tpu.vector_store %arg18[%swap3A_152, %swap3A_153], %swap3A_156 {strides = array<i32>} : memref<128x128xf32, #tpu.memory_space<vmem>>, vector<1x16xf32>,
        %slice3A_157 = vector.extract_strided_slice %get3A_120 {offsets = [5], sizes = [1], strides = [1]} : vector<16xf32> to vector<1xf32>
        %squeeze3A_158 = vector.extract %slice3A_157[0] : f32 from vector<1xf32>
        %get3A_159 = arith.index_cast %scan3A_117 : i32 to index
        %get3A_160 = arith.constant 48 : index
        %get3A_161 = tpu.vector_load %arg18[%get3A_159, %get3A_160] {strides = array<i32>} : memref<128x128xf32, #tpu.memory_space<vmem>>, vector<1x16xf32>,
        %get3A_162 = vector.shape_cast %get3A_161 : vector<1x16xf32> to vector<16xf32>
        %mul3A_163 = vector.broadcast %squeeze3A_158 : f32 to vector<16xf32>
        %mul3A_164 = arith.mulf %get3A_162, %mul3A_163 : vector<16xf32>
        %swap3A_165 = arith.index_cast %scan3A_117 : i32 to index
        %swap3A_166 = arith.constant 48 : index
        %swap3A_167 = tpu.vector_load %arg18[%swap3A_165, %swap3A_166] {strides = array<i32>} : memref<128x128xf32, #tpu.memory_space<vmem>>, vector<1x16xf32>,
        %swap3A_168 = vector.shape_cast %swap3A_167 : vector<1x16xf32> to vector<16xf32>
        %swap3A_169 = vector.shape_cast %mul3A_164 : vector<16xf32> to vector<1x16xf32>
        tpu.vector_store %arg18[%swap3A_165, %swap3A_166], %swap3A_169 {strides = array<i32>} : memref<128x128xf32, #tpu.memory_space<vmem>>, vector<1x16xf32>,
        %slice3A_170 = vector.extract_strided_slice %get3A_120 {offsets = [6], sizes = [1], strides = [1]} : vector<16xf32> to vector<1xf32>
        %squeeze3A_171 = vector.extract %slice3A_170[0] : f32 from vector<1xf32>
        %get3A_172 = arith.index_cast %scan3A_117 : i32 to index
        %get3A_173 = arith.constant 64 : index
        %get3A_174 = tpu.vector_load %arg18[%get3A_172, %get3A_173] {strides = array<i32>} : memref<128x128xf32, #tpu.memory_space<vmem>>, vector<1x16xf32>,
        %get3A_175 = vector.shape_cast %get3A_174 : vector<1x16xf32> to vector<16xf32>
        %mul3A_176 = vector.broadcast %squeeze3A_171 : f32 to vector<16xf32>
        %mul3A_177 = arith.mulf %get3A_175, %mul3A_176 : vector<16xf32>
        %swap3A_178 = arith.index_cast %scan3A_117 : i32 to index
        %swap3A_179 = arith.constant 64 : index
        %swap3A_180 = tpu.vector_load %arg18[%swap3A_178, %swap3A_179] {strides = array<i32>} : memref<128x128xf32, #tpu.memory_space<vmem>>, vector<1x16xf32>,
        %swap3A_181 = vector.shape_cast %swap3A_180 : vector<1x16xf32> to vector<16xf32>
        %swap3A_182 = vector.shape_cast %mul3A_177 : vector<16xf32> to vector<1x16xf32>
        tpu.vector_store %arg18[%swap3A_178, %swap3A_179], %swap3A_182 {strides = array<i32>} : memref<128x128xf32, #tpu.memory_space<vmem>>, vector<1x16xf32>,
        %slice3A_183 = vector.extract_strided_slice %get3A_120 {offsets = [6], sizes = [1], strides = [1]} : vector<16xf32> to vector<1xf32>
        %squeeze3A_184 = vector.extract %slice3A_183[0] : f32 from vector<1xf32>
        %get3A_185 = arith.index_cast %scan3A_117 : i32 to index
        %get3A_186 = arith.constant 80 : index
        %get3A_187 = tpu.vector_load %arg18[%get3A_185, %get3A_186] {strides = array<i32>} : memref<128x128xf32, #tpu.memory_space<vmem>>, vector<1x16xf32>,
        %get3A_188 = vector.shape_cast %get3A_187 : vector<1x16xf32> to vector<16xf32>
        %mul3A_189 = vector.broadcast %squeeze3A_184 : f32 to vector<16xf32>
        %mul3A_190 = arith.mulf %get3A_188, %mul3A_189 : vector<16xf32>
        %swap3A_191 = arith.index_cast %scan3A_117 : i32 to index
        %swap3A_192 = arith.constant 80 : index
        %swap3A_193 = tpu.vector_load %arg18[%swap3A_191, %swap3A_192] {strides = array<i32>} : memref<128x128xf32, #tpu.memory_space<vmem>>, vector<1x16xf32>,
        %swap3A_194 = vector.shape_cast %swap3A_193 : vector<1x16xf32> to vector<16xf32>
        %swap3A_195 = vector.shape_cast %mul3A_190 : vector<16xf32> to vector<1x16xf32>
        tpu.vector_store %arg18[%swap3A_191, %swap3A_192], %swap3A_195 {strides = array<i32>} : memref<128x128xf32, #tpu.memory_space<vmem>>, vector<1x16xf32>,
        %slice3A_196 = vector.extract_strided_slice %get3A_120 {offsets = [7], sizes = [1], strides = [1]} : vector<16xf32> to vector<1xf32>
        %squeeze3A_197 = vector.extract %slice3A_196[0] : f32 from vector<1xf32>
        %get3A_198 = arith.index_cast %scan3A_117 : i32 to index
        %get3A_199 = arith.constant 96 : index
        %get3A_200 = tpu.vector_load %arg18[%get3A_198, %get3A_199] {strides = array<i32>} : memref<128x128xf32, #tpu.memory_space<vmem>>, vector<1x16xf32>,
        %get3A_201 = vector.shape_cast %get3A_200 : vector<1x16xf32> to vector<16xf32>
        %mul3A_202 = vector.broadcast %squeeze3A_197 : f32 to vector<16xf32>
        %mul3A_203 = arith.mulf %get3A_201, %mul3A_202 : vector<16xf32>
        %swap3A_204 = arith.index_cast %scan3A_117 : i32 to index
        %swap3A_205 = arith.constant 96 : index
        %swap3A_206 = tpu.vector_load %arg18[%swap3A_204, %swap3A_205] {strides = array<i32>} : memref<128x128xf32, #tpu.memory_space<vmem>>, vector<1x16xf32>,
        %swap3A_207 = vector.shape_cast %swap3A_206 : vector<1x16xf32> to vector<16xf32>
        %swap3A_208 = vector.shape_cast %mul3A_203 : vector<16xf32> to vector<1x16xf32>
        tpu.vector_store %arg18[%swap3A_204, %swap3A_205], %swap3A_208 {strides = array<i32>} : memref<128x128xf32, #tpu.memory_space<vmem>>, vector<1x16xf32>,
        %slice3A_209 = vector.extract_strided_slice %get3A_120 {offsets = [7], sizes = [1], strides = [1]} : vector<16xf32> to vector<1xf32>
        %squeeze3A_210 = vector.extract %slice3A_209[0] : f32 from vector<1xf32>
        %get3A_211 = arith.index_cast %scan3A_117 : i32 to index
        %get3A_212 = arith.constant 112 : index
        %get3A_213 = tpu.vector_load %arg18[%get3A_211, %get3A_212] {strides = array<i32>} : memref<128x128xf32, #tpu.memory_space<vmem>>, vector<1x16xf32>,
        %get3A_214 = vector.shape_cast %get3A_213 : vector<1x16xf32> to vector<16xf32>
        %mul3A_215 = vector.broadcast %squeeze3A_210 : f32 to vector<16xf32>
        %mul3A_216 = arith.mulf %get3A_214, %mul3A_215 : vector<16xf32>
        %swap3A_217 = arith.index_cast %scan3A_117 : i32 to index
        %swap3A_218 = arith.constant 112 : index
        %swap3A_219 = tpu.vector_load %arg18[%swap3A_217, %swap3A_218] {strides = array<i32>} : memref<128x128xf32, #tpu.memory_space<vmem>>, vector<1x16xf32>,
        %swap3A_220 = vector.shape_cast %swap3A_219 : vector<1x16xf32> to vector<16xf32>
        %swap3A_221 = vector.shape_cast %mul3A_216 : vector<16xf32> to vector<1x16xf32>
        tpu.vector_store %arg18[%swap3A_217, %swap3A_218], %swap3A_221 {strides = array<i32>} : memref<128x128xf32, #tpu.memory_space<vmem>>, vector<1x16xf32>,
      }
      %scan3A_59 = arith.constant 128 : i32
      "tpu.region"() ({
        %run_scoped3A = tpu.sem_alloc : memref<!tpu.dma_semaphore, #tpu.memory_space<semaphore_mem>>
        %dma_start3A_117 = arith.constant 0 : i32
        %dma_start3A_118 = arith.constant 0 : i32
        %dma_start3A_119 = tpu.memref_slice %arg20[%dma_start3A_117, %dma_start3A_118] : memref<10112x128xf32, #tpu.memory_space<vmem_shared>> -> memref<10112x128xf32, #tpu.memory_space<vmem_shared>>
        tpu.enqueue_indirect_dma source(%arg18 : memref<128x128xf32, #tpu.memory_space<vmem>>) target(%dma_start3A_119 : memref<10112x128xf32, #tpu.memory_space<vmem_shared>>) offsets(%arg13 : memref<128xi32, #tpu.memory_space<vmem>>) semaphore(%run_scoped3A : memref<!tpu.dma_semaphore, #tpu.memory_space<semaphore_mem>>) {add = true}
        %dma_wait3A_120 = arith.constant 0 : i32
        %dma_wait3A_121 = arith.constant 0 : i32
        %dma_wait3A_122 = tpu.memref_slice %arg20[%dma_wait3A_120, %dma_wait3A_121] : memref<10112x128xf32, #tpu.memory_space<vmem_shared>> -> memref<10112x128xf32, #tpu.memory_space<vmem_shared>>
        tpu.wait_indirect_dma semaphore(%run_scoped3A : memref<!tpu.dma_semaphore, #tpu.memory_space<semaphore_mem>>) src(%arg18 : memref<128x128xf32, #tpu.memory_space<vmem>>) dst(%dma_wait3A_122 : memref<10112x128xf32, #tpu.memory_space<vmem_shared>>)
        tpu.yield
      }) : () -> ()
      %add3A_60 = arith.constant 1 : i32
      %add3A_61 = arith.addi %add3A_38, %add3A_60 : i32
      %lt3A_62 = arith.constant 82 : i32
      %lt3A_63 = arith.cmpi slt, %add3A_61, %lt3A_62 : i32
      %convert_element_type3A_64 = arith.extui %lt3A_63 : i1 to i32
      %cond3A_65 = arith.constant 0 : i32
      %cond3A_66 = arith.cmpi ne, %convert_element_type3A_64, %cond3A_65 : i32
      scf.if %cond3A_66 {
        %add3A_117 = arith.constant 1 : i32
        %add3A_118 = arith.addi %add3A_38, %add3A_117 : i32
        %mul3A_119 = arith.constant 32 : i32
        %mul3A_120 = arith.muli %add3A_118, %mul3A_119 : i32
        %add3A_121 = arith.addi %mul3A_120, %add3A : i32
        %mul3A_122 = arith.constant 128 : i32
        %mul3A_123 = arith.muli %add3A_121, %mul3A_122 : i32
        %dma_start3A_124 = arith.constant 0 : i32
        %dma_start3A_125 = tpu.memref_slice %arg9[%mul3A_123, %dma_start3A_124] : memref<335872x16xf32, #tpu.memory_space<hbm>> -> memref<128x16xf32, #tpu.memory_space<hbm>>
        %dma_start3A_126 = arith.constant 0 : i32
        %dma_start3A_127 = tpu.memref_slice %arg9[%mul3A_123, %dma_start3A_126] : memref<335872x16xf32, #tpu.memory_space<hbm>> -> memref<128x16xf32, #tpu.memory_space<hbm>>
        tpu.enqueue_dma source(%dma_start3A_127 : memref<128x16xf32, #tpu.memory_space<hbm>>) target(%arg17 : memref<128x16xf32, #tpu.memory_space<vmem>>) target_semaphore(%arg27 : memref<!tpu.dma_semaphore, #tpu.memory_space<semaphore_mem>>)
      } else {
      }
      %add3A_67 = arith.constant 2 : i32
      %add3A_68 = arith.addi %add3A_38, %add3A_67 : i32
      %lt3A_69 = arith.constant 82 : i32
      %lt3A_70 = arith.cmpi slt, %add3A_68, %lt3A_69 : i32
      %convert_element_type3A_71 = arith.extui %lt3A_70 : i1 to i32
      %cond3A_72 = arith.constant 0 : i32
      %cond3A_73 = arith.cmpi ne, %convert_element_type3A_71, %cond3A_72 : i32
      scf.if %cond3A_73 {
        %add3A_117 = arith.constant 2 : i32
        %add3A_118 = arith.addi %add3A_38, %add3A_117 : i32
        %mul3A_119 = arith.constant 32 : i32
        %mul3A_120 = arith.muli %add3A_118, %mul3A_119 : i32
        %add3A_121 = arith.addi %mul3A_120, %add3A : i32
        %mul3A_122 = arith.constant 128 : i32
        %mul3A_123 = arith.muli %add3A_121, %mul3A_122 : i32
        %dma_start3A_124 = tpu.memref_slice %arg5[%mul3A_123] : memref<335872xi32, #tpu.memory_space<hbm>> -> memref<128xi32, #tpu.memory_space<hbm>>
        %dma_start3A_125 = tpu.memref_slice %arg5[%mul3A_123] : memref<335872xi32, #tpu.memory_space<hbm>> -> memref<128xi32, #tpu.memory_space<hbm>>
        tpu.enqueue_dma source(%dma_start3A_125 : memref<128xi32, #tpu.memory_space<hbm>>) target(%arg11 : memref<128xi32, #tpu.memory_space<vmem>>) target_semaphore(%arg22 : memref<!tpu.dma_semaphore, #tpu.memory_space<semaphore_mem>>)
        %dma_start3A_126 = tpu.memref_slice %arg6[%mul3A_123] : memref<335872xi32, #tpu.memory_space<hbm>> -> memref<128xi32, #tpu.memory_space<hbm>>
        %dma_start3A_127 = tpu.memref_slice %arg6[%mul3A_123] : memref<335872xi32, #tpu.memory_space<hbm>> -> memref<128xi32, #tpu.memory_space<hbm>>
        tpu.enqueue_dma source(%dma_start3A_127 : memref<128xi32, #tpu.memory_space<hbm>>) target(%arg13 : memref<128xi32, #tpu.memory_space<vmem>>) target_semaphore(%arg22 : memref<!tpu.dma_semaphore, #tpu.memory_space<semaphore_mem>>)
      } else {
      }
      %mul3A_74 = arith.constant 2 : i32
      %mul3A_75 = arith.muli %scan3A_34, %mul3A_74 : i32
      %add3A_76 = arith.constant 1 : i32
      %add3A_77 = arith.addi %mul3A_75, %add3A_76 : i32
      %mul3A_78 = arith.constant 32 : i32
      %mul3A_79 = arith.muli %add3A_77, %mul3A_78 : i32
      %add3A_80 = arith.addi %mul3A_79, %add3A : i32
      %mul3A_81 = arith.constant 128 : i32
      %mul3A_82 = arith.muli %add3A_80, %mul3A_81 : i32
      %dma_wait3A_83 = arith.constant 0 : i32
      %dma_wait3A_84 = tpu.memref_slice %arg9[%mul3A_82, %dma_wait3A_83] : memref<335872x16xf32, #tpu.memory_space<hbm>> -> memref<128x16xf32, #tpu.memory_space<hbm>>
      %dma_wait3A_85 = arith.constant 0 : i32
      %dma_wait3A_86 = tpu.memref_slice %arg9[%mul3A_82, %dma_wait3A_85] : memref<335872x16xf32, #tpu.memory_space<hbm>> -> memref<128x16xf32, #tpu.memory_space<hbm>>
      tpu.wait_dma2 semaphore(%arg27 : memref<!tpu.dma_semaphore, #tpu.memory_space<semaphore_mem>>) src(%dma_wait3A_86 : memref<128x16xf32, #tpu.memory_space<hbm>>) dst(%arg17 : memref<128x16xf32, #tpu.memory_space<vmem>>)
      %add3A_87 = arith.constant 1 : i32
      %add3A_88 = arith.addi %add3A_77, %add3A_87 : i32
      %lt3A_89 = arith.constant 82 : i32
      %lt3A_90 = arith.cmpi slt, %add3A_88, %lt3A_89 : i32
      %convert_element_type3A_91 = arith.extui %lt3A_90 : i1 to i32
      %cond3A_92 = arith.constant 0 : i32
      %cond3A_93 = arith.cmpi ne, %convert_element_type3A_91, %cond3A_92 : i32
      scf.if %cond3A_93 {
        %mul3A_117 = arith.constant 10496 : i32
        %mul3A_118 = arith.muli %add3A, %mul3A_117 : i32
        %dma_wait3A_119 = tpu.memref_slice %arg5[%mul3A_118] : memref<335872xi32, #tpu.memory_space<hbm>> -> memref<128xi32, #tpu.memory_space<hbm>>
        %dma_wait3A_120 = tpu.memref_slice %arg5[%mul3A_118] : memref<335872xi32, #tpu.memory_space<hbm>> -> memref<128xi32, #tpu.memory_space<hbm>>
        tpu.wait_dma2 semaphore(%arg22 : memref<!tpu.dma_semaphore, #tpu.memory_space<semaphore_mem>>) src(%dma_wait3A_120 : memref<128xi32, #tpu.memory_space<hbm>>) dst(%arg11 : memref<128xi32, #tpu.memory_space<vmem>>)
        %dma_wait3A_121 = tpu.memref_slice %arg6[%mul3A_118] : memref<335872xi32, #tpu.memory_space<hbm>> -> memref<128xi32, #tpu.memory_space<hbm>>
        %dma_wait3A_122 = tpu.memref_slice %arg6[%mul3A_118] : memref<335872xi32, #tpu.memory_space<hbm>> -> memref<128xi32, #tpu.memory_space<hbm>>
        tpu.wait_dma2 semaphore(%arg22 : memref<!tpu.dma_semaphore, #tpu.memory_space<semaphore_mem>>) src(%dma_wait3A_122 : memref<128xi32, #tpu.memory_space<hbm>>) dst(%arg13 : memref<128xi32, #tpu.memory_space<vmem>>)
        %dma_start3A_123 = arith.constant 0 : i32
        %dma_start3A_124 = arith.constant 0 : i32
        %dma_start3A_125 = tpu.memref_slice %arg2[%dma_start3A_123, %dma_start3A_124] : memref<10112x128xf32, #tpu.memory_space<hbm>> -> memref<10112x128xf32, #tpu.memory_space<hbm>>
        tpu.enqueue_indirect_dma source(%dma_start3A_125 : memref<10112x128xf32, #tpu.memory_space<hbm>>) target(%arg18 : memref<128x128xf32, #tpu.memory_space<vmem>>) offsets(%arg11 : memref<128xi32, #tpu.memory_space<vmem>>) semaphore(%arg24 : memref<!tpu.dma_semaphore, #tpu.memory_space<semaphore_mem>>)
      } else {
      }
      %dma_wait3A_94 = arith.constant 0 : i32
      %dma_wait3A_95 = arith.constant 0 : i32
      %dma_wait3A_96 = tpu.memref_slice %arg2[%dma_wait3A_94, %dma_wait3A_95] : memref<10112x128xf32, #tpu.memory_space<hbm>> -> memref<10112x128xf32, #tpu.memory_space<hbm>>
      tpu.wait_indirect_dma semaphore(%arg25 : memref<!tpu.dma_semaphore, #tpu.memory_space<semaphore_mem>>) src(%dma_wait3A_96 : memref<10112x128xf32, #tpu.memory_space<hbm>>) dst(%arg19 : memref<128x128xf32, #tpu.memory_space<vmem>>)
      %scan3A_97 = arith.constant 0 : i32
      %scan3A_98 = arith.constant 0 : i32
      %scan3A_99 = arith.constant 128 : i32
      %scan3A_100 = arith.addi %scan3A_98, %scan3A_99 : i32
      %scan3A_101 = arith.constant 1 : i32
      scf.for %scan3A_117 = %scan3A_98 to %scan3A_100 step %scan3A_101  : i32 {
        %get3A = arith.index_cast %scan3A_117 : i32 to index
        %get3A_118 = arith.constant 0 : index
        %get3A_119 = tpu.vector_load %arg17[%get3A, %get3A_118] {strides = array<i32>} : memref<128x16xf32, #tpu.memory_space<vmem>>, vector<1x16xf32>,
        %get3A_120 = vector.shape_cast %get3A_119 : vector<1x16xf32> to vector<16xf32>
        %slice3A = vector.extract_strided_slice %get3A_120 {offsets = [4], sizes = [1], strides = [1]} : vector<16xf32> to vector<1xf32>
        %squeeze3A = vector.extract %slice3A[0] : f32 from vector<1xf32>
        %get3A_121 = arith.index_cast %scan3A_117 : i32 to index
        %get3A_122 = arith.constant 0 : index
        %get3A_123 = tpu.vector_load %arg19[%get3A_121, %get3A_122] {strides = array<i32>} : memref<128x128xf32, #tpu.memory_space<vmem>>, vector<1x16xf32>,
        %get3A_124 = vector.shape_cast %get3A_123 : vector<1x16xf32> to vector<16xf32>
        %mul3A_125 = vector.broadcast %squeeze3A : f32 to vector<16xf32>
        %mul3A_126 = arith.mulf %get3A_124, %mul3A_125 : vector<16xf32>
        %swap3A = arith.index_cast %scan3A_117 : i32 to index
        %swap3A_127 = arith.constant 0 : index
        %swap3A_128 = tpu.vector_load %arg19[%swap3A, %swap3A_127] {strides = array<i32>} : memref<128x128xf32, #tpu.memory_space<vmem>>, vector<1x16xf32>,
        %swap3A_129 = vector.shape_cast %swap3A_128 : vector<1x16xf32> to vector<16xf32>
        %swap3A_130 = vector.shape_cast %mul3A_126 : vector<16xf32> to vector<1x16xf32>
        tpu.vector_store %arg19[%swap3A, %swap3A_127], %swap3A_130 {strides = array<i32>} : memref<128x128xf32, #tpu.memory_space<vmem>>, vector<1x16xf32>,
        %slice3A_131 = vector.extract_strided_slice %get3A_120 {offsets = [4], sizes = [1], strides = [1]} : vector<16xf32> to vector<1xf32>
        %squeeze3A_132 = vector.extract %slice3A_131[0] : f32 from vector<1xf32>
        %get3A_133 = arith.index_cast %scan3A_117 : i32 to index
        %get3A_134 = arith.constant 16 : index
        %get3A_135 = tpu.vector_load %arg19[%get3A_133, %get3A_134] {strides = array<i32>} : memref<128x128xf32, #tpu.memory_space<vmem>>, vector<1x16xf32>,
        %get3A_136 = vector.shape_cast %get3A_135 : vector<1x16xf32> to vector<16xf32>
        %mul3A_137 = vector.broadcast %squeeze3A_132 : f32 to vector<16xf32>
        %mul3A_138 = arith.mulf %get3A_136, %mul3A_137 : vector<16xf32>
        %swap3A_139 = arith.index_cast %scan3A_117 : i32 to index
        %swap3A_140 = arith.constant 16 : index
        %swap3A_141 = tpu.vector_load %arg19[%swap3A_139, %swap3A_140] {strides = array<i32>} : memref<128x128xf32, #tpu.memory_space<vmem>>, vector<1x16xf32>,
        %swap3A_142 = vector.shape_cast %swap3A_141 : vector<1x16xf32> to vector<16xf32>
        %swap3A_143 = vector.shape_cast %mul3A_138 : vector<16xf32> to vector<1x16xf32>
        tpu.vector_store %arg19[%swap3A_139, %swap3A_140], %swap3A_143 {strides = array<i32>} : memref<128x128xf32, #tpu.memory_space<vmem>>, vector<1x16xf32>,
        %slice3A_144 = vector.extract_strided_slice %get3A_120 {offsets = [5], sizes = [1], strides = [1]} : vector<16xf32> to vector<1xf32>
        %squeeze3A_145 = vector.extract %slice3A_144[0] : f32 from vector<1xf32>
        %get3A_146 = arith.index_cast %scan3A_117 : i32 to index
        %get3A_147 = arith.constant 32 : index
        %get3A_148 = tpu.vector_load %arg19[%get3A_146, %get3A_147] {strides = array<i32>} : memref<128x128xf32, #tpu.memory_space<vmem>>, vector<1x16xf32>,
        %get3A_149 = vector.shape_cast %get3A_148 : vector<1x16xf32> to vector<16xf32>
        %mul3A_150 = vector.broadcast %squeeze3A_145 : f32 to vector<16xf32>
        %mul3A_151 = arith.mulf %get3A_149, %mul3A_150 : vector<16xf32>
        %swap3A_152 = arith.index_cast %scan3A_117 : i32 to index
        %swap3A_153 = arith.constant 32 : index
        %swap3A_154 = tpu.vector_load %arg19[%swap3A_152, %swap3A_153] {strides = array<i32>} : memref<128x128xf32, #tpu.memory_space<vmem>>, vector<1x16xf32>,
        %swap3A_155 = vector.shape_cast %swap3A_154 : vector<1x16xf32> to vector<16xf32>
        %swap3A_156 = vector.shape_cast %mul3A_151 : vector<16xf32> to vector<1x16xf32>
        tpu.vector_store %arg19[%swap3A_152, %swap3A_153], %swap3A_156 {strides = array<i32>} : memref<128x128xf32, #tpu.memory_space<vmem>>, vector<1x16xf32>,
        %slice3A_157 = vector.extract_strided_slice %get3A_120 {offsets = [5], sizes = [1], strides = [1]} : vector<16xf32> to vector<1xf32>
        %squeeze3A_158 = vector.extract %slice3A_157[0] : f32 from vector<1xf32>
        %get3A_159 = arith.index_cast %scan3A_117 : i32 to index
        %get3A_160 = arith.constant 48 : index
        %get3A_161 = tpu.vector_load %arg19[%get3A_159, %get3A_160] {strides = array<i32>} : memref<128x128xf32, #tpu.memory_space<vmem>>, vector<1x16xf32>,
        %get3A_162 = vector.shape_cast %get3A_161 : vector<1x16xf32> to vector<16xf32>
        %mul3A_163 = vector.broadcast %squeeze3A_158 : f32 to vector<16xf32>
        %mul3A_164 = arith.mulf %get3A_162, %mul3A_163 : vector<16xf32>
        %swap3A_165 = arith.index_cast %scan3A_117 : i32 to index
        %swap3A_166 = arith.constant 48 : index
        %swap3A_167 = tpu.vector_load %arg19[%swap3A_165, %swap3A_166] {strides = array<i32>} : memref<128x128xf32, #tpu.memory_space<vmem>>, vector<1x16xf32>,
        %swap3A_168 = vector.shape_cast %swap3A_167 : vector<1x16xf32> to vector<16xf32>
        %swap3A_169 = vector.shape_cast %mul3A_164 : vector<16xf32> to vector<1x16xf32>
        tpu.vector_store %arg19[%swap3A_165, %swap3A_166], %swap3A_169 {strides = array<i32>} : memref<128x128xf32, #tpu.memory_space<vmem>>, vector<1x16xf32>,
        %slice3A_170 = vector.extract_strided_slice %get3A_120 {offsets = [6], sizes = [1], strides = [1]} : vector<16xf32> to vector<1xf32>
        %squeeze3A_171 = vector.extract %slice3A_170[0] : f32 from vector<1xf32>
        %get3A_172 = arith.index_cast %scan3A_117 : i32 to index
        %get3A_173 = arith.constant 64 : index
        %get3A_174 = tpu.vector_load %arg19[%get3A_172, %get3A_173] {strides = array<i32>} : memref<128x128xf32, #tpu.memory_space<vmem>>, vector<1x16xf32>,
        %get3A_175 = vector.shape_cast %get3A_174 : vector<1x16xf32> to vector<16xf32>
        %mul3A_176 = vector.broadcast %squeeze3A_171 : f32 to vector<16xf32>
        %mul3A_177 = arith.mulf %get3A_175, %mul3A_176 : vector<16xf32>
        %swap3A_178 = arith.index_cast %scan3A_117 : i32 to index
        %swap3A_179 = arith.constant 64 : index
        %swap3A_180 = tpu.vector_load %arg19[%swap3A_178, %swap3A_179] {strides = array<i32>} : memref<128x128xf32, #tpu.memory_space<vmem>>, vector<1x16xf32>,
        %swap3A_181 = vector.shape_cast %swap3A_180 : vector<1x16xf32> to vector<16xf32>
        %swap3A_182 = vector.shape_cast %mul3A_177 : vector<16xf32> to vector<1x16xf32>
        tpu.vector_store %arg19[%swap3A_178, %swap3A_179], %swap3A_182 {strides = array<i32>} : memref<128x128xf32, #tpu.memory_space<vmem>>, vector<1x16xf32>,
        %slice3A_183 = vector.extract_strided_slice %get3A_120 {offsets = [6], sizes = [1], strides = [1]} : vector<16xf32> to vector<1xf32>
        %squeeze3A_184 = vector.extract %slice3A_183[0] : f32 from vector<1xf32>
        %get3A_185 = arith.index_cast %scan3A_117 : i32 to index
        %get3A_186 = arith.constant 80 : index
        %get3A_187 = tpu.vector_load %arg19[%get3A_185, %get3A_186] {strides = array<i32>} : memref<128x128xf32, #tpu.memory_space<vmem>>, vector<1x16xf32>,
        %get3A_188 = vector.shape_cast %get3A_187 : vector<1x16xf32> to vector<16xf32>
        %mul3A_189 = vector.broadcast %squeeze3A_184 : f32 to vector<16xf32>
        %mul3A_190 = arith.mulf %get3A_188, %mul3A_189 : vector<16xf32>
        %swap3A_191 = arith.index_cast %scan3A_117 : i32 to index
        %swap3A_192 = arith.constant 80 : index
        %swap3A_193 = tpu.vector_load %arg19[%swap3A_191, %swap3A_192] {strides = array<i32>} : memref<128x128xf32, #tpu.memory_space<vmem>>, vector<1x16xf32>,
        %swap3A_194 = vector.shape_cast %swap3A_193 : vector<1x16xf32> to vector<16xf32>
        %swap3A_195 = vector.shape_cast %mul3A_190 : vector<16xf32> to vector<1x16xf32>
        tpu.vector_store %arg19[%swap3A_191, %swap3A_192], %swap3A_195 {strides = array<i32>} : memref<128x128xf32, #tpu.memory_space<vmem>>, vector<1x16xf32>,
        %slice3A_196 = vector.extract_strided_slice %get3A_120 {offsets = [7], sizes = [1], strides = [1]} : vector<16xf32> to vector<1xf32>
        %squeeze3A_197 = vector.extract %slice3A_196[0] : f32 from vector<1xf32>
        %get3A_198 = arith.index_cast %scan3A_117 : i32 to index
        %get3A_199 = arith.constant 96 : index
        %get3A_200 = tpu.vector_load %arg19[%get3A_198, %get3A_199] {strides = array<i32>} : memref<128x128xf32, #tpu.memory_space<vmem>>, vector<1x16xf32>,
        %get3A_201 = vector.shape_cast %get3A_200 : vector<1x16xf32> to vector<16xf32>
        %mul3A_202 = vector.broadcast %squeeze3A_197 : f32 to vector<16xf32>
        %mul3A_203 = arith.mulf %get3A_201, %mul3A_202 : vector<16xf32>
        %swap3A_204 = arith.index_cast %scan3A_117 : i32 to index
        %swap3A_205 = arith.constant 96 : index
        %swap3A_206 = tpu.vector_load %arg19[%swap3A_204, %swap3A_205] {strides = array<i32>} : memref<128x128xf32, #tpu.memory_space<vmem>>, vector<1x16xf32>,
        %swap3A_207 = vector.shape_cast %swap3A_206 : vector<1x16xf32> to vector<16xf32>
        %swap3A_208 = vector.shape_cast %mul3A_203 : vector<16xf32> to vector<1x16xf32>
        tpu.vector_store %arg19[%swap3A_204, %swap3A_205], %swap3A_208 {strides = array<i32>} : memref<128x128xf32, #tpu.memory_space<vmem>>, vector<1x16xf32>,
        %slice3A_209 = vector.extract_strided_slice %get3A_120 {offsets = [7], sizes = [1], strides = [1]} : vector<16xf32> to vector<1xf32>
        %squeeze3A_210 = vector.extract %slice3A_209[0] : f32 from vector<1xf32>
        %get3A_211 = arith.index_cast %scan3A_117 : i32 to index
        %get3A_212 = arith.constant 112 : index
        %get3A_213 = tpu.vector_load %arg19[%get3A_211, %get3A_212] {strides = array<i32>} : memref<128x128xf32, #tpu.memory_space<vmem>>, vector<1x16xf32>,
        %get3A_214 = vector.shape_cast %get3A_213 : vector<1x16xf32> to vector<16xf32>
        %mul3A_215 = vector.broadcast %squeeze3A_210 : f32 to vector<16xf32>
        %mul3A_216 = arith.mulf %get3A_214, %mul3A_215 : vector<16xf32>
        %swap3A_217 = arith.index_cast %scan3A_117 : i32 to index
        %swap3A_218 = arith.constant 112 : index
        %swap3A_219 = tpu.vector_load %arg19[%swap3A_217, %swap3A_218] {strides = array<i32>} : memref<128x128xf32, #tpu.memory_space<vmem>>, vector<1x16xf32>,
        %swap3A_220 = vector.shape_cast %swap3A_219 : vector<1x16xf32> to vector<16xf32>
        %swap3A_221 = vector.shape_cast %mul3A_216 : vector<16xf32> to vector<1x16xf32>
        tpu.vector_store %arg19[%swap3A_217, %swap3A_218], %swap3A_221 {strides = array<i32>} : memref<128x128xf32, #tpu.memory_space<vmem>>, vector<1x16xf32>,
      }
      %scan3A_102 = arith.constant 128 : i32
      "tpu.region"() ({
        %run_scoped3A = tpu.sem_alloc : memref<!tpu.dma_semaphore, #tpu.memory_space<semaphore_mem>>
        %dma_start3A_117 = arith.constant 0 : i32
        %dma_start3A_118 = arith.constant 0 : i32
        %dma_start3A_119 = tpu.memref_slice %arg20[%dma_start3A_117, %dma_start3A_118] : memref<10112x128xf32, #tpu.memory_space<vmem_shared>> -> memref<10112x128xf32, #tpu.memory_space<vmem_shared>>
        tpu.enqueue_indirect_dma source(%arg19 : memref<128x128xf32, #tpu.memory_space<vmem>>) target(%dma_start3A_119 : memref<10112x128xf32, #tpu.memory_space<vmem_shared>>) offsets(%arg14 : memref<128xi32, #tpu.memory_space<vmem>>) semaphore(%run_scoped3A : memref<!tpu.dma_semaphore, #tpu.memory_space<semaphore_mem>>) {add = true}
        %dma_wait3A_120 = arith.constant 0 : i32
        %dma_wait3A_121 = arith.constant 0 : i32
        %dma_wait3A_122 = tpu.memref_slice %arg20[%dma_wait3A_120, %dma_wait3A_121] : memref<10112x128xf32, #tpu.memory_space<vmem_shared>> -> memref<10112x128xf32, #tpu.memory_space<vmem_shared>>
        tpu.wait_indirect_dma semaphore(%run_scoped3A : memref<!tpu.dma_semaphore, #tpu.memory_space<semaphore_mem>>) src(%arg19 : memref<128x128xf32, #tpu.memory_space<vmem>>) dst(%dma_wait3A_122 : memref<10112x128xf32, #tpu.memory_space<vmem_shared>>)
        tpu.yield
      }) : () -> ()
      %add3A_103 = arith.constant 1 : i32
      %add3A_104 = arith.addi %add3A_77, %add3A_103 : i32
      %lt3A_105 = arith.constant 82 : i32
      %lt3A_106 = arith.cmpi slt, %add3A_104, %lt3A_105 : i32
      %convert_element_type3A_107 = arith.extui %lt3A_106 : i1 to i32
      %cond3A_108 = arith.constant 0 : i32
      %cond3A_109 = arith.cmpi ne, %convert_element_type3A_107, %cond3A_108 : i32
      scf.if %cond3A_109 {
        %add3A_117 = arith.constant 1 : i32
        %add3A_118 = arith.addi %add3A_77, %add3A_117 : i32
        %mul3A_119 = arith.constant 32 : i32
        %mul3A_120 = arith.muli %add3A_118, %mul3A_119 : i32
        %add3A_121 = arith.addi %mul3A_120, %add3A : i32
        %mul3A_122 = arith.constant 128 : i32
        %mul3A_123 = arith.muli %add3A_121, %mul3A_122 : i32
        %dma_start3A_124 = arith.constant 0 : i32
        %dma_start3A_125 = tpu.memref_slice %arg9[%mul3A_123, %dma_start3A_124] : memref<335872x16xf32, #tpu.memory_space<hbm>> -> memref<128x16xf32, #tpu.memory_space<hbm>>
        %dma_start3A_126 = arith.constant 0 : i32
        %dma_start3A_127 = tpu.memref_slice %arg9[%mul3A_123, %dma_start3A_126] : memref<335872x16xf32, #tpu.memory_space<hbm>> -> memref<128x16xf32, #tpu.memory_space<hbm>>
        tpu.enqueue_dma source(%dma_start3A_127 : memref<128x16xf32, #tpu.memory_space<hbm>>) target(%arg17 : memref<128x16xf32, #tpu.memory_space<vmem>>) target_semaphore(%arg27 : memref<!tpu.dma_semaphore, #tpu.memory_space<semaphore_mem>>)
      } else {
      }
      %add3A_110 = arith.constant 2 : i32
      %add3A_111 = arith.addi %add3A_77, %add3A_110 : i32
      %lt3A_112 = arith.constant 82 : i32
      %lt3A_113 = arith.cmpi slt, %add3A_111, %lt3A_112 : i32
      %convert_element_type3A_114 = arith.extui %lt3A_113 : i1 to i32
      %cond3A_115 = arith.constant 0 : i32
      %cond3A_116 = arith.cmpi ne, %convert_element_type3A_114, %cond3A_115 : i32
      scf.if %cond3A_116 {
        %add3A_117 = arith.constant 2 : i32
        %add3A_118 = arith.addi %add3A_77, %add3A_117 : i32
        %mul3A_119 = arith.constant 32 : i32
        %mul3A_120 = arith.muli %add3A_118, %mul3A_119 : i32
        %add3A_121 = arith.addi %mul3A_120, %add3A : i32
        %mul3A_122 = arith.constant 128 : i32
        %mul3A_123 = arith.muli %add3A_121, %mul3A_122 : i32
        %dma_start3A_124 = tpu.memref_slice %arg5[%mul3A_123] : memref<335872xi32, #tpu.memory_space<hbm>> -> memref<128xi32, #tpu.memory_space<hbm>>
        %dma_start3A_125 = tpu.memref_slice %arg5[%mul3A_123] : memref<335872xi32, #tpu.memory_space<hbm>> -> memref<128xi32, #tpu.memory_space<hbm>>
        tpu.enqueue_dma source(%dma_start3A_125 : memref<128xi32, #tpu.memory_space<hbm>>) target(%arg12 : memref<128xi32, #tpu.memory_space<vmem>>) target_semaphore(%arg23 : memref<!tpu.dma_semaphore, #tpu.memory_space<semaphore_mem>>)
        %dma_start3A_126 = tpu.memref_slice %arg6[%mul3A_123] : memref<335872xi32, #tpu.memory_space<hbm>> -> memref<128xi32, #tpu.memory_space<hbm>>
        %dma_start3A_127 = tpu.memref_slice %arg6[%mul3A_123] : memref<335872xi32, #tpu.memory_space<hbm>> -> memref<128xi32, #tpu.memory_space<hbm>>
        tpu.enqueue_dma source(%dma_start3A_127 : memref<128xi32, #tpu.memory_space<hbm>>) target(%arg14 : memref<128xi32, #tpu.memory_space<vmem>>) target_semaphore(%arg23 : memref<!tpu.dma_semaphore, #tpu.memory_space<semaphore_mem>>)
      } else {
      }
    }
    %scan3A_29 = arith.constant 41 : i32
    %barrier3A_30 = arith.constant 0 : index
    tpu.barrier barrier_id(%barrier3A_30)
    %mul3A_31 = arith.constant 10112 : i32
    %mul3A_32 = arith.muli %arg0, %mul3A_31 : i32
    %add3A_33 = arith.addi %mul3A_32, %mul3A_2 : i32
    "tpu.region"() ({
      %run_scoped3A = tpu.sem_alloc : memref<!tpu.dma_semaphore, #tpu.memory_space<semaphore_mem>>
      %dma_start3A_34 = arith.constant 0 : i32
      %dma_start3A_35 = tpu.memref_slice %arg10[%add3A_33, %dma_start3A_34] : memref<20224x128xf32, #tpu.memory_space<hbm>> -> memref<632x128xf32, #tpu.memory_space<hbm>>
      %dma_start3A_36 = arith.constant 0 : i32
      %dma_start3A_37 = tpu.memref_slice %arg20[%mul3A_2, %dma_start3A_36] : memref<10112x128xf32, #tpu.memory_space<vmem_shared>> -> memref<632x128xf32, #tpu.memory_space<vmem_shared>>
      tpu.enqueue_dma source(%dma_start3A_37 : memref<632x128xf32, #tpu.memory_space<vmem_shared>>) target(%dma_start3A_35 : memref<632x128xf32, #tpu.memory_space<hbm>>) target_semaphore(%run_scoped3A : memref<!tpu.dma_semaphore, #tpu.memory_space<semaphore_mem>>)
      %dma_wait3A = arith.constant 0 : i32
      %dma_wait3A_38 = tpu.memref_slice %arg10[%add3A_33, %dma_wait3A] : memref<20224x128xf32, #tpu.memory_space<hbm>> -> memref<632x128xf32, #tpu.memory_space<hbm>>
      %dma_wait3A_39 = arith.constant 0 : i32
      %dma_wait3A_40 = tpu.memref_slice %arg20[%mul3A_2, %dma_wait3A_39] : memref<10112x128xf32, #tpu.memory_space<vmem_shared>> -> memref<632x128xf32, #tpu.memory_space<vmem_shared>>
      tpu.wait_dma2 semaphore(%run_scoped3A : memref<!tpu.dma_semaphore, #tpu.memory_space<semaphore_mem>>) src(%dma_wait3A_40 : memref<632x128xf32, #tpu.memory_space<vmem_shared>>) dst(%dma_wait3A_38 : memref<632x128xf32, #tpu.memory_space<hbm>>)
      tpu.yield
    }) : () -> ()
    return
  }
}

#map = affine_map<(d0, d1) -> (0, 0)>
#map1 = affine_map<(d0, d1) -> (0)>
module attributes {stable_mosaic.version = 14 : i64} {
  func.func @body(%arg0: i32, %arg1: i32, %arg2: memref<10112x32xf32, #tpu.memory_space<hbm>>, %arg3: memref<10112x16xf32, #tpu.memory_space<hbm>>, %arg4: memref<10112x16xf32, #tpu.memory_space<hbm>>, %arg5: memref<335872xi32, #tpu.memory_space<hbm>>, %arg6: memref<335872xi32, #tpu.memory_space<hbm>>, %arg7: memref<10112x32xf32, #tpu.memory_space<hbm>>, %arg8: memref<10112x16xf32, #tpu.memory_space<hbm>>, %arg9: memref<20224x32xf32, #tpu.memory_space<hbm>>, %arg10: memref<20224x16xf32, #tpu.memory_space<hbm>>, %arg11: memref<128xi32, #tpu.memory_space<vmem>>, %arg12: memref<128xi32, #tpu.memory_space<vmem>>, %arg13: memref<128xi32, #tpu.memory_space<vmem>>, %arg14: memref<128xi32, #tpu.memory_space<vmem>>, %arg15: memref<128x16xf32, #tpu.memory_space<vmem>>, %arg16: memref<128x16xf32, #tpu.memory_space<vmem>>, %arg17: memref<128x16xf32, #tpu.memory_space<vmem>>, %arg18: memref<128x32xf32, #tpu.memory_space<vmem>>, %arg19: memref<128x32xf32, #tpu.memory_space<vmem>>, %arg20: memref<10112x32xf32, #tpu.memory_space<vmem_shared>>, %arg21: memref<10112x16xf32, #tpu.memory_space<vmem_shared>>, %arg22: memref<!tpu.dma_semaphore, #tpu.memory_space<semaphore_mem>>, %arg23: memref<!tpu.dma_semaphore, #tpu.memory_space<semaphore_mem>>, %arg24: memref<!tpu.dma_semaphore, #tpu.memory_space<semaphore_mem>>, %arg25: memref<!tpu.dma_semaphore, #tpu.memory_space<semaphore_mem>>, %arg26: memref<!tpu.dma_semaphore, #tpu.memory_space<semaphore_mem>>, %arg27: memref<!tpu.dma_semaphore, #tpu.memory_space<semaphore_mem>>) attributes {dimension_semantics = [#tpu.dimension_semantics<core_parallel>, #tpu.dimension_semantics<subcore_parallel>], iteration_bounds = array<i64: 2, 16>, scalar_prefetch = 0 : i64, scratch_operands = 17 : i64, tpu.core_type = #tpu.core_type<sc_vector_subcore>, window_params = [{transform_indices = #map}, {transform_indices = #map}, {transform_indices = #map}, {transform_indices = #map1}, {transform_indices = #map1}, {transform_indices = #map}, {transform_indices = #map}, {transform_indices = #map}, {transform_indices = #map}]} {
    %mul3A = arith.constant 16 : i32
    %mul3A_0 = arith.muli %arg0, %mul3A : i32
    %add3A = arith.addi %mul3A_0, %arg1 : i32
    %mul3A_1 = arith.constant 632 : i32
    %mul3A_2 = arith.muli %arg1, %mul3A_1 : i32
    "tpu.region"() ({
      %run_scoped3A = tpu.sem_alloc : memref<!tpu.dma_semaphore, #tpu.memory_space<semaphore_mem>>
      %dma_start3A_35 = arith.constant 0 : i32
      %dma_start3A_36 = tpu.memref_slice %arg20[%mul3A_2, %dma_start3A_35] : memref<10112x32xf32, #tpu.memory_space<vmem_shared>> -> memref<632x32xf32, #tpu.memory_space<vmem_shared>>
      %dma_start3A_37 = arith.constant 0 : i32
      %dma_start3A_38 = tpu.memref_slice %arg7[%mul3A_2, %dma_start3A_37] : memref<10112x32xf32, #tpu.memory_space<hbm>> -> memref<632x32xf32, #tpu.memory_space<hbm>>
      tpu.enqueue_dma source(%dma_start3A_38 : memref<632x32xf32, #tpu.memory_space<hbm>>) target(%dma_start3A_36 : memref<632x32xf32, #tpu.memory_space<vmem_shared>>) target_semaphore(%run_scoped3A : memref<!tpu.dma_semaphore, #tpu.memory_space<semaphore_mem>>)
      %dma_wait3A = arith.constant 0 : i32
      %dma_wait3A_39 = tpu.memref_slice %arg20[%mul3A_2, %dma_wait3A] : memref<10112x32xf32, #tpu.memory_space<vmem_shared>> -> memref<632x32xf32, #tpu.memory_space<vmem_shared>>
      %dma_wait3A_40 = arith.constant 0 : i32
      %dma_wait3A_41 = tpu.memref_slice %arg7[%mul3A_2, %dma_wait3A_40] : memref<10112x32xf32, #tpu.memory_space<hbm>> -> memref<632x32xf32, #tpu.memory_space<hbm>>
      tpu.wait_dma2 semaphore(%run_scoped3A : memref<!tpu.dma_semaphore, #tpu.memory_space<semaphore_mem>>) src(%dma_wait3A_41 : memref<632x32xf32, #tpu.memory_space<hbm>>) dst(%dma_wait3A_39 : memref<632x32xf32, #tpu.memory_space<vmem_shared>>)
      tpu.yield
    }) : () -> ()
    "tpu.region"() ({
      %run_scoped3A = tpu.sem_alloc : memref<!tpu.dma_semaphore, #tpu.memory_space<semaphore_mem>>
      %dma_start3A_35 = arith.constant 0 : i32
      %dma_start3A_36 = tpu.memref_slice %arg21[%mul3A_2, %dma_start3A_35] : memref<10112x16xf32, #tpu.memory_space<vmem_shared>> -> memref<632x16xf32, #tpu.memory_space<vmem_shared>>
      %dma_start3A_37 = arith.constant 0 : i32
      %dma_start3A_38 = tpu.memref_slice %arg8[%mul3A_2, %dma_start3A_37] : memref<10112x16xf32, #tpu.memory_space<hbm>> -> memref<632x16xf32, #tpu.memory_space<hbm>>
      tpu.enqueue_dma source(%dma_start3A_38 : memref<632x16xf32, #tpu.memory_space<hbm>>) target(%dma_start3A_36 : memref<632x16xf32, #tpu.memory_space<vmem_shared>>) target_semaphore(%run_scoped3A : memref<!tpu.dma_semaphore, #tpu.memory_space<semaphore_mem>>)
      %dma_wait3A = arith.constant 0 : i32
      %dma_wait3A_39 = tpu.memref_slice %arg21[%mul3A_2, %dma_wait3A] : memref<10112x16xf32, #tpu.memory_space<vmem_shared>> -> memref<632x16xf32, #tpu.memory_space<vmem_shared>>
      %dma_wait3A_40 = arith.constant 0 : i32
      %dma_wait3A_41 = tpu.memref_slice %arg8[%mul3A_2, %dma_wait3A_40] : memref<10112x16xf32, #tpu.memory_space<hbm>> -> memref<632x16xf32, #tpu.memory_space<hbm>>
      tpu.wait_dma2 semaphore(%run_scoped3A : memref<!tpu.dma_semaphore, #tpu.memory_space<semaphore_mem>>) src(%dma_wait3A_41 : memref<632x16xf32, #tpu.memory_space<hbm>>) dst(%dma_wait3A_39 : memref<632x16xf32, #tpu.memory_space<vmem_shared>>)
      tpu.yield
    }) : () -> ()
    %barrier3A = arith.constant 0 : index
    tpu.barrier barrier_id(%barrier3A)
    %add3A_3 = arith.constant 0 : i32
    %add3A_4 = arith.addi %add3A_3, %add3A : i32
    %mul3A_5 = arith.constant 128 : i32
    %mul3A_6 = arith.muli %add3A_4, %mul3A_5 : i32
    "tpu.region"() ({
      %run_scoped3A = tpu.sem_alloc : memref<!tpu.dma_semaphore, #tpu.memory_space<semaphore_mem>>
      %dma_start3A_35 = tpu.memref_slice %arg5[%mul3A_6] : memref<335872xi32, #tpu.memory_space<hbm>> -> memref<128xi32, #tpu.memory_space<hbm>>
      %dma_start3A_36 = tpu.memref_slice %arg5[%mul3A_6] : memref<335872xi32, #tpu.memory_space<hbm>> -> memref<128xi32, #tpu.memory_space<hbm>>
      tpu.enqueue_dma source(%dma_start3A_36 : memref<128xi32, #tpu.memory_space<hbm>>) target(%arg11 : memref<128xi32, #tpu.memory_space<vmem>>) target_semaphore(%run_scoped3A : memref<!tpu.dma_semaphore, #tpu.memory_space<semaphore_mem>>)
      %dma_wait3A = tpu.memref_slice %arg5[%mul3A_6] : memref<335872xi32, #tpu.memory_space<hbm>> -> memref<128xi32, #tpu.memory_space<hbm>>
      %dma_wait3A_37 = tpu.memref_slice %arg5[%mul3A_6] : memref<335872xi32, #tpu.memory_space<hbm>> -> memref<128xi32, #tpu.memory_space<hbm>>
      tpu.wait_dma2 semaphore(%run_scoped3A : memref<!tpu.dma_semaphore, #tpu.memory_space<semaphore_mem>>) src(%dma_wait3A_37 : memref<128xi32, #tpu.memory_space<hbm>>) dst(%arg11 : memref<128xi32, #tpu.memory_space<vmem>>)
      tpu.yield
    }) : () -> ()
    "tpu.region"() ({
      %run_scoped3A = tpu.sem_alloc : memref<!tpu.dma_semaphore, #tpu.memory_space<semaphore_mem>>
      %dma_start3A_35 = tpu.memref_slice %arg6[%mul3A_6] : memref<335872xi32, #tpu.memory_space<hbm>> -> memref<128xi32, #tpu.memory_space<hbm>>
      %dma_start3A_36 = tpu.memref_slice %arg6[%mul3A_6] : memref<335872xi32, #tpu.memory_space<hbm>> -> memref<128xi32, #tpu.memory_space<hbm>>
      tpu.enqueue_dma source(%dma_start3A_36 : memref<128xi32, #tpu.memory_space<hbm>>) target(%arg13 : memref<128xi32, #tpu.memory_space<vmem>>) target_semaphore(%run_scoped3A : memref<!tpu.dma_semaphore, #tpu.memory_space<semaphore_mem>>)
      %dma_wait3A = tpu.memref_slice %arg6[%mul3A_6] : memref<335872xi32, #tpu.memory_space<hbm>> -> memref<128xi32, #tpu.memory_space<hbm>>
      %dma_wait3A_37 = tpu.memref_slice %arg6[%mul3A_6] : memref<335872xi32, #tpu.memory_space<hbm>> -> memref<128xi32, #tpu.memory_space<hbm>>
      tpu.wait_dma2 semaphore(%run_scoped3A : memref<!tpu.dma_semaphore, #tpu.memory_space<semaphore_mem>>) src(%dma_wait3A_37 : memref<128xi32, #tpu.memory_space<hbm>>) dst(%arg13 : memref<128xi32, #tpu.memory_space<vmem>>)
      tpu.yield
    }) : () -> ()
    %dma_start3A = arith.constant 0 : i32
    %dma_start3A_7 = arith.constant 0 : i32
    %dma_start3A_8 = tpu.memref_slice %arg3[%dma_start3A, %dma_start3A_7] : memref<10112x16xf32, #tpu.memory_space<hbm>> -> memref<10112x16xf32, #tpu.memory_space<hbm>>
    tpu.enqueue_indirect_dma source(%dma_start3A_8 : memref<10112x16xf32, #tpu.memory_space<hbm>>) target(%arg15 : memref<128x16xf32, #tpu.memory_space<vmem>>) offsets(%arg11 : memref<128xi32, #tpu.memory_space<vmem>>) semaphore(%arg26 : memref<!tpu.dma_semaphore, #tpu.memory_space<semaphore_mem>>)
    %dma_start3A_9 = arith.constant 0 : i32
    %dma_start3A_10 = arith.constant 0 : i32
    %dma_start3A_11 = tpu.memref_slice %arg4[%dma_start3A_9, %dma_start3A_10] : memref<10112x16xf32, #tpu.memory_space<hbm>> -> memref<10112x16xf32, #tpu.memory_space<hbm>>
    tpu.enqueue_indirect_dma source(%dma_start3A_11 : memref<10112x16xf32, #tpu.memory_space<hbm>>) target(%arg16 : memref<128x16xf32, #tpu.memory_space<vmem>>) offsets(%arg13 : memref<128xi32, #tpu.memory_space<vmem>>) semaphore(%arg26 : memref<!tpu.dma_semaphore, #tpu.memory_space<semaphore_mem>>)
    %dma_start3A_12 = arith.constant 0 : i32
    %dma_start3A_13 = arith.constant 0 : i32
    %dma_start3A_14 = tpu.memref_slice %arg2[%dma_start3A_12, %dma_start3A_13] : memref<10112x32xf32, #tpu.memory_space<hbm>> -> memref<10112x32xf32, #tpu.memory_space<hbm>>
    tpu.enqueue_indirect_dma source(%dma_start3A_14 : memref<10112x32xf32, #tpu.memory_space<hbm>>) target(%arg18 : memref<128x32xf32, #tpu.memory_space<vmem>>) offsets(%arg11 : memref<128xi32, #tpu.memory_space<vmem>>) semaphore(%arg24 : memref<!tpu.dma_semaphore, #tpu.memory_space<semaphore_mem>>)
    %add3A_15 = arith.constant 32 : i32
    %add3A_16 = arith.addi %add3A_15, %add3A : i32
    %mul3A_17 = arith.constant 128 : i32
    %mul3A_18 = arith.muli %add3A_16, %mul3A_17 : i32
    %dma_start3A_19 = tpu.memref_slice %arg5[%mul3A_18] : memref<335872xi32, #tpu.memory_space<hbm>> -> memref<128xi32, #tpu.memory_space<hbm>>
    %dma_start3A_20 = tpu.memref_slice %arg5[%mul3A_18] : memref<335872xi32, #tpu.memory_space<hbm>> -> memref<128xi32, #tpu.memory_space<hbm>>
    tpu.enqueue_dma source(%dma_start3A_20 : memref<128xi32, #tpu.memory_space<hbm>>) target(%arg12 : memref<128xi32, #tpu.memory_space<vmem>>) target_semaphore(%arg23 : memref<!tpu.dma_semaphore, #tpu.memory_space<semaphore_mem>>)
    %dma_start3A_21 = tpu.memref_slice %arg6[%mul3A_18] : memref<335872xi32, #tpu.memory_space<hbm>> -> memref<128xi32, #tpu.memory_space<hbm>>
    %dma_start3A_22 = tpu.memref_slice %arg6[%mul3A_18] : memref<335872xi32, #tpu.memory_space<hbm>> -> memref<128xi32, #tpu.memory_space<hbm>>
    tpu.enqueue_dma source(%dma_start3A_22 : memref<128xi32, #tpu.memory_space<hbm>>) target(%arg14 : memref<128xi32, #tpu.memory_space<vmem>>) target_semaphore(%arg23 : memref<!tpu.dma_semaphore, #tpu.memory_space<semaphore_mem>>)
    %scan3A = arith.constant 0 : i32
    %scan3A_23 = arith.constant 0 : i32
    %scan3A_24 = arith.constant 41 : i32
    %scan3A_25 = arith.addi %scan3A_23, %scan3A_24 : i32
    %scan3A_26 = arith.constant 1 : i32
    scf.for %scan3A_35 = %scan3A_23 to %scan3A_25 step %scan3A_26  : i32 {
      %mul3A_36 = arith.constant 2 : i32
      %mul3A_37 = arith.muli %scan3A_35, %mul3A_36 : i32
      %add3A_38 = arith.constant 0 : i32
      %add3A_39 = arith.addi %mul3A_37, %add3A_38 : i32
      %dma_wait3A = arith.constant 0 : i32
      %dma_wait3A_40 = arith.constant 0 : i32
      %dma_wait3A_41 = tpu.memref_slice %arg3[%dma_wait3A, %dma_wait3A_40] : memref<10112x16xf32, #tpu.memory_space<hbm>> -> memref<10112x16xf32, #tpu.memory_space<hbm>>
      tpu.wait_indirect_dma semaphore(%arg26 : memref<!tpu.dma_semaphore, #tpu.memory_space<semaphore_mem>>) src(%dma_wait3A_41 : memref<10112x16xf32, #tpu.memory_space<hbm>>) dst(%arg15 : memref<128x16xf32, #tpu.memory_space<vmem>>)
      %dma_wait3A_42 = arith.constant 0 : i32
      %dma_wait3A_43 = arith.constant 0 : i32
      %dma_wait3A_44 = tpu.memref_slice %arg4[%dma_wait3A_42, %dma_wait3A_43] : memref<10112x16xf32, #tpu.memory_space<hbm>> -> memref<10112x16xf32, #tpu.memory_space<hbm>>
      tpu.wait_indirect_dma semaphore(%arg26 : memref<!tpu.dma_semaphore, #tpu.memory_space<semaphore_mem>>) src(%dma_wait3A_44 : memref<10112x16xf32, #tpu.memory_space<hbm>>) dst(%arg16 : memref<128x16xf32, #tpu.memory_space<vmem>>)
      %scan3A_45 = arith.constant 0 : i32
      %scan3A_46 = arith.constant 0 : i32
      %scan3A_47 = arith.constant 128 : i32
      %scan3A_48 = arith.addi %scan3A_46, %scan3A_47 : i32
      %scan3A_49 = arith.constant 1 : i32
      scf.for %scan3A_110 = %scan3A_46 to %scan3A_48 step %scan3A_49  : i32 {
        %get3A = arith.index_cast %scan3A_110 : i32 to index
        %get3A_111 = arith.constant 0 : index
        %get3A_112 = tpu.vector_load %arg15[%get3A, %get3A_111] {strides = array<i32>} : memref<128x16xf32, #tpu.memory_space<vmem>>, vector<1x16xf32>,
        %get3A_113 = vector.shape_cast %get3A_112 : vector<1x16xf32> to vector<16xf32>
        %get3A_114 = arith.index_cast %scan3A_110 : i32 to index
        %get3A_115 = arith.constant 0 : index
        %get3A_116 = tpu.vector_load %arg16[%get3A_114, %get3A_115] {strides = array<i32>} : memref<128x16xf32, #tpu.memory_space<vmem>>, vector<1x16xf32>,
        %get3A_117 = vector.shape_cast %get3A_116 : vector<1x16xf32> to vector<16xf32>
        %add3A_118 = arith.addf %get3A_113, %get3A_117 : vector<16xf32>
        %gt3A = arith.constant 0.000000e+00 : f32
        %gt3A_119 = vector.broadcast %gt3A : f32 to vector<16xf32>
        %gt3A_120 = arith.cmpf ogt, %add3A_118, %gt3A_119 : vector<16xf32>
        %mul3A_121 = arith.constant 2.000000e-01 : f32
        %mul3A_122 = vector.broadcast %mul3A_121 : f32 to vector<16xf32>
        %mul3A_123 = arith.mulf %add3A_118, %mul3A_122 : vector<16xf32>
        %select_n3A = arith.select %gt3A_120, %add3A_118, %mul3A_123 : vector<16xi1>, vector<16xf32>
        %exp3A = math.exp %select_n3A : vector<16xf32>
        %swap3A = arith.index_cast %scan3A_110 : i32 to index
        %swap3A_124 = arith.constant 0 : index
        %swap3A_125 = tpu.vector_load %arg17[%swap3A, %swap3A_124] {strides = array<i32>} : memref<128x16xf32, #tpu.memory_space<vmem>>, vector<1x16xf32>,
        %swap3A_126 = vector.shape_cast %swap3A_125 : vector<1x16xf32> to vector<16xf32>
        %swap3A_127 = vector.shape_cast %exp3A : vector<16xf32> to vector<1x16xf32>
        tpu.vector_store %arg17[%swap3A, %swap3A_124], %swap3A_127 {strides = array<i32>} : memref<128x16xf32, #tpu.memory_space<vmem>>, vector<1x16xf32>,
      }
      %scan3A_50 = arith.constant 128 : i32
      %add3A_51 = arith.constant 1 : i32
      %add3A_52 = arith.addi %add3A_39, %add3A_51 : i32
      %lt3A = arith.constant 82 : i32
      %lt3A_53 = arith.cmpi slt, %add3A_52, %lt3A : i32
      %convert_element_type3A = arith.extui %lt3A_53 : i1 to i32
      %cond3A = arith.constant 0 : i32
      %cond3A_54 = arith.cmpi ne, %convert_element_type3A, %cond3A : i32
      scf.if %cond3A_54 {
        %mul3A_110 = arith.constant 10496 : i32
        %mul3A_111 = arith.muli %add3A, %mul3A_110 : i32
        %dma_wait3A_112 = tpu.memref_slice %arg5[%mul3A_111] : memref<335872xi32, #tpu.memory_space<hbm>> -> memref<128xi32, #tpu.memory_space<hbm>>
        %dma_wait3A_113 = tpu.memref_slice %arg5[%mul3A_111] : memref<335872xi32, #tpu.memory_space<hbm>> -> memref<128xi32, #tpu.memory_space<hbm>>
        tpu.wait_dma2 semaphore(%arg23 : memref<!tpu.dma_semaphore, #tpu.memory_space<semaphore_mem>>) src(%dma_wait3A_113 : memref<128xi32, #tpu.memory_space<hbm>>) dst(%arg12 : memref<128xi32, #tpu.memory_space<vmem>>)
        %dma_wait3A_114 = tpu.memref_slice %arg6[%mul3A_111] : memref<335872xi32, #tpu.memory_space<hbm>> -> memref<128xi32, #tpu.memory_space<hbm>>
        %dma_wait3A_115 = tpu.memref_slice %arg6[%mul3A_111] : memref<335872xi32, #tpu.memory_space<hbm>> -> memref<128xi32, #tpu.memory_space<hbm>>
        tpu.wait_dma2 semaphore(%arg23 : memref<!tpu.dma_semaphore, #tpu.memory_space<semaphore_mem>>) src(%dma_wait3A_115 : memref<128xi32, #tpu.memory_space<hbm>>) dst(%arg14 : memref<128xi32, #tpu.memory_space<vmem>>)
        %dma_start3A_116 = arith.constant 0 : i32
        %dma_start3A_117 = arith.constant 0 : i32
        %dma_start3A_118 = tpu.memref_slice %arg3[%dma_start3A_116, %dma_start3A_117] : memref<10112x16xf32, #tpu.memory_space<hbm>> -> memref<10112x16xf32, #tpu.memory_space<hbm>>
        tpu.enqueue_indirect_dma source(%dma_start3A_118 : memref<10112x16xf32, #tpu.memory_space<hbm>>) target(%arg15 : memref<128x16xf32, #tpu.memory_space<vmem>>) offsets(%arg12 : memref<128xi32, #tpu.memory_space<vmem>>) semaphore(%arg26 : memref<!tpu.dma_semaphore, #tpu.memory_space<semaphore_mem>>)
        %dma_start3A_119 = arith.constant 0 : i32
        %dma_start3A_120 = arith.constant 0 : i32
        %dma_start3A_121 = tpu.memref_slice %arg4[%dma_start3A_119, %dma_start3A_120] : memref<10112x16xf32, #tpu.memory_space<hbm>> -> memref<10112x16xf32, #tpu.memory_space<hbm>>
        tpu.enqueue_indirect_dma source(%dma_start3A_121 : memref<10112x16xf32, #tpu.memory_space<hbm>>) target(%arg16 : memref<128x16xf32, #tpu.memory_space<vmem>>) offsets(%arg14 : memref<128xi32, #tpu.memory_space<vmem>>) semaphore(%arg26 : memref<!tpu.dma_semaphore, #tpu.memory_space<semaphore_mem>>)
        %dma_start3A_122 = arith.constant 0 : i32
        %dma_start3A_123 = arith.constant 0 : i32
        %dma_start3A_124 = tpu.memref_slice %arg2[%dma_start3A_122, %dma_start3A_123] : memref<10112x32xf32, #tpu.memory_space<hbm>> -> memref<10112x32xf32, #tpu.memory_space<hbm>>
        tpu.enqueue_indirect_dma source(%dma_start3A_124 : memref<10112x32xf32, #tpu.memory_space<hbm>>) target(%arg19 : memref<128x32xf32, #tpu.memory_space<vmem>>) offsets(%arg12 : memref<128xi32, #tpu.memory_space<vmem>>) semaphore(%arg25 : memref<!tpu.dma_semaphore, #tpu.memory_space<semaphore_mem>>)
      } else {
      }
      %dma_wait3A_55 = arith.constant 0 : i32
      %dma_wait3A_56 = arith.constant 0 : i32
      %dma_wait3A_57 = tpu.memref_slice %arg2[%dma_wait3A_55, %dma_wait3A_56] : memref<10112x32xf32, #tpu.memory_space<hbm>> -> memref<10112x32xf32, #tpu.memory_space<hbm>>
      tpu.wait_indirect_dma semaphore(%arg24 : memref<!tpu.dma_semaphore, #tpu.memory_space<semaphore_mem>>) src(%dma_wait3A_57 : memref<10112x32xf32, #tpu.memory_space<hbm>>) dst(%arg18 : memref<128x32xf32, #tpu.memory_space<vmem>>)
      %scan3A_58 = arith.constant 0 : i32
      %scan3A_59 = arith.constant 0 : i32
      %scan3A_60 = arith.constant 128 : i32
      %scan3A_61 = arith.addi %scan3A_59, %scan3A_60 : i32
      %scan3A_62 = arith.constant 1 : i32
      scf.for %scan3A_110 = %scan3A_59 to %scan3A_61 step %scan3A_62  : i32 {
        %get3A = arith.index_cast %scan3A_110 : i32 to index
        %get3A_111 = arith.constant 0 : index
        %get3A_112 = tpu.vector_load %arg17[%get3A, %get3A_111] {strides = array<i32>} : memref<128x16xf32, #tpu.memory_space<vmem>>, vector<1x16xf32>,
        %get3A_113 = vector.shape_cast %get3A_112 : vector<1x16xf32> to vector<16xf32>
        %slice3A = vector.extract_strided_slice %get3A_113 {offsets = [0], sizes = [1], strides = [1]} : vector<16xf32> to vector<1xf32>
        %squeeze3A = vector.extract %slice3A[0] : f32 from vector<1xf32>
        %get3A_114 = arith.index_cast %scan3A_110 : i32 to index
        %get3A_115 = arith.constant 0 : index
        %get3A_116 = tpu.vector_load %arg18[%get3A_114, %get3A_115] {strides = array<i32>} : memref<128x32xf32, #tpu.memory_space<vmem>>, vector<1x16xf32>,
        %get3A_117 = vector.shape_cast %get3A_116 : vector<1x16xf32> to vector<16xf32>
        %mul3A_118 = vector.broadcast %squeeze3A : f32 to vector<16xf32>
        %mul3A_119 = arith.mulf %get3A_117, %mul3A_118 : vector<16xf32>
        %swap3A = arith.index_cast %scan3A_110 : i32 to index
        %swap3A_120 = arith.constant 0 : index
        %swap3A_121 = tpu.vector_load %arg18[%swap3A, %swap3A_120] {strides = array<i32>} : memref<128x32xf32, #tpu.memory_space<vmem>>, vector<1x16xf32>,
        %swap3A_122 = vector.shape_cast %swap3A_121 : vector<1x16xf32> to vector<16xf32>
        %swap3A_123 = vector.shape_cast %mul3A_119 : vector<16xf32> to vector<1x16xf32>
        tpu.vector_store %arg18[%swap3A, %swap3A_120], %swap3A_123 {strides = array<i32>} : memref<128x32xf32, #tpu.memory_space<vmem>>, vector<1x16xf32>,
        %slice3A_124 = vector.extract_strided_slice %get3A_113 {offsets = [0], sizes = [1], strides = [1]} : vector<16xf32> to vector<1xf32>
        %squeeze3A_125 = vector.extract %slice3A_124[0] : f32 from vector<1xf32>
        %get3A_126 = arith.index_cast %scan3A_110 : i32 to index
        %get3A_127 = arith.constant 16 : index
        %get3A_128 = tpu.vector_load %arg18[%get3A_126, %get3A_127] {strides = array<i32>} : memref<128x32xf32, #tpu.memory_space<vmem>>, vector<1x16xf32>,
        %get3A_129 = vector.shape_cast %get3A_128 : vector<1x16xf32> to vector<16xf32>
        %mul3A_130 = vector.broadcast %squeeze3A_125 : f32 to vector<16xf32>
        %mul3A_131 = arith.mulf %get3A_129, %mul3A_130 : vector<16xf32>
        %swap3A_132 = arith.index_cast %scan3A_110 : i32 to index
        %swap3A_133 = arith.constant 16 : index
        %swap3A_134 = tpu.vector_load %arg18[%swap3A_132, %swap3A_133] {strides = array<i32>} : memref<128x32xf32, #tpu.memory_space<vmem>>, vector<1x16xf32>,
        %swap3A_135 = vector.shape_cast %swap3A_134 : vector<1x16xf32> to vector<16xf32>
        %swap3A_136 = vector.shape_cast %mul3A_131 : vector<16xf32> to vector<1x16xf32>
        tpu.vector_store %arg18[%swap3A_132, %swap3A_133], %swap3A_136 {strides = array<i32>} : memref<128x32xf32, #tpu.memory_space<vmem>>, vector<1x16xf32>,
      }
      %scan3A_63 = arith.constant 128 : i32
      "tpu.region"() ({
        %run_scoped3A = tpu.sem_alloc : memref<!tpu.dma_semaphore, #tpu.memory_space<semaphore_mem>>
        %dma_start3A_110 = arith.constant 0 : i32
        %dma_start3A_111 = arith.constant 0 : i32
        %dma_start3A_112 = tpu.memref_slice %arg21[%dma_start3A_110, %dma_start3A_111] : memref<10112x16xf32, #tpu.memory_space<vmem_shared>> -> memref<10112x16xf32, #tpu.memory_space<vmem_shared>>
        tpu.enqueue_indirect_dma source(%arg17 : memref<128x16xf32, #tpu.memory_space<vmem>>) target(%dma_start3A_112 : memref<10112x16xf32, #tpu.memory_space<vmem_shared>>) offsets(%arg13 : memref<128xi32, #tpu.memory_space<vmem>>) semaphore(%run_scoped3A : memref<!tpu.dma_semaphore, #tpu.memory_space<semaphore_mem>>) {add = true}
        %dma_wait3A_113 = arith.constant 0 : i32
        %dma_wait3A_114 = arith.constant 0 : i32
        %dma_wait3A_115 = tpu.memref_slice %arg21[%dma_wait3A_113, %dma_wait3A_114] : memref<10112x16xf32, #tpu.memory_space<vmem_shared>> -> memref<10112x16xf32, #tpu.memory_space<vmem_shared>>
        tpu.wait_indirect_dma semaphore(%run_scoped3A : memref<!tpu.dma_semaphore, #tpu.memory_space<semaphore_mem>>) src(%arg17 : memref<128x16xf32, #tpu.memory_space<vmem>>) dst(%dma_wait3A_115 : memref<10112x16xf32, #tpu.memory_space<vmem_shared>>)
        tpu.yield
      }) : () -> ()
      "tpu.region"() ({
        %run_scoped3A = tpu.sem_alloc : memref<!tpu.dma_semaphore, #tpu.memory_space<semaphore_mem>>
        %dma_start3A_110 = arith.constant 0 : i32
        %dma_start3A_111 = arith.constant 0 : i32
        %dma_start3A_112 = tpu.memref_slice %arg20[%dma_start3A_110, %dma_start3A_111] : memref<10112x32xf32, #tpu.memory_space<vmem_shared>> -> memref<10112x32xf32, #tpu.memory_space<vmem_shared>>
        tpu.enqueue_indirect_dma source(%arg18 : memref<128x32xf32, #tpu.memory_space<vmem>>) target(%dma_start3A_112 : memref<10112x32xf32, #tpu.memory_space<vmem_shared>>) offsets(%arg13 : memref<128xi32, #tpu.memory_space<vmem>>) semaphore(%run_scoped3A : memref<!tpu.dma_semaphore, #tpu.memory_space<semaphore_mem>>) {add = true}
        %dma_wait3A_113 = arith.constant 0 : i32
        %dma_wait3A_114 = arith.constant 0 : i32
        %dma_wait3A_115 = tpu.memref_slice %arg20[%dma_wait3A_113, %dma_wait3A_114] : memref<10112x32xf32, #tpu.memory_space<vmem_shared>> -> memref<10112x32xf32, #tpu.memory_space<vmem_shared>>
        tpu.wait_indirect_dma semaphore(%run_scoped3A : memref<!tpu.dma_semaphore, #tpu.memory_space<semaphore_mem>>) src(%arg18 : memref<128x32xf32, #tpu.memory_space<vmem>>) dst(%dma_wait3A_115 : memref<10112x32xf32, #tpu.memory_space<vmem_shared>>)
        tpu.yield
      }) : () -> ()
      %add3A_64 = arith.constant 2 : i32
      %add3A_65 = arith.addi %add3A_39, %add3A_64 : i32
      %lt3A_66 = arith.constant 82 : i32
      %lt3A_67 = arith.cmpi slt, %add3A_65, %lt3A_66 : i32
      %convert_element_type3A_68 = arith.extui %lt3A_67 : i1 to i32
      %cond3A_69 = arith.constant 0 : i32
      %cond3A_70 = arith.cmpi ne, %convert_element_type3A_68, %cond3A_69 : i32
      scf.if %cond3A_70 {
        %add3A_110 = arith.constant 2 : i32
        %add3A_111 = arith.addi %add3A_39, %add3A_110 : i32
        %mul3A_112 = arith.constant 32 : i32
        %mul3A_113 = arith.muli %add3A_111, %mul3A_112 : i32
        %add3A_114 = arith.addi %mul3A_113, %add3A : i32
        %mul3A_115 = arith.constant 128 : i32
        %mul3A_116 = arith.muli %add3A_114, %mul3A_115 : i32
        %dma_start3A_117 = tpu.memref_slice %arg5[%mul3A_116] : memref<335872xi32, #tpu.memory_space<hbm>> -> memref<128xi32, #tpu.memory_space<hbm>>
        %dma_start3A_118 = tpu.memref_slice %arg5[%mul3A_116] : memref<335872xi32, #tpu.memory_space<hbm>> -> memref<128xi32, #tpu.memory_space<hbm>>
        tpu.enqueue_dma source(%dma_start3A_118 : memref<128xi32, #tpu.memory_space<hbm>>) target(%arg11 : memref<128xi32, #tpu.memory_space<vmem>>) target_semaphore(%arg22 : memref<!tpu.dma_semaphore, #tpu.memory_space<semaphore_mem>>)
        %dma_start3A_119 = tpu.memref_slice %arg6[%mul3A_116] : memref<335872xi32, #tpu.memory_space<hbm>> -> memref<128xi32, #tpu.memory_space<hbm>>
        %dma_start3A_120 = tpu.memref_slice %arg6[%mul3A_116] : memref<335872xi32, #tpu.memory_space<hbm>> -> memref<128xi32, #tpu.memory_space<hbm>>
        tpu.enqueue_dma source(%dma_start3A_120 : memref<128xi32, #tpu.memory_space<hbm>>) target(%arg13 : memref<128xi32, #tpu.memory_space<vmem>>) target_semaphore(%arg22 : memref<!tpu.dma_semaphore, #tpu.memory_space<semaphore_mem>>)
      } else {
      }
      %mul3A_71 = arith.constant 2 : i32
      %mul3A_72 = arith.muli %scan3A_35, %mul3A_71 : i32
      %add3A_73 = arith.constant 1 : i32
      %add3A_74 = arith.addi %mul3A_72, %add3A_73 : i32
      %dma_wait3A_75 = arith.constant 0 : i32
      %dma_wait3A_76 = arith.constant 0 : i32
      %dma_wait3A_77 = tpu.memref_slice %arg3[%dma_wait3A_75, %dma_wait3A_76] : memref<10112x16xf32, #tpu.memory_space<hbm>> -> memref<10112x16xf32, #tpu.memory_space<hbm>>
      tpu.wait_indirect_dma semaphore(%arg26 : memref<!tpu.dma_semaphore, #tpu.memory_space<semaphore_mem>>) src(%dma_wait3A_77 : memref<10112x16xf32, #tpu.memory_space<hbm>>) dst(%arg15 : memref<128x16xf32, #tpu.memory_space<vmem>>)
      %dma_wait3A_78 = arith.constant 0 : i32
      %dma_wait3A_79 = arith.constant 0 : i32
      %dma_wait3A_80 = tpu.memref_slice %arg4[%dma_wait3A_78, %dma_wait3A_79] : memref<10112x16xf32, #tpu.memory_space<hbm>> -> memref<10112x16xf32, #tpu.memory_space<hbm>>
      tpu.wait_indirect_dma semaphore(%arg26 : memref<!tpu.dma_semaphore, #tpu.memory_space<semaphore_mem>>) src(%dma_wait3A_80 : memref<10112x16xf32, #tpu.memory_space<hbm>>) dst(%arg16 : memref<128x16xf32, #tpu.memory_space<vmem>>)
      %scan3A_81 = arith.constant 0 : i32
      %scan3A_82 = arith.constant 0 : i32
      %scan3A_83 = arith.constant 128 : i32
      %scan3A_84 = arith.addi %scan3A_82, %scan3A_83 : i32
      %scan3A_85 = arith.constant 1 : i32
      scf.for %scan3A_110 = %scan3A_82 to %scan3A_84 step %scan3A_85  : i32 {
        %get3A = arith.index_cast %scan3A_110 : i32 to index
        %get3A_111 = arith.constant 0 : index
        %get3A_112 = tpu.vector_load %arg15[%get3A, %get3A_111] {strides = array<i32>} : memref<128x16xf32, #tpu.memory_space<vmem>>, vector<1x16xf32>,
        %get3A_113 = vector.shape_cast %get3A_112 : vector<1x16xf32> to vector<16xf32>
        %get3A_114 = arith.index_cast %scan3A_110 : i32 to index
        %get3A_115 = arith.constant 0 : index
        %get3A_116 = tpu.vector_load %arg16[%get3A_114, %get3A_115] {strides = array<i32>} : memref<128x16xf32, #tpu.memory_space<vmem>>, vector<1x16xf32>,
        %get3A_117 = vector.shape_cast %get3A_116 : vector<1x16xf32> to vector<16xf32>
        %add3A_118 = arith.addf %get3A_113, %get3A_117 : vector<16xf32>
        %gt3A = arith.constant 0.000000e+00 : f32
        %gt3A_119 = vector.broadcast %gt3A : f32 to vector<16xf32>
        %gt3A_120 = arith.cmpf ogt, %add3A_118, %gt3A_119 : vector<16xf32>
        %mul3A_121 = arith.constant 2.000000e-01 : f32
        %mul3A_122 = vector.broadcast %mul3A_121 : f32 to vector<16xf32>
        %mul3A_123 = arith.mulf %add3A_118, %mul3A_122 : vector<16xf32>
        %select_n3A = arith.select %gt3A_120, %add3A_118, %mul3A_123 : vector<16xi1>, vector<16xf32>
        %exp3A = math.exp %select_n3A : vector<16xf32>
        %swap3A = arith.index_cast %scan3A_110 : i32 to index
        %swap3A_124 = arith.constant 0 : index
        %swap3A_125 = tpu.vector_load %arg17[%swap3A, %swap3A_124] {strides = array<i32>} : memref<128x16xf32, #tpu.memory_space<vmem>>, vector<1x16xf32>,
        %swap3A_126 = vector.shape_cast %swap3A_125 : vector<1x16xf32> to vector<16xf32>
        %swap3A_127 = vector.shape_cast %exp3A : vector<16xf32> to vector<1x16xf32>
        tpu.vector_store %arg17[%swap3A, %swap3A_124], %swap3A_127 {strides = array<i32>} : memref<128x16xf32, #tpu.memory_space<vmem>>, vector<1x16xf32>,
      }
      %scan3A_86 = arith.constant 128 : i32
      %add3A_87 = arith.constant 1 : i32
      %add3A_88 = arith.addi %add3A_74, %add3A_87 : i32
      %lt3A_89 = arith.constant 82 : i32
      %lt3A_90 = arith.cmpi slt, %add3A_88, %lt3A_89 : i32
      %convert_element_type3A_91 = arith.extui %lt3A_90 : i1 to i32
      %cond3A_92 = arith.constant 0 : i32
      %cond3A_93 = arith.cmpi ne, %convert_element_type3A_91, %cond3A_92 : i32
      scf.if %cond3A_93 {
        %mul3A_110 = arith.constant 10496 : i32
        %mul3A_111 = arith.muli %add3A, %mul3A_110 : i32
        %dma_wait3A_112 = tpu.memref_slice %arg5[%mul3A_111] : memref<335872xi32, #tpu.memory_space<hbm>> -> memref<128xi32, #tpu.memory_space<hbm>>
        %dma_wait3A_113 = tpu.memref_slice %arg5[%mul3A_111] : memref<335872xi32, #tpu.memory_space<hbm>> -> memref<128xi32, #tpu.memory_space<hbm>>
        tpu.wait_dma2 semaphore(%arg22 : memref<!tpu.dma_semaphore, #tpu.memory_space<semaphore_mem>>) src(%dma_wait3A_113 : memref<128xi32, #tpu.memory_space<hbm>>) dst(%arg11 : memref<128xi32, #tpu.memory_space<vmem>>)
        %dma_wait3A_114 = tpu.memref_slice %arg6[%mul3A_111] : memref<335872xi32, #tpu.memory_space<hbm>> -> memref<128xi32, #tpu.memory_space<hbm>>
        %dma_wait3A_115 = tpu.memref_slice %arg6[%mul3A_111] : memref<335872xi32, #tpu.memory_space<hbm>> -> memref<128xi32, #tpu.memory_space<hbm>>
        tpu.wait_dma2 semaphore(%arg22 : memref<!tpu.dma_semaphore, #tpu.memory_space<semaphore_mem>>) src(%dma_wait3A_115 : memref<128xi32, #tpu.memory_space<hbm>>) dst(%arg13 : memref<128xi32, #tpu.memory_space<vmem>>)
        %dma_start3A_116 = arith.constant 0 : i32
        %dma_start3A_117 = arith.constant 0 : i32
        %dma_start3A_118 = tpu.memref_slice %arg3[%dma_start3A_116, %dma_start3A_117] : memref<10112x16xf32, #tpu.memory_space<hbm>> -> memref<10112x16xf32, #tpu.memory_space<hbm>>
        tpu.enqueue_indirect_dma source(%dma_start3A_118 : memref<10112x16xf32, #tpu.memory_space<hbm>>) target(%arg15 : memref<128x16xf32, #tpu.memory_space<vmem>>) offsets(%arg11 : memref<128xi32, #tpu.memory_space<vmem>>) semaphore(%arg26 : memref<!tpu.dma_semaphore, #tpu.memory_space<semaphore_mem>>)
        %dma_start3A_119 = arith.constant 0 : i32
        %dma_start3A_120 = arith.constant 0 : i32
        %dma_start3A_121 = tpu.memref_slice %arg4[%dma_start3A_119, %dma_start3A_120] : memref<10112x16xf32, #tpu.memory_space<hbm>> -> memref<10112x16xf32, #tpu.memory_space<hbm>>
        tpu.enqueue_indirect_dma source(%dma_start3A_121 : memref<10112x16xf32, #tpu.memory_space<hbm>>) target(%arg16 : memref<128x16xf32, #tpu.memory_space<vmem>>) offsets(%arg13 : memref<128xi32, #tpu.memory_space<vmem>>) semaphore(%arg26 : memref<!tpu.dma_semaphore, #tpu.memory_space<semaphore_mem>>)
        %dma_start3A_122 = arith.constant 0 : i32
        %dma_start3A_123 = arith.constant 0 : i32
        %dma_start3A_124 = tpu.memref_slice %arg2[%dma_start3A_122, %dma_start3A_123] : memref<10112x32xf32, #tpu.memory_space<hbm>> -> memref<10112x32xf32, #tpu.memory_space<hbm>>
        tpu.enqueue_indirect_dma source(%dma_start3A_124 : memref<10112x32xf32, #tpu.memory_space<hbm>>) target(%arg18 : memref<128x32xf32, #tpu.memory_space<vmem>>) offsets(%arg11 : memref<128xi32, #tpu.memory_space<vmem>>) semaphore(%arg24 : memref<!tpu.dma_semaphore, #tpu.memory_space<semaphore_mem>>)
      } else {
      }
      %dma_wait3A_94 = arith.constant 0 : i32
      %dma_wait3A_95 = arith.constant 0 : i32
      %dma_wait3A_96 = tpu.memref_slice %arg2[%dma_wait3A_94, %dma_wait3A_95] : memref<10112x32xf32, #tpu.memory_space<hbm>> -> memref<10112x32xf32, #tpu.memory_space<hbm>>
      tpu.wait_indirect_dma semaphore(%arg25 : memref<!tpu.dma_semaphore, #tpu.memory_space<semaphore_mem>>) src(%dma_wait3A_96 : memref<10112x32xf32, #tpu.memory_space<hbm>>) dst(%arg19 : memref<128x32xf32, #tpu.memory_space<vmem>>)
      %scan3A_97 = arith.constant 0 : i32
      %scan3A_98 = arith.constant 0 : i32
      %scan3A_99 = arith.constant 128 : i32
      %scan3A_100 = arith.addi %scan3A_98, %scan3A_99 : i32
      %scan3A_101 = arith.constant 1 : i32
      scf.for %scan3A_110 = %scan3A_98 to %scan3A_100 step %scan3A_101  : i32 {
        %get3A = arith.index_cast %scan3A_110 : i32 to index
        %get3A_111 = arith.constant 0 : index
        %get3A_112 = tpu.vector_load %arg17[%get3A, %get3A_111] {strides = array<i32>} : memref<128x16xf32, #tpu.memory_space<vmem>>, vector<1x16xf32>,
        %get3A_113 = vector.shape_cast %get3A_112 : vector<1x16xf32> to vector<16xf32>
        %slice3A = vector.extract_strided_slice %get3A_113 {offsets = [0], sizes = [1], strides = [1]} : vector<16xf32> to vector<1xf32>
        %squeeze3A = vector.extract %slice3A[0] : f32 from vector<1xf32>
        %get3A_114 = arith.index_cast %scan3A_110 : i32 to index
        %get3A_115 = arith.constant 0 : index
        %get3A_116 = tpu.vector_load %arg19[%get3A_114, %get3A_115] {strides = array<i32>} : memref<128x32xf32, #tpu.memory_space<vmem>>, vector<1x16xf32>,
        %get3A_117 = vector.shape_cast %get3A_116 : vector<1x16xf32> to vector<16xf32>
        %mul3A_118 = vector.broadcast %squeeze3A : f32 to vector<16xf32>
        %mul3A_119 = arith.mulf %get3A_117, %mul3A_118 : vector<16xf32>
        %swap3A = arith.index_cast %scan3A_110 : i32 to index
        %swap3A_120 = arith.constant 0 : index
        %swap3A_121 = tpu.vector_load %arg19[%swap3A, %swap3A_120] {strides = array<i32>} : memref<128x32xf32, #tpu.memory_space<vmem>>, vector<1x16xf32>,
        %swap3A_122 = vector.shape_cast %swap3A_121 : vector<1x16xf32> to vector<16xf32>
        %swap3A_123 = vector.shape_cast %mul3A_119 : vector<16xf32> to vector<1x16xf32>
        tpu.vector_store %arg19[%swap3A, %swap3A_120], %swap3A_123 {strides = array<i32>} : memref<128x32xf32, #tpu.memory_space<vmem>>, vector<1x16xf32>,
        %slice3A_124 = vector.extract_strided_slice %get3A_113 {offsets = [0], sizes = [1], strides = [1]} : vector<16xf32> to vector<1xf32>
        %squeeze3A_125 = vector.extract %slice3A_124[0] : f32 from vector<1xf32>
        %get3A_126 = arith.index_cast %scan3A_110 : i32 to index
        %get3A_127 = arith.constant 16 : index
        %get3A_128 = tpu.vector_load %arg19[%get3A_126, %get3A_127] {strides = array<i32>} : memref<128x32xf32, #tpu.memory_space<vmem>>, vector<1x16xf32>,
        %get3A_129 = vector.shape_cast %get3A_128 : vector<1x16xf32> to vector<16xf32>
        %mul3A_130 = vector.broadcast %squeeze3A_125 : f32 to vector<16xf32>
        %mul3A_131 = arith.mulf %get3A_129, %mul3A_130 : vector<16xf32>
        %swap3A_132 = arith.index_cast %scan3A_110 : i32 to index
        %swap3A_133 = arith.constant 16 : index
        %swap3A_134 = tpu.vector_load %arg19[%swap3A_132, %swap3A_133] {strides = array<i32>} : memref<128x32xf32, #tpu.memory_space<vmem>>, vector<1x16xf32>,
        %swap3A_135 = vector.shape_cast %swap3A_134 : vector<1x16xf32> to vector<16xf32>
        %swap3A_136 = vector.shape_cast %mul3A_131 : vector<16xf32> to vector<1x16xf32>
        tpu.vector_store %arg19[%swap3A_132, %swap3A_133], %swap3A_136 {strides = array<i32>} : memref<128x32xf32, #tpu.memory_space<vmem>>, vector<1x16xf32>,
      }
      %scan3A_102 = arith.constant 128 : i32
      "tpu.region"() ({
        %run_scoped3A = tpu.sem_alloc : memref<!tpu.dma_semaphore, #tpu.memory_space<semaphore_mem>>
        %dma_start3A_110 = arith.constant 0 : i32
        %dma_start3A_111 = arith.constant 0 : i32
        %dma_start3A_112 = tpu.memref_slice %arg21[%dma_start3A_110, %dma_start3A_111] : memref<10112x16xf32, #tpu.memory_space<vmem_shared>> -> memref<10112x16xf32, #tpu.memory_space<vmem_shared>>
        tpu.enqueue_indirect_dma source(%arg17 : memref<128x16xf32, #tpu.memory_space<vmem>>) target(%dma_start3A_112 : memref<10112x16xf32, #tpu.memory_space<vmem_shared>>) offsets(%arg14 : memref<128xi32, #tpu.memory_space<vmem>>) semaphore(%run_scoped3A : memref<!tpu.dma_semaphore, #tpu.memory_space<semaphore_mem>>) {add = true}
        %dma_wait3A_113 = arith.constant 0 : i32
        %dma_wait3A_114 = arith.constant 0 : i32
        %dma_wait3A_115 = tpu.memref_slice %arg21[%dma_wait3A_113, %dma_wait3A_114] : memref<10112x16xf32, #tpu.memory_space<vmem_shared>> -> memref<10112x16xf32, #tpu.memory_space<vmem_shared>>
        tpu.wait_indirect_dma semaphore(%run_scoped3A : memref<!tpu.dma_semaphore, #tpu.memory_space<semaphore_mem>>) src(%arg17 : memref<128x16xf32, #tpu.memory_space<vmem>>) dst(%dma_wait3A_115 : memref<10112x16xf32, #tpu.memory_space<vmem_shared>>)
        tpu.yield
      }) : () -> ()
      "tpu.region"() ({
        %run_scoped3A = tpu.sem_alloc : memref<!tpu.dma_semaphore, #tpu.memory_space<semaphore_mem>>
        %dma_start3A_110 = arith.constant 0 : i32
        %dma_start3A_111 = arith.constant 0 : i32
        %dma_start3A_112 = tpu.memref_slice %arg20[%dma_start3A_110, %dma_start3A_111] : memref<10112x32xf32, #tpu.memory_space<vmem_shared>> -> memref<10112x32xf32, #tpu.memory_space<vmem_shared>>
        tpu.enqueue_indirect_dma source(%arg19 : memref<128x32xf32, #tpu.memory_space<vmem>>) target(%dma_start3A_112 : memref<10112x32xf32, #tpu.memory_space<vmem_shared>>) offsets(%arg14 : memref<128xi32, #tpu.memory_space<vmem>>) semaphore(%run_scoped3A : memref<!tpu.dma_semaphore, #tpu.memory_space<semaphore_mem>>) {add = true}
        %dma_wait3A_113 = arith.constant 0 : i32
        %dma_wait3A_114 = arith.constant 0 : i32
        %dma_wait3A_115 = tpu.memref_slice %arg20[%dma_wait3A_113, %dma_wait3A_114] : memref<10112x32xf32, #tpu.memory_space<vmem_shared>> -> memref<10112x32xf32, #tpu.memory_space<vmem_shared>>
        tpu.wait_indirect_dma semaphore(%run_scoped3A : memref<!tpu.dma_semaphore, #tpu.memory_space<semaphore_mem>>) src(%arg19 : memref<128x32xf32, #tpu.memory_space<vmem>>) dst(%dma_wait3A_115 : memref<10112x32xf32, #tpu.memory_space<vmem_shared>>)
        tpu.yield
      }) : () -> ()
      %add3A_103 = arith.constant 2 : i32
      %add3A_104 = arith.addi %add3A_74, %add3A_103 : i32
      %lt3A_105 = arith.constant 82 : i32
      %lt3A_106 = arith.cmpi slt, %add3A_104, %lt3A_105 : i32
      %convert_element_type3A_107 = arith.extui %lt3A_106 : i1 to i32
      %cond3A_108 = arith.constant 0 : i32
      %cond3A_109 = arith.cmpi ne, %convert_element_type3A_107, %cond3A_108 : i32
      scf.if %cond3A_109 {
        %add3A_110 = arith.constant 2 : i32
        %add3A_111 = arith.addi %add3A_74, %add3A_110 : i32
        %mul3A_112 = arith.constant 32 : i32
        %mul3A_113 = arith.muli %add3A_111, %mul3A_112 : i32
        %add3A_114 = arith.addi %mul3A_113, %add3A : i32
        %mul3A_115 = arith.constant 128 : i32
        %mul3A_116 = arith.muli %add3A_114, %mul3A_115 : i32
        %dma_start3A_117 = tpu.memref_slice %arg5[%mul3A_116] : memref<335872xi32, #tpu.memory_space<hbm>> -> memref<128xi32, #tpu.memory_space<hbm>>
        %dma_start3A_118 = tpu.memref_slice %arg5[%mul3A_116] : memref<335872xi32, #tpu.memory_space<hbm>> -> memref<128xi32, #tpu.memory_space<hbm>>
        tpu.enqueue_dma source(%dma_start3A_118 : memref<128xi32, #tpu.memory_space<hbm>>) target(%arg12 : memref<128xi32, #tpu.memory_space<vmem>>) target_semaphore(%arg23 : memref<!tpu.dma_semaphore, #tpu.memory_space<semaphore_mem>>)
        %dma_start3A_119 = tpu.memref_slice %arg6[%mul3A_116] : memref<335872xi32, #tpu.memory_space<hbm>> -> memref<128xi32, #tpu.memory_space<hbm>>
        %dma_start3A_120 = tpu.memref_slice %arg6[%mul3A_116] : memref<335872xi32, #tpu.memory_space<hbm>> -> memref<128xi32, #tpu.memory_space<hbm>>
        tpu.enqueue_dma source(%dma_start3A_120 : memref<128xi32, #tpu.memory_space<hbm>>) target(%arg14 : memref<128xi32, #tpu.memory_space<vmem>>) target_semaphore(%arg23 : memref<!tpu.dma_semaphore, #tpu.memory_space<semaphore_mem>>)
      } else {
      }
    }
    %scan3A_27 = arith.constant 41 : i32
    %barrier3A_28 = arith.constant 0 : index
    tpu.barrier barrier_id(%barrier3A_28)
    %mul3A_29 = arith.constant 10112 : i32
    %mul3A_30 = arith.muli %arg0, %mul3A_29 : i32
    %add3A_31 = arith.addi %mul3A_30, %mul3A_2 : i32
    "tpu.region"() ({
      %run_scoped3A = tpu.sem_alloc : memref<!tpu.dma_semaphore, #tpu.memory_space<semaphore_mem>>
      %dma_start3A_35 = arith.constant 0 : i32
      %dma_start3A_36 = tpu.memref_slice %arg9[%add3A_31, %dma_start3A_35] : memref<20224x32xf32, #tpu.memory_space<hbm>> -> memref<632x32xf32, #tpu.memory_space<hbm>>
      %dma_start3A_37 = arith.constant 0 : i32
      %dma_start3A_38 = tpu.memref_slice %arg20[%mul3A_2, %dma_start3A_37] : memref<10112x32xf32, #tpu.memory_space<vmem_shared>> -> memref<632x32xf32, #tpu.memory_space<vmem_shared>>
      tpu.enqueue_dma source(%dma_start3A_38 : memref<632x32xf32, #tpu.memory_space<vmem_shared>>) target(%dma_start3A_36 : memref<632x32xf32, #tpu.memory_space<hbm>>) target_semaphore(%run_scoped3A : memref<!tpu.dma_semaphore, #tpu.memory_space<semaphore_mem>>)
      %dma_wait3A = arith.constant 0 : i32
      %dma_wait3A_39 = tpu.memref_slice %arg9[%add3A_31, %dma_wait3A] : memref<20224x32xf32, #tpu.memory_space<hbm>> -> memref<632x32xf32, #tpu.memory_space<hbm>>
      %dma_wait3A_40 = arith.constant 0 : i32
      %dma_wait3A_41 = tpu.memref_slice %arg20[%mul3A_2, %dma_wait3A_40] : memref<10112x32xf32, #tpu.memory_space<vmem_shared>> -> memref<632x32xf32, #tpu.memory_space<vmem_shared>>
      tpu.wait_dma2 semaphore(%run_scoped3A : memref<!tpu.dma_semaphore, #tpu.memory_space<semaphore_mem>>) src(%dma_wait3A_41 : memref<632x32xf32, #tpu.memory_space<vmem_shared>>) dst(%dma_wait3A_39 : memref<632x32xf32, #tpu.memory_space<hbm>>)
      tpu.yield
    }) : () -> ()
    %mul3A_32 = arith.constant 10112 : i32
    %mul3A_33 = arith.muli %arg0, %mul3A_32 : i32
    %add3A_34 = arith.addi %mul3A_33, %mul3A_2 : i32
    "tpu.region"() ({
      %run_scoped3A = tpu.sem_alloc : memref<!tpu.dma_semaphore, #tpu.memory_space<semaphore_mem>>
      %dma_start3A_35 = arith.constant 0 : i32
      %dma_start3A_36 = tpu.memref_slice %arg10[%add3A_34, %dma_start3A_35] : memref<20224x16xf32, #tpu.memory_space<hbm>> -> memref<632x16xf32, #tpu.memory_space<hbm>>
      %dma_start3A_37 = arith.constant 0 : i32
      %dma_start3A_38 = tpu.memref_slice %arg21[%mul3A_2, %dma_start3A_37] : memref<10112x16xf32, #tpu.memory_space<vmem_shared>> -> memref<632x16xf32, #tpu.memory_space<vmem_shared>>
      tpu.enqueue_dma source(%dma_start3A_38 : memref<632x16xf32, #tpu.memory_space<vmem_shared>>) target(%dma_start3A_36 : memref<632x16xf32, #tpu.memory_space<hbm>>) target_semaphore(%run_scoped3A : memref<!tpu.dma_semaphore, #tpu.memory_space<semaphore_mem>>)
      %dma_wait3A = arith.constant 0 : i32
      %dma_wait3A_39 = tpu.memref_slice %arg10[%add3A_34, %dma_wait3A] : memref<20224x16xf32, #tpu.memory_space<hbm>> -> memref<632x16xf32, #tpu.memory_space<hbm>>
      %dma_wait3A_40 = arith.constant 0 : i32
      %dma_wait3A_41 = tpu.memref_slice %arg21[%mul3A_2, %dma_wait3A_40] : memref<10112x16xf32, #tpu.memory_space<vmem_shared>> -> memref<632x16xf32, #tpu.memory_space<vmem_shared>>
      tpu.wait_dma2 semaphore(%run_scoped3A : memref<!tpu.dma_semaphore, #tpu.memory_space<semaphore_mem>>) src(%dma_wait3A_41 : memref<632x16xf32, #tpu.memory_space<vmem_shared>>) dst(%dma_wait3A_39 : memref<632x16xf32, #tpu.memory_space<hbm>>)
      tpu.yield
    }) : () -> ()
    return
  }
}

#map = affine_map<(d0, d1) -> (0, 0)>
#map1 = affine_map<(d0, d1) -> (0)>
module attributes {stable_mosaic.version = 14 : i64} {
  func.func @body(%arg0: i32, %arg1: i32, %arg2: memref<10112x128xf32, #tpu.memory_space<hbm>>, %arg3: memref<10112x16xf32, #tpu.memory_space<hbm>>, %arg4: memref<10112x16xf32, #tpu.memory_space<hbm>>, %arg5: memref<335872xi32, #tpu.memory_space<hbm>>, %arg6: memref<335872xi32, #tpu.memory_space<hbm>>, %arg7: memref<10112x128xf32, #tpu.memory_space<hbm>>, %arg8: memref<10112x16xf32, #tpu.memory_space<hbm>>, %arg9: memref<20224x128xf32, #tpu.memory_space<hbm>>, %arg10: memref<20224x16xf32, #tpu.memory_space<hbm>>, %arg11: memref<335872x16xf32, #tpu.memory_space<hbm>>, %arg12: memref<128xi32, #tpu.memory_space<vmem>>, %arg13: memref<128xi32, #tpu.memory_space<vmem>>, %arg14: memref<128xi32, #tpu.memory_space<vmem>>, %arg15: memref<128xi32, #tpu.memory_space<vmem>>, %arg16: memref<128x16xf32, #tpu.memory_space<vmem>>, %arg17: memref<128x16xf32, #tpu.memory_space<vmem>>, %arg18: memref<128x16xf32, #tpu.memory_space<vmem>>, %arg19: memref<128x128xf32, #tpu.memory_space<vmem>>, %arg20: memref<128x128xf32, #tpu.memory_space<vmem>>, %arg21: memref<10112x128xf32, #tpu.memory_space<vmem_shared>>, %arg22: memref<10112x16xf32, #tpu.memory_space<vmem_shared>>, %arg23: memref<!tpu.dma_semaphore, #tpu.memory_space<semaphore_mem>>, %arg24: memref<!tpu.dma_semaphore, #tpu.memory_space<semaphore_mem>>, %arg25: memref<!tpu.dma_semaphore, #tpu.memory_space<semaphore_mem>>, %arg26: memref<!tpu.dma_semaphore, #tpu.memory_space<semaphore_mem>>, %arg27: memref<!tpu.dma_semaphore, #tpu.memory_space<semaphore_mem>>, %arg28: memref<!tpu.dma_semaphore, #tpu.memory_space<semaphore_mem>>) attributes {dimension_semantics = [#tpu.dimension_semantics<core_parallel>, #tpu.dimension_semantics<subcore_parallel>], iteration_bounds = array<i64: 2, 16>, scalar_prefetch = 0 : i64, scratch_operands = 17 : i64, tpu.core_type = #tpu.core_type<sc_vector_subcore>, window_params = [{transform_indices = #map}, {transform_indices = #map}, {transform_indices = #map}, {transform_indices = #map1}, {transform_indices = #map1}, {transform_indices = #map}, {transform_indices = #map}, {transform_indices = #map}, {transform_indices = #map}, {transform_indices = #map}]} {
    %mul3A = arith.constant 16 : i32
    %mul3A_0 = arith.muli %arg0, %mul3A : i32
    %add3A = arith.addi %mul3A_0, %arg1 : i32
    %mul3A_1 = arith.constant 632 : i32
    %mul3A_2 = arith.muli %arg1, %mul3A_1 : i32
    "tpu.region"() ({
      %run_scoped3A = tpu.sem_alloc : memref<!tpu.dma_semaphore, #tpu.memory_space<semaphore_mem>>
      %dma_start3A_42 = arith.constant 0 : i32
      %dma_start3A_43 = tpu.memref_slice %arg21[%mul3A_2, %dma_start3A_42] : memref<10112x128xf32, #tpu.memory_space<vmem_shared>> -> memref<632x128xf32, #tpu.memory_space<vmem_shared>>
      %dma_start3A_44 = arith.constant 0 : i32
      %dma_start3A_45 = tpu.memref_slice %arg7[%mul3A_2, %dma_start3A_44] : memref<10112x128xf32, #tpu.memory_space<hbm>> -> memref<632x128xf32, #tpu.memory_space<hbm>>
      tpu.enqueue_dma source(%dma_start3A_45 : memref<632x128xf32, #tpu.memory_space<hbm>>) target(%dma_start3A_43 : memref<632x128xf32, #tpu.memory_space<vmem_shared>>) target_semaphore(%run_scoped3A : memref<!tpu.dma_semaphore, #tpu.memory_space<semaphore_mem>>)
      %dma_wait3A_46 = arith.constant 0 : i32
      %dma_wait3A_47 = tpu.memref_slice %arg21[%mul3A_2, %dma_wait3A_46] : memref<10112x128xf32, #tpu.memory_space<vmem_shared>> -> memref<632x128xf32, #tpu.memory_space<vmem_shared>>
      %dma_wait3A_48 = arith.constant 0 : i32
      %dma_wait3A_49 = tpu.memref_slice %arg7[%mul3A_2, %dma_wait3A_48] : memref<10112x128xf32, #tpu.memory_space<hbm>> -> memref<632x128xf32, #tpu.memory_space<hbm>>
      tpu.wait_dma2 semaphore(%run_scoped3A : memref<!tpu.dma_semaphore, #tpu.memory_space<semaphore_mem>>) src(%dma_wait3A_49 : memref<632x128xf32, #tpu.memory_space<hbm>>) dst(%dma_wait3A_47 : memref<632x128xf32, #tpu.memory_space<vmem_shared>>)
      tpu.yield
    }) : () -> ()
    "tpu.region"() ({
      %run_scoped3A = tpu.sem_alloc : memref<!tpu.dma_semaphore, #tpu.memory_space<semaphore_mem>>
      %dma_start3A_42 = arith.constant 0 : i32
      %dma_start3A_43 = tpu.memref_slice %arg22[%mul3A_2, %dma_start3A_42] : memref<10112x16xf32, #tpu.memory_space<vmem_shared>> -> memref<632x16xf32, #tpu.memory_space<vmem_shared>>
      %dma_start3A_44 = arith.constant 0 : i32
      %dma_start3A_45 = tpu.memref_slice %arg8[%mul3A_2, %dma_start3A_44] : memref<10112x16xf32, #tpu.memory_space<hbm>> -> memref<632x16xf32, #tpu.memory_space<hbm>>
      tpu.enqueue_dma source(%dma_start3A_45 : memref<632x16xf32, #tpu.memory_space<hbm>>) target(%dma_start3A_43 : memref<632x16xf32, #tpu.memory_space<vmem_shared>>) target_semaphore(%run_scoped3A : memref<!tpu.dma_semaphore, #tpu.memory_space<semaphore_mem>>)
      %dma_wait3A_46 = arith.constant 0 : i32
      %dma_wait3A_47 = tpu.memref_slice %arg22[%mul3A_2, %dma_wait3A_46] : memref<10112x16xf32, #tpu.memory_space<vmem_shared>> -> memref<632x16xf32, #tpu.memory_space<vmem_shared>>
      %dma_wait3A_48 = arith.constant 0 : i32
      %dma_wait3A_49 = tpu.memref_slice %arg8[%mul3A_2, %dma_wait3A_48] : memref<10112x16xf32, #tpu.memory_space<hbm>> -> memref<632x16xf32, #tpu.memory_space<hbm>>
      tpu.wait_dma2 semaphore(%run_scoped3A : memref<!tpu.dma_semaphore, #tpu.memory_space<semaphore_mem>>) src(%dma_wait3A_49 : memref<632x16xf32, #tpu.memory_space<hbm>>) dst(%dma_wait3A_47 : memref<632x16xf32, #tpu.memory_space<vmem_shared>>)
      tpu.yield
    }) : () -> ()
    %barrier3A = arith.constant 0 : index
    tpu.barrier barrier_id(%barrier3A)
    %add3A_3 = arith.constant 0 : i32
    %add3A_4 = arith.addi %add3A_3, %add3A : i32
    %mul3A_5 = arith.constant 128 : i32
    %mul3A_6 = arith.muli %add3A_4, %mul3A_5 : i32
    "tpu.region"() ({
      %run_scoped3A = tpu.sem_alloc : memref<!tpu.dma_semaphore, #tpu.memory_space<semaphore_mem>>
      %dma_start3A_42 = tpu.memref_slice %arg5[%mul3A_6] : memref<335872xi32, #tpu.memory_space<hbm>> -> memref<128xi32, #tpu.memory_space<hbm>>
      %dma_start3A_43 = tpu.memref_slice %arg5[%mul3A_6] : memref<335872xi32, #tpu.memory_space<hbm>> -> memref<128xi32, #tpu.memory_space<hbm>>
      tpu.enqueue_dma source(%dma_start3A_43 : memref<128xi32, #tpu.memory_space<hbm>>) target(%arg12 : memref<128xi32, #tpu.memory_space<vmem>>) target_semaphore(%run_scoped3A : memref<!tpu.dma_semaphore, #tpu.memory_space<semaphore_mem>>)
      %dma_wait3A_44 = tpu.memref_slice %arg5[%mul3A_6] : memref<335872xi32, #tpu.memory_space<hbm>> -> memref<128xi32, #tpu.memory_space<hbm>>
      %dma_wait3A_45 = tpu.memref_slice %arg5[%mul3A_6] : memref<335872xi32, #tpu.memory_space<hbm>> -> memref<128xi32, #tpu.memory_space<hbm>>
      tpu.wait_dma2 semaphore(%run_scoped3A : memref<!tpu.dma_semaphore, #tpu.memory_space<semaphore_mem>>) src(%dma_wait3A_45 : memref<128xi32, #tpu.memory_space<hbm>>) dst(%arg12 : memref<128xi32, #tpu.memory_space<vmem>>)
      tpu.yield
    }) : () -> ()
    "tpu.region"() ({
      %run_scoped3A = tpu.sem_alloc : memref<!tpu.dma_semaphore, #tpu.memory_space<semaphore_mem>>
      %dma_start3A_42 = tpu.memref_slice %arg6[%mul3A_6] : memref<335872xi32, #tpu.memory_space<hbm>> -> memref<128xi32, #tpu.memory_space<hbm>>
      %dma_start3A_43 = tpu.memref_slice %arg6[%mul3A_6] : memref<335872xi32, #tpu.memory_space<hbm>> -> memref<128xi32, #tpu.memory_space<hbm>>
      tpu.enqueue_dma source(%dma_start3A_43 : memref<128xi32, #tpu.memory_space<hbm>>) target(%arg14 : memref<128xi32, #tpu.memory_space<vmem>>) target_semaphore(%run_scoped3A : memref<!tpu.dma_semaphore, #tpu.memory_space<semaphore_mem>>)
      %dma_wait3A_44 = tpu.memref_slice %arg6[%mul3A_6] : memref<335872xi32, #tpu.memory_space<hbm>> -> memref<128xi32, #tpu.memory_space<hbm>>
      %dma_wait3A_45 = tpu.memref_slice %arg6[%mul3A_6] : memref<335872xi32, #tpu.memory_space<hbm>> -> memref<128xi32, #tpu.memory_space<hbm>>
      tpu.wait_dma2 semaphore(%run_scoped3A : memref<!tpu.dma_semaphore, #tpu.memory_space<semaphore_mem>>) src(%dma_wait3A_45 : memref<128xi32, #tpu.memory_space<hbm>>) dst(%arg14 : memref<128xi32, #tpu.memory_space<vmem>>)
      tpu.yield
    }) : () -> ()
    %dma_start3A = arith.constant 0 : i32
    %dma_start3A_7 = arith.constant 0 : i32
    %dma_start3A_8 = tpu.memref_slice %arg3[%dma_start3A, %dma_start3A_7] : memref<10112x16xf32, #tpu.memory_space<hbm>> -> memref<10112x16xf32, #tpu.memory_space<hbm>>
    tpu.enqueue_indirect_dma source(%dma_start3A_8 : memref<10112x16xf32, #tpu.memory_space<hbm>>) target(%arg16 : memref<128x16xf32, #tpu.memory_space<vmem>>) offsets(%arg12 : memref<128xi32, #tpu.memory_space<vmem>>) semaphore(%arg27 : memref<!tpu.dma_semaphore, #tpu.memory_space<semaphore_mem>>)
    %dma_start3A_9 = arith.constant 0 : i32
    %dma_start3A_10 = arith.constant 0 : i32
    %dma_start3A_11 = tpu.memref_slice %arg4[%dma_start3A_9, %dma_start3A_10] : memref<10112x16xf32, #tpu.memory_space<hbm>> -> memref<10112x16xf32, #tpu.memory_space<hbm>>
    tpu.enqueue_indirect_dma source(%dma_start3A_11 : memref<10112x16xf32, #tpu.memory_space<hbm>>) target(%arg17 : memref<128x16xf32, #tpu.memory_space<vmem>>) offsets(%arg14 : memref<128xi32, #tpu.memory_space<vmem>>) semaphore(%arg27 : memref<!tpu.dma_semaphore, #tpu.memory_space<semaphore_mem>>)
    %dma_start3A_12 = arith.constant 0 : i32
    %dma_start3A_13 = arith.constant 0 : i32
    %dma_start3A_14 = tpu.memref_slice %arg2[%dma_start3A_12, %dma_start3A_13] : memref<10112x128xf32, #tpu.memory_space<hbm>> -> memref<10112x128xf32, #tpu.memory_space<hbm>>
    tpu.enqueue_indirect_dma source(%dma_start3A_14 : memref<10112x128xf32, #tpu.memory_space<hbm>>) target(%arg19 : memref<128x128xf32, #tpu.memory_space<vmem>>) offsets(%arg12 : memref<128xi32, #tpu.memory_space<vmem>>) semaphore(%arg25 : memref<!tpu.dma_semaphore, #tpu.memory_space<semaphore_mem>>)
    %add3A_15 = arith.constant 32 : i32
    %add3A_16 = arith.addi %add3A_15, %add3A : i32
    %mul3A_17 = arith.constant 128 : i32
    %mul3A_18 = arith.muli %add3A_16, %mul3A_17 : i32
    %dma_start3A_19 = tpu.memref_slice %arg5[%mul3A_18] : memref<335872xi32, #tpu.memory_space<hbm>> -> memref<128xi32, #tpu.memory_space<hbm>>
    %dma_start3A_20 = tpu.memref_slice %arg5[%mul3A_18] : memref<335872xi32, #tpu.memory_space<hbm>> -> memref<128xi32, #tpu.memory_space<hbm>>
    tpu.enqueue_dma source(%dma_start3A_20 : memref<128xi32, #tpu.memory_space<hbm>>) target(%arg13 : memref<128xi32, #tpu.memory_space<vmem>>) target_semaphore(%arg24 : memref<!tpu.dma_semaphore, #tpu.memory_space<semaphore_mem>>)
    %dma_start3A_21 = tpu.memref_slice %arg6[%mul3A_18] : memref<335872xi32, #tpu.memory_space<hbm>> -> memref<128xi32, #tpu.memory_space<hbm>>
    %dma_start3A_22 = tpu.memref_slice %arg6[%mul3A_18] : memref<335872xi32, #tpu.memory_space<hbm>> -> memref<128xi32, #tpu.memory_space<hbm>>
    tpu.enqueue_dma source(%dma_start3A_22 : memref<128xi32, #tpu.memory_space<hbm>>) target(%arg15 : memref<128xi32, #tpu.memory_space<vmem>>) target_semaphore(%arg24 : memref<!tpu.dma_semaphore, #tpu.memory_space<semaphore_mem>>)
    %scan3A = arith.constant 0 : i32
    %scan3A_23 = arith.constant 0 : i32
    %scan3A_24 = arith.constant 41 : i32
    %scan3A_25 = arith.addi %scan3A_23, %scan3A_24 : i32
    %scan3A_26 = arith.constant 1 : i32
    scf.for %scan3A_42 = %scan3A_23 to %scan3A_25 step %scan3A_26  : i32 {
      %mul3A_43 = arith.constant 2 : i32
      %mul3A_44 = arith.muli %scan3A_42, %mul3A_43 : i32
      %add3A_45 = arith.constant 0 : i32
      %add3A_46 = arith.addi %mul3A_44, %add3A_45 : i32
      %dma_wait3A_47 = arith.constant 0 : i32
      %dma_wait3A_48 = arith.constant 0 : i32
      %dma_wait3A_49 = tpu.memref_slice %arg3[%dma_wait3A_47, %dma_wait3A_48] : memref<10112x16xf32, #tpu.memory_space<hbm>> -> memref<10112x16xf32, #tpu.memory_space<hbm>>
      tpu.wait_indirect_dma semaphore(%arg27 : memref<!tpu.dma_semaphore, #tpu.memory_space<semaphore_mem>>) src(%dma_wait3A_49 : memref<10112x16xf32, #tpu.memory_space<hbm>>) dst(%arg16 : memref<128x16xf32, #tpu.memory_space<vmem>>)
      %dma_wait3A_50 = arith.constant 0 : i32
      %dma_wait3A_51 = arith.constant 0 : i32
      %dma_wait3A_52 = tpu.memref_slice %arg4[%dma_wait3A_50, %dma_wait3A_51] : memref<10112x16xf32, #tpu.memory_space<hbm>> -> memref<10112x16xf32, #tpu.memory_space<hbm>>
      tpu.wait_indirect_dma semaphore(%arg27 : memref<!tpu.dma_semaphore, #tpu.memory_space<semaphore_mem>>) src(%dma_wait3A_52 : memref<10112x16xf32, #tpu.memory_space<hbm>>) dst(%arg17 : memref<128x16xf32, #tpu.memory_space<vmem>>)
      %gt3A = arith.constant 0 : i32
      %gt3A_53 = arith.cmpi sgt, %add3A_46, %gt3A : i32
      %convert_element_type3A = arith.extui %gt3A_53 : i1 to i32
      %cond3A = arith.constant 0 : i32
      %cond3A_54 = arith.cmpi ne, %convert_element_type3A, %cond3A : i32
      scf.if %cond3A_54 {
        %sub3A = arith.constant 1 : i32
        %sub3A_145 = arith.subi %add3A_46, %sub3A : i32
        %mul3A_146 = arith.constant 32 : i32
        %mul3A_147 = arith.muli %sub3A_145, %mul3A_146 : i32
        %add3A_148 = arith.addi %mul3A_147, %add3A : i32
        %mul3A_149 = arith.constant 128 : i32
        %mul3A_150 = arith.muli %add3A_148, %mul3A_149 : i32
        %dma_wait3A_151 = arith.constant 0 : i32
        %dma_wait3A_152 = tpu.memref_slice %arg11[%mul3A_150, %dma_wait3A_151] : memref<335872x16xf32, #tpu.memory_space<hbm>> -> memref<128x16xf32, #tpu.memory_space<hbm>>
        %dma_wait3A_153 = arith.constant 0 : i32
        %dma_wait3A_154 = tpu.memref_slice %arg11[%mul3A_150, %dma_wait3A_153] : memref<335872x16xf32, #tpu.memory_space<hbm>> -> memref<128x16xf32, #tpu.memory_space<hbm>>
        tpu.wait_dma2 semaphore(%arg28 : memref<!tpu.dma_semaphore, #tpu.memory_space<semaphore_mem>>) src(%arg18 : memref<128x16xf32, #tpu.memory_space<vmem>>) dst(%dma_wait3A_154 : memref<128x16xf32, #tpu.memory_space<hbm>>)
      } else {
      }
      %scan3A_55 = arith.constant 0 : i32
      %scan3A_56 = arith.constant 0 : i32
      %scan3A_57 = arith.constant 128 : i32
      %scan3A_58 = arith.addi %scan3A_56, %scan3A_57 : i32
      %scan3A_59 = arith.constant 1 : i32
      scf.for %scan3A_145 = %scan3A_56 to %scan3A_58 step %scan3A_59  : i32 {
        %get3A = arith.index_cast %scan3A_145 : i32 to index
        %get3A_146 = arith.constant 0 : index
        %get3A_147 = tpu.vector_load %arg16[%get3A, %get3A_146] {strides = array<i32>} : memref<128x16xf32, #tpu.memory_space<vmem>>, vector<1x16xf32>,
        %get3A_148 = vector.shape_cast %get3A_147 : vector<1x16xf32> to vector<16xf32>
        %get3A_149 = arith.index_cast %scan3A_145 : i32 to index
        %get3A_150 = arith.constant 0 : index
        %get3A_151 = tpu.vector_load %arg17[%get3A_149, %get3A_150] {strides = array<i32>} : memref<128x16xf32, #tpu.memory_space<vmem>>, vector<1x16xf32>,
        %get3A_152 = vector.shape_cast %get3A_151 : vector<1x16xf32> to vector<16xf32>
        %add3A_153 = arith.addf %get3A_148, %get3A_152 : vector<16xf32>
        %gt3A_154 = arith.constant 0.000000e+00 : f32
        %gt3A_155 = vector.broadcast %gt3A_154 : f32 to vector<16xf32>
        %gt3A_156 = arith.cmpf ogt, %add3A_153, %gt3A_155 : vector<16xf32>
        %mul3A_157 = arith.constant 2.000000e-01 : f32
        %mul3A_158 = vector.broadcast %mul3A_157 : f32 to vector<16xf32>
        %mul3A_159 = arith.mulf %add3A_153, %mul3A_158 : vector<16xf32>
        %select_n3A = arith.select %gt3A_156, %add3A_153, %mul3A_159 : vector<16xi1>, vector<16xf32>
        %exp3A = math.exp %select_n3A : vector<16xf32>
        %swap3A = arith.index_cast %scan3A_145 : i32 to index
        %swap3A_160 = arith.constant 0 : index
        %swap3A_161 = tpu.vector_load %arg18[%swap3A, %swap3A_160] {strides = array<i32>} : memref<128x16xf32, #tpu.memory_space<vmem>>, vector<1x16xf32>,
        %swap3A_162 = vector.shape_cast %swap3A_161 : vector<1x16xf32> to vector<16xf32>
        %swap3A_163 = vector.shape_cast %exp3A : vector<16xf32> to vector<1x16xf32>
        tpu.vector_store %arg18[%swap3A, %swap3A_160], %swap3A_163 {strides = array<i32>} : memref<128x16xf32, #tpu.memory_space<vmem>>, vector<1x16xf32>,
      }
      %scan3A_60 = arith.constant 128 : i32
      %mul3A_61 = arith.constant 32 : i32
      %mul3A_62 = arith.muli %add3A_46, %mul3A_61 : i32
      %add3A_63 = arith.addi %mul3A_62, %add3A : i32
      %mul3A_64 = arith.constant 128 : i32
      %mul3A_65 = arith.muli %add3A_63, %mul3A_64 : i32
      %dma_start3A_66 = arith.constant 0 : i32
      %dma_start3A_67 = tpu.memref_slice %arg11[%mul3A_65, %dma_start3A_66] : memref<335872x16xf32, #tpu.memory_space<hbm>> -> memref<128x16xf32, #tpu.memory_space<hbm>>
      %dma_start3A_68 = arith.constant 0 : i32
      %dma_start3A_69 = tpu.memref_slice %arg11[%mul3A_65, %dma_start3A_68] : memref<335872x16xf32, #tpu.memory_space<hbm>> -> memref<128x16xf32, #tpu.memory_space<hbm>>
      tpu.enqueue_dma source(%arg18 : memref<128x16xf32, #tpu.memory_space<vmem>>) target(%dma_start3A_69 : memref<128x16xf32, #tpu.memory_space<hbm>>) target_semaphore(%arg28 : memref<!tpu.dma_semaphore, #tpu.memory_space<semaphore_mem>>)
      %add3A_70 = arith.constant 1 : i32
      %add3A_71 = arith.addi %add3A_46, %add3A_70 : i32
      %lt3A = arith.constant 82 : i32
      %lt3A_72 = arith.cmpi slt, %add3A_71, %lt3A : i32
      %convert_element_type3A_73 = arith.extui %lt3A_72 : i1 to i32
      %cond3A_74 = arith.constant 0 : i32
      %cond3A_75 = arith.cmpi ne, %convert_element_type3A_73, %cond3A_74 : i32
      scf.if %cond3A_75 {
        %mul3A_145 = arith.constant 10496 : i32
        %mul3A_146 = arith.muli %add3A, %mul3A_145 : i32
        %dma_wait3A_147 = tpu.memref_slice %arg5[%mul3A_146] : memref<335872xi32, #tpu.memory_space<hbm>> -> memref<128xi32, #tpu.memory_space<hbm>>
        %dma_wait3A_148 = tpu.memref_slice %arg5[%mul3A_146] : memref<335872xi32, #tpu.memory_space<hbm>> -> memref<128xi32, #tpu.memory_space<hbm>>
        tpu.wait_dma2 semaphore(%arg24 : memref<!tpu.dma_semaphore, #tpu.memory_space<semaphore_mem>>) src(%dma_wait3A_148 : memref<128xi32, #tpu.memory_space<hbm>>) dst(%arg13 : memref<128xi32, #tpu.memory_space<vmem>>)
        %dma_wait3A_149 = tpu.memref_slice %arg6[%mul3A_146] : memref<335872xi32, #tpu.memory_space<hbm>> -> memref<128xi32, #tpu.memory_space<hbm>>
        %dma_wait3A_150 = tpu.memref_slice %arg6[%mul3A_146] : memref<335872xi32, #tpu.memory_space<hbm>> -> memref<128xi32, #tpu.memory_space<hbm>>
        tpu.wait_dma2 semaphore(%arg24 : memref<!tpu.dma_semaphore, #tpu.memory_space<semaphore_mem>>) src(%dma_wait3A_150 : memref<128xi32, #tpu.memory_space<hbm>>) dst(%arg15 : memref<128xi32, #tpu.memory_space<vmem>>)
        %dma_start3A_151 = arith.constant 0 : i32
        %dma_start3A_152 = arith.constant 0 : i32
        %dma_start3A_153 = tpu.memref_slice %arg3[%dma_start3A_151, %dma_start3A_152] : memref<10112x16xf32, #tpu.memory_space<hbm>> -> memref<10112x16xf32, #tpu.memory_space<hbm>>
        tpu.enqueue_indirect_dma source(%dma_start3A_153 : memref<10112x16xf32, #tpu.memory_space<hbm>>) target(%arg16 : memref<128x16xf32, #tpu.memory_space<vmem>>) offsets(%arg13 : memref<128xi32, #tpu.memory_space<vmem>>) semaphore(%arg27 : memref<!tpu.dma_semaphore, #tpu.memory_space<semaphore_mem>>)
        %dma_start3A_154 = arith.constant 0 : i32
        %dma_start3A_155 = arith.constant 0 : i32
        %dma_start3A_156 = tpu.memref_slice %arg4[%dma_start3A_154, %dma_start3A_155] : memref<10112x16xf32, #tpu.memory_space<hbm>> -> memref<10112x16xf32, #tpu.memory_space<hbm>>
        tpu.enqueue_indirect_dma source(%dma_start3A_156 : memref<10112x16xf32, #tpu.memory_space<hbm>>) target(%arg17 : memref<128x16xf32, #tpu.memory_space<vmem>>) offsets(%arg15 : memref<128xi32, #tpu.memory_space<vmem>>) semaphore(%arg27 : memref<!tpu.dma_semaphore, #tpu.memory_space<semaphore_mem>>)
        %dma_start3A_157 = arith.constant 0 : i32
        %dma_start3A_158 = arith.constant 0 : i32
        %dma_start3A_159 = tpu.memref_slice %arg2[%dma_start3A_157, %dma_start3A_158] : memref<10112x128xf32, #tpu.memory_space<hbm>> -> memref<10112x128xf32, #tpu.memory_space<hbm>>
        tpu.enqueue_indirect_dma source(%dma_start3A_159 : memref<10112x128xf32, #tpu.memory_space<hbm>>) target(%arg20 : memref<128x128xf32, #tpu.memory_space<vmem>>) offsets(%arg13 : memref<128xi32, #tpu.memory_space<vmem>>) semaphore(%arg26 : memref<!tpu.dma_semaphore, #tpu.memory_space<semaphore_mem>>)
      } else {
      }
      %dma_wait3A_76 = arith.constant 0 : i32
      %dma_wait3A_77 = arith.constant 0 : i32
      %dma_wait3A_78 = tpu.memref_slice %arg2[%dma_wait3A_76, %dma_wait3A_77] : memref<10112x128xf32, #tpu.memory_space<hbm>> -> memref<10112x128xf32, #tpu.memory_space<hbm>>
      tpu.wait_indirect_dma semaphore(%arg25 : memref<!tpu.dma_semaphore, #tpu.memory_space<semaphore_mem>>) src(%dma_wait3A_78 : memref<10112x128xf32, #tpu.memory_space<hbm>>) dst(%arg19 : memref<128x128xf32, #tpu.memory_space<vmem>>)
      %scan3A_79 = arith.constant 0 : i32
      %scan3A_80 = arith.constant 0 : i32
      %scan3A_81 = arith.constant 128 : i32
      %scan3A_82 = arith.addi %scan3A_80, %scan3A_81 : i32
      %scan3A_83 = arith.constant 1 : i32
      scf.for %scan3A_145 = %scan3A_80 to %scan3A_82 step %scan3A_83  : i32 {
        %get3A = arith.index_cast %scan3A_145 : i32 to index
        %get3A_146 = arith.constant 0 : index
        %get3A_147 = tpu.vector_load %arg18[%get3A, %get3A_146] {strides = array<i32>} : memref<128x16xf32, #tpu.memory_space<vmem>>, vector<1x16xf32>,
        %get3A_148 = vector.shape_cast %get3A_147 : vector<1x16xf32> to vector<16xf32>
        %slice3A = vector.extract_strided_slice %get3A_148 {offsets = [0], sizes = [1], strides = [1]} : vector<16xf32> to vector<1xf32>
        %squeeze3A = vector.extract %slice3A[0] : f32 from vector<1xf32>
        %get3A_149 = arith.index_cast %scan3A_145 : i32 to index
        %get3A_150 = arith.constant 0 : index
        %get3A_151 = tpu.vector_load %arg19[%get3A_149, %get3A_150] {strides = array<i32>} : memref<128x128xf32, #tpu.memory_space<vmem>>, vector<1x16xf32>,
        %get3A_152 = vector.shape_cast %get3A_151 : vector<1x16xf32> to vector<16xf32>
        %mul3A_153 = vector.broadcast %squeeze3A : f32 to vector<16xf32>
        %mul3A_154 = arith.mulf %get3A_152, %mul3A_153 : vector<16xf32>
        %swap3A = arith.index_cast %scan3A_145 : i32 to index
        %swap3A_155 = arith.constant 0 : index
        %swap3A_156 = tpu.vector_load %arg19[%swap3A, %swap3A_155] {strides = array<i32>} : memref<128x128xf32, #tpu.memory_space<vmem>>, vector<1x16xf32>,
        %swap3A_157 = vector.shape_cast %swap3A_156 : vector<1x16xf32> to vector<16xf32>
        %swap3A_158 = vector.shape_cast %mul3A_154 : vector<16xf32> to vector<1x16xf32>
        tpu.vector_store %arg19[%swap3A, %swap3A_155], %swap3A_158 {strides = array<i32>} : memref<128x128xf32, #tpu.memory_space<vmem>>, vector<1x16xf32>,
        %slice3A_159 = vector.extract_strided_slice %get3A_148 {offsets = [0], sizes = [1], strides = [1]} : vector<16xf32> to vector<1xf32>
        %squeeze3A_160 = vector.extract %slice3A_159[0] : f32 from vector<1xf32>
        %get3A_161 = arith.index_cast %scan3A_145 : i32 to index
        %get3A_162 = arith.constant 16 : index
        %get3A_163 = tpu.vector_load %arg19[%get3A_161, %get3A_162] {strides = array<i32>} : memref<128x128xf32, #tpu.memory_space<vmem>>, vector<1x16xf32>,
        %get3A_164 = vector.shape_cast %get3A_163 : vector<1x16xf32> to vector<16xf32>
        %mul3A_165 = vector.broadcast %squeeze3A_160 : f32 to vector<16xf32>
        %mul3A_166 = arith.mulf %get3A_164, %mul3A_165 : vector<16xf32>
        %swap3A_167 = arith.index_cast %scan3A_145 : i32 to index
        %swap3A_168 = arith.constant 16 : index
        %swap3A_169 = tpu.vector_load %arg19[%swap3A_167, %swap3A_168] {strides = array<i32>} : memref<128x128xf32, #tpu.memory_space<vmem>>, vector<1x16xf32>,
        %swap3A_170 = vector.shape_cast %swap3A_169 : vector<1x16xf32> to vector<16xf32>
        %swap3A_171 = vector.shape_cast %mul3A_166 : vector<16xf32> to vector<1x16xf32>
        tpu.vector_store %arg19[%swap3A_167, %swap3A_168], %swap3A_171 {strides = array<i32>} : memref<128x128xf32, #tpu.memory_space<vmem>>, vector<1x16xf32>,
        %slice3A_172 = vector.extract_strided_slice %get3A_148 {offsets = [1], sizes = [1], strides = [1]} : vector<16xf32> to vector<1xf32>
        %squeeze3A_173 = vector.extract %slice3A_172[0] : f32 from vector<1xf32>
        %get3A_174 = arith.index_cast %scan3A_145 : i32 to index
        %get3A_175 = arith.constant 32 : index
        %get3A_176 = tpu.vector_load %arg19[%get3A_174, %get3A_175] {strides = array<i32>} : memref<128x128xf32, #tpu.memory_space<vmem>>, vector<1x16xf32>,
        %get3A_177 = vector.shape_cast %get3A_176 : vector<1x16xf32> to vector<16xf32>
        %mul3A_178 = vector.broadcast %squeeze3A_173 : f32 to vector<16xf32>
        %mul3A_179 = arith.mulf %get3A_177, %mul3A_178 : vector<16xf32>
        %swap3A_180 = arith.index_cast %scan3A_145 : i32 to index
        %swap3A_181 = arith.constant 32 : index
        %swap3A_182 = tpu.vector_load %arg19[%swap3A_180, %swap3A_181] {strides = array<i32>} : memref<128x128xf32, #tpu.memory_space<vmem>>, vector<1x16xf32>,
        %swap3A_183 = vector.shape_cast %swap3A_182 : vector<1x16xf32> to vector<16xf32>
        %swap3A_184 = vector.shape_cast %mul3A_179 : vector<16xf32> to vector<1x16xf32>
        tpu.vector_store %arg19[%swap3A_180, %swap3A_181], %swap3A_184 {strides = array<i32>} : memref<128x128xf32, #tpu.memory_space<vmem>>, vector<1x16xf32>,
        %slice3A_185 = vector.extract_strided_slice %get3A_148 {offsets = [1], sizes = [1], strides = [1]} : vector<16xf32> to vector<1xf32>
        %squeeze3A_186 = vector.extract %slice3A_185[0] : f32 from vector<1xf32>
        %get3A_187 = arith.index_cast %scan3A_145 : i32 to index
        %get3A_188 = arith.constant 48 : index
        %get3A_189 = tpu.vector_load %arg19[%get3A_187, %get3A_188] {strides = array<i32>} : memref<128x128xf32, #tpu.memory_space<vmem>>, vector<1x16xf32>,
        %get3A_190 = vector.shape_cast %get3A_189 : vector<1x16xf32> to vector<16xf32>
        %mul3A_191 = vector.broadcast %squeeze3A_186 : f32 to vector<16xf32>
        %mul3A_192 = arith.mulf %get3A_190, %mul3A_191 : vector<16xf32>
        %swap3A_193 = arith.index_cast %scan3A_145 : i32 to index
        %swap3A_194 = arith.constant 48 : index
        %swap3A_195 = tpu.vector_load %arg19[%swap3A_193, %swap3A_194] {strides = array<i32>} : memref<128x128xf32, #tpu.memory_space<vmem>>, vector<1x16xf32>,
        %swap3A_196 = vector.shape_cast %swap3A_195 : vector<1x16xf32> to vector<16xf32>
        %swap3A_197 = vector.shape_cast %mul3A_192 : vector<16xf32> to vector<1x16xf32>
        tpu.vector_store %arg19[%swap3A_193, %swap3A_194], %swap3A_197 {strides = array<i32>} : memref<128x128xf32, #tpu.memory_space<vmem>>, vector<1x16xf32>,
        %slice3A_198 = vector.extract_strided_slice %get3A_148 {offsets = [2], sizes = [1], strides = [1]} : vector<16xf32> to vector<1xf32>
        %squeeze3A_199 = vector.extract %slice3A_198[0] : f32 from vector<1xf32>
        %get3A_200 = arith.index_cast %scan3A_145 : i32 to index
        %get3A_201 = arith.constant 64 : index
        %get3A_202 = tpu.vector_load %arg19[%get3A_200, %get3A_201] {strides = array<i32>} : memref<128x128xf32, #tpu.memory_space<vmem>>, vector<1x16xf32>,
        %get3A_203 = vector.shape_cast %get3A_202 : vector<1x16xf32> to vector<16xf32>
        %mul3A_204 = vector.broadcast %squeeze3A_199 : f32 to vector<16xf32>
        %mul3A_205 = arith.mulf %get3A_203, %mul3A_204 : vector<16xf32>
        %swap3A_206 = arith.index_cast %scan3A_145 : i32 to index
        %swap3A_207 = arith.constant 64 : index
        %swap3A_208 = tpu.vector_load %arg19[%swap3A_206, %swap3A_207] {strides = array<i32>} : memref<128x128xf32, #tpu.memory_space<vmem>>, vector<1x16xf32>,
        %swap3A_209 = vector.shape_cast %swap3A_208 : vector<1x16xf32> to vector<16xf32>
        %swap3A_210 = vector.shape_cast %mul3A_205 : vector<16xf32> to vector<1x16xf32>
        tpu.vector_store %arg19[%swap3A_206, %swap3A_207], %swap3A_210 {strides = array<i32>} : memref<128x128xf32, #tpu.memory_space<vmem>>, vector<1x16xf32>,
        %slice3A_211 = vector.extract_strided_slice %get3A_148 {offsets = [2], sizes = [1], strides = [1]} : vector<16xf32> to vector<1xf32>
        %squeeze3A_212 = vector.extract %slice3A_211[0] : f32 from vector<1xf32>
        %get3A_213 = arith.index_cast %scan3A_145 : i32 to index
        %get3A_214 = arith.constant 80 : index
        %get3A_215 = tpu.vector_load %arg19[%get3A_213, %get3A_214] {strides = array<i32>} : memref<128x128xf32, #tpu.memory_space<vmem>>, vector<1x16xf32>,
        %get3A_216 = vector.shape_cast %get3A_215 : vector<1x16xf32> to vector<16xf32>
        %mul3A_217 = vector.broadcast %squeeze3A_212 : f32 to vector<16xf32>
        %mul3A_218 = arith.mulf %get3A_216, %mul3A_217 : vector<16xf32>
        %swap3A_219 = arith.index_cast %scan3A_145 : i32 to index
        %swap3A_220 = arith.constant 80 : index
        %swap3A_221 = tpu.vector_load %arg19[%swap3A_219, %swap3A_220] {strides = array<i32>} : memref<128x128xf32, #tpu.memory_space<vmem>>, vector<1x16xf32>,
        %swap3A_222 = vector.shape_cast %swap3A_221 : vector<1x16xf32> to vector<16xf32>
        %swap3A_223 = vector.shape_cast %mul3A_218 : vector<16xf32> to vector<1x16xf32>
        tpu.vector_store %arg19[%swap3A_219, %swap3A_220], %swap3A_223 {strides = array<i32>} : memref<128x128xf32, #tpu.memory_space<vmem>>, vector<1x16xf32>,
        %slice3A_224 = vector.extract_strided_slice %get3A_148 {offsets = [3], sizes = [1], strides = [1]} : vector<16xf32> to vector<1xf32>
        %squeeze3A_225 = vector.extract %slice3A_224[0] : f32 from vector<1xf32>
        %get3A_226 = arith.index_cast %scan3A_145 : i32 to index
        %get3A_227 = arith.constant 96 : index
        %get3A_228 = tpu.vector_load %arg19[%get3A_226, %get3A_227] {strides = array<i32>} : memref<128x128xf32, #tpu.memory_space<vmem>>, vector<1x16xf32>,
        %get3A_229 = vector.shape_cast %get3A_228 : vector<1x16xf32> to vector<16xf32>
        %mul3A_230 = vector.broadcast %squeeze3A_225 : f32 to vector<16xf32>
        %mul3A_231 = arith.mulf %get3A_229, %mul3A_230 : vector<16xf32>
        %swap3A_232 = arith.index_cast %scan3A_145 : i32 to index
        %swap3A_233 = arith.constant 96 : index
        %swap3A_234 = tpu.vector_load %arg19[%swap3A_232, %swap3A_233] {strides = array<i32>} : memref<128x128xf32, #tpu.memory_space<vmem>>, vector<1x16xf32>,
        %swap3A_235 = vector.shape_cast %swap3A_234 : vector<1x16xf32> to vector<16xf32>
        %swap3A_236 = vector.shape_cast %mul3A_231 : vector<16xf32> to vector<1x16xf32>
        tpu.vector_store %arg19[%swap3A_232, %swap3A_233], %swap3A_236 {strides = array<i32>} : memref<128x128xf32, #tpu.memory_space<vmem>>, vector<1x16xf32>,
        %slice3A_237 = vector.extract_strided_slice %get3A_148 {offsets = [3], sizes = [1], strides = [1]} : vector<16xf32> to vector<1xf32>
        %squeeze3A_238 = vector.extract %slice3A_237[0] : f32 from vector<1xf32>
        %get3A_239 = arith.index_cast %scan3A_145 : i32 to index
        %get3A_240 = arith.constant 112 : index
        %get3A_241 = tpu.vector_load %arg19[%get3A_239, %get3A_240] {strides = array<i32>} : memref<128x128xf32, #tpu.memory_space<vmem>>, vector<1x16xf32>,
        %get3A_242 = vector.shape_cast %get3A_241 : vector<1x16xf32> to vector<16xf32>
        %mul3A_243 = vector.broadcast %squeeze3A_238 : f32 to vector<16xf32>
        %mul3A_244 = arith.mulf %get3A_242, %mul3A_243 : vector<16xf32>
        %swap3A_245 = arith.index_cast %scan3A_145 : i32 to index
        %swap3A_246 = arith.constant 112 : index
        %swap3A_247 = tpu.vector_load %arg19[%swap3A_245, %swap3A_246] {strides = array<i32>} : memref<128x128xf32, #tpu.memory_space<vmem>>, vector<1x16xf32>,
        %swap3A_248 = vector.shape_cast %swap3A_247 : vector<1x16xf32> to vector<16xf32>
        %swap3A_249 = vector.shape_cast %mul3A_244 : vector<16xf32> to vector<1x16xf32>
        tpu.vector_store %arg19[%swap3A_245, %swap3A_246], %swap3A_249 {strides = array<i32>} : memref<128x128xf32, #tpu.memory_space<vmem>>, vector<1x16xf32>,
      }
      %scan3A_84 = arith.constant 128 : i32
      "tpu.region"() ({
        %run_scoped3A = tpu.sem_alloc : memref<!tpu.dma_semaphore, #tpu.memory_space<semaphore_mem>>
        %dma_start3A_145 = arith.constant 0 : i32
        %dma_start3A_146 = arith.constant 0 : i32
        %dma_start3A_147 = tpu.memref_slice %arg22[%dma_start3A_145, %dma_start3A_146] : memref<10112x16xf32, #tpu.memory_space<vmem_shared>> -> memref<10112x16xf32, #tpu.memory_space<vmem_shared>>
        tpu.enqueue_indirect_dma source(%arg18 : memref<128x16xf32, #tpu.memory_space<vmem>>) target(%dma_start3A_147 : memref<10112x16xf32, #tpu.memory_space<vmem_shared>>) offsets(%arg14 : memref<128xi32, #tpu.memory_space<vmem>>) semaphore(%run_scoped3A : memref<!tpu.dma_semaphore, #tpu.memory_space<semaphore_mem>>) {add = true}
        %dma_wait3A_148 = arith.constant 0 : i32
        %dma_wait3A_149 = arith.constant 0 : i32
        %dma_wait3A_150 = tpu.memref_slice %arg22[%dma_wait3A_148, %dma_wait3A_149] : memref<10112x16xf32, #tpu.memory_space<vmem_shared>> -> memref<10112x16xf32, #tpu.memory_space<vmem_shared>>
        tpu.wait_indirect_dma semaphore(%run_scoped3A : memref<!tpu.dma_semaphore, #tpu.memory_space<semaphore_mem>>) src(%arg18 : memref<128x16xf32, #tpu.memory_space<vmem>>) dst(%dma_wait3A_150 : memref<10112x16xf32, #tpu.memory_space<vmem_shared>>)
        tpu.yield
      }) : () -> ()
      "tpu.region"() ({
        %run_scoped3A = tpu.sem_alloc : memref<!tpu.dma_semaphore, #tpu.memory_space<semaphore_mem>>
        %dma_start3A_145 = arith.constant 0 : i32
        %dma_start3A_146 = arith.constant 0 : i32
        %dma_start3A_147 = tpu.memref_slice %arg21[%dma_start3A_145, %dma_start3A_146] : memref<10112x128xf32, #tpu.memory_space<vmem_shared>> -> memref<10112x128xf32, #tpu.memory_space<vmem_shared>>
        tpu.enqueue_indirect_dma source(%arg19 : memref<128x128xf32, #tpu.memory_space<vmem>>) target(%dma_start3A_147 : memref<10112x128xf32, #tpu.memory_space<vmem_shared>>) offsets(%arg14 : memref<128xi32, #tpu.memory_space<vmem>>) semaphore(%run_scoped3A : memref<!tpu.dma_semaphore, #tpu.memory_space<semaphore_mem>>) {add = true}
        %dma_wait3A_148 = arith.constant 0 : i32
        %dma_wait3A_149 = arith.constant 0 : i32
        %dma_wait3A_150 = tpu.memref_slice %arg21[%dma_wait3A_148, %dma_wait3A_149] : memref<10112x128xf32, #tpu.memory_space<vmem_shared>> -> memref<10112x128xf32, #tpu.memory_space<vmem_shared>>
        tpu.wait_indirect_dma semaphore(%run_scoped3A : memref<!tpu.dma_semaphore, #tpu.memory_space<semaphore_mem>>) src(%arg19 : memref<128x128xf32, #tpu.memory_space<vmem>>) dst(%dma_wait3A_150 : memref<10112x128xf32, #tpu.memory_space<vmem_shared>>)
        tpu.yield
      }) : () -> ()
      %add3A_85 = arith.constant 2 : i32
      %add3A_86 = arith.addi %add3A_46, %add3A_85 : i32
      %lt3A_87 = arith.constant 82 : i32
      %lt3A_88 = arith.cmpi slt, %add3A_86, %lt3A_87 : i32
      %convert_element_type3A_89 = arith.extui %lt3A_88 : i1 to i32
      %cond3A_90 = arith.constant 0 : i32
      %cond3A_91 = arith.cmpi ne, %convert_element_type3A_89, %cond3A_90 : i32
      scf.if %cond3A_91 {
        %add3A_145 = arith.constant 2 : i32
        %add3A_146 = arith.addi %add3A_46, %add3A_145 : i32
        %mul3A_147 = arith.constant 32 : i32
        %mul3A_148 = arith.muli %add3A_146, %mul3A_147 : i32
        %add3A_149 = arith.addi %mul3A_148, %add3A : i32
        %mul3A_150 = arith.constant 128 : i32
        %mul3A_151 = arith.muli %add3A_149, %mul3A_150 : i32
        %dma_start3A_152 = tpu.memref_slice %arg5[%mul3A_151] : memref<335872xi32, #tpu.memory_space<hbm>> -> memref<128xi32, #tpu.memory_space<hbm>>
        %dma_start3A_153 = tpu.memref_slice %arg5[%mul3A_151] : memref<335872xi32, #tpu.memory_space<hbm>> -> memref<128xi32, #tpu.memory_space<hbm>>
        tpu.enqueue_dma source(%dma_start3A_153 : memref<128xi32, #tpu.memory_space<hbm>>) target(%arg12 : memref<128xi32, #tpu.memory_space<vmem>>) target_semaphore(%arg23 : memref<!tpu.dma_semaphore, #tpu.memory_space<semaphore_mem>>)
        %dma_start3A_154 = tpu.memref_slice %arg6[%mul3A_151] : memref<335872xi32, #tpu.memory_space<hbm>> -> memref<128xi32, #tpu.memory_space<hbm>>
        %dma_start3A_155 = tpu.memref_slice %arg6[%mul3A_151] : memref<335872xi32, #tpu.memory_space<hbm>> -> memref<128xi32, #tpu.memory_space<hbm>>
        tpu.enqueue_dma source(%dma_start3A_155 : memref<128xi32, #tpu.memory_space<hbm>>) target(%arg14 : memref<128xi32, #tpu.memory_space<vmem>>) target_semaphore(%arg23 : memref<!tpu.dma_semaphore, #tpu.memory_space<semaphore_mem>>)
      } else {
      }
      %mul3A_92 = arith.constant 2 : i32
      %mul3A_93 = arith.muli %scan3A_42, %mul3A_92 : i32
      %add3A_94 = arith.constant 1 : i32
      %add3A_95 = arith.addi %mul3A_93, %add3A_94 : i32
      %dma_wait3A_96 = arith.constant 0 : i32
      %dma_wait3A_97 = arith.constant 0 : i32
      %dma_wait3A_98 = tpu.memref_slice %arg3[%dma_wait3A_96, %dma_wait3A_97] : memref<10112x16xf32, #tpu.memory_space<hbm>> -> memref<10112x16xf32, #tpu.memory_space<hbm>>
      tpu.wait_indirect_dma semaphore(%arg27 : memref<!tpu.dma_semaphore, #tpu.memory_space<semaphore_mem>>) src(%dma_wait3A_98 : memref<10112x16xf32, #tpu.memory_space<hbm>>) dst(%arg16 : memref<128x16xf32, #tpu.memory_space<vmem>>)
      %dma_wait3A_99 = arith.constant 0 : i32
      %dma_wait3A_100 = arith.constant 0 : i32
      %dma_wait3A_101 = tpu.memref_slice %arg4[%dma_wait3A_99, %dma_wait3A_100] : memref<10112x16xf32, #tpu.memory_space<hbm>> -> memref<10112x16xf32, #tpu.memory_space<hbm>>
      tpu.wait_indirect_dma semaphore(%arg27 : memref<!tpu.dma_semaphore, #tpu.memory_space<semaphore_mem>>) src(%dma_wait3A_101 : memref<10112x16xf32, #tpu.memory_space<hbm>>) dst(%arg17 : memref<128x16xf32, #tpu.memory_space<vmem>>)
      %gt3A_102 = arith.constant 0 : i32
      %gt3A_103 = arith.cmpi sgt, %add3A_95, %gt3A_102 : i32
      %convert_element_type3A_104 = arith.extui %gt3A_103 : i1 to i32
      %cond3A_105 = arith.constant 0 : i32
      %cond3A_106 = arith.cmpi ne, %convert_element_type3A_104, %cond3A_105 : i32
      scf.if %cond3A_106 {
        %sub3A = arith.constant 1 : i32
        %sub3A_145 = arith.subi %add3A_95, %sub3A : i32
        %mul3A_146 = arith.constant 32 : i32
        %mul3A_147 = arith.muli %sub3A_145, %mul3A_146 : i32
        %add3A_148 = arith.addi %mul3A_147, %add3A : i32
        %mul3A_149 = arith.constant 128 : i32
        %mul3A_150 = arith.muli %add3A_148, %mul3A_149 : i32
        %dma_wait3A_151 = arith.constant 0 : i32
        %dma_wait3A_152 = tpu.memref_slice %arg11[%mul3A_150, %dma_wait3A_151] : memref<335872x16xf32, #tpu.memory_space<hbm>> -> memref<128x16xf32, #tpu.memory_space<hbm>>
        %dma_wait3A_153 = arith.constant 0 : i32
        %dma_wait3A_154 = tpu.memref_slice %arg11[%mul3A_150, %dma_wait3A_153] : memref<335872x16xf32, #tpu.memory_space<hbm>> -> memref<128x16xf32, #tpu.memory_space<hbm>>
        tpu.wait_dma2 semaphore(%arg28 : memref<!tpu.dma_semaphore, #tpu.memory_space<semaphore_mem>>) src(%arg18 : memref<128x16xf32, #tpu.memory_space<vmem>>) dst(%dma_wait3A_154 : memref<128x16xf32, #tpu.memory_space<hbm>>)
      } else {
      }
      %scan3A_107 = arith.constant 0 : i32
      %scan3A_108 = arith.constant 0 : i32
      %scan3A_109 = arith.constant 128 : i32
      %scan3A_110 = arith.addi %scan3A_108, %scan3A_109 : i32
      %scan3A_111 = arith.constant 1 : i32
      scf.for %scan3A_145 = %scan3A_108 to %scan3A_110 step %scan3A_111  : i32 {
        %get3A = arith.index_cast %scan3A_145 : i32 to index
        %get3A_146 = arith.constant 0 : index
        %get3A_147 = tpu.vector_load %arg16[%get3A, %get3A_146] {strides = array<i32>} : memref<128x16xf32, #tpu.memory_space<vmem>>, vector<1x16xf32>,
        %get3A_148 = vector.shape_cast %get3A_147 : vector<1x16xf32> to vector<16xf32>
        %get3A_149 = arith.index_cast %scan3A_145 : i32 to index
        %get3A_150 = arith.constant 0 : index
        %get3A_151 = tpu.vector_load %arg17[%get3A_149, %get3A_150] {strides = array<i32>} : memref<128x16xf32, #tpu.memory_space<vmem>>, vector<1x16xf32>,
        %get3A_152 = vector.shape_cast %get3A_151 : vector<1x16xf32> to vector<16xf32>
        %add3A_153 = arith.addf %get3A_148, %get3A_152 : vector<16xf32>
        %gt3A_154 = arith.constant 0.000000e+00 : f32
        %gt3A_155 = vector.broadcast %gt3A_154 : f32 to vector<16xf32>
        %gt3A_156 = arith.cmpf ogt, %add3A_153, %gt3A_155 : vector<16xf32>
        %mul3A_157 = arith.constant 2.000000e-01 : f32
        %mul3A_158 = vector.broadcast %mul3A_157 : f32 to vector<16xf32>
        %mul3A_159 = arith.mulf %add3A_153, %mul3A_158 : vector<16xf32>
        %select_n3A = arith.select %gt3A_156, %add3A_153, %mul3A_159 : vector<16xi1>, vector<16xf32>
        %exp3A = math.exp %select_n3A : vector<16xf32>
        %swap3A = arith.index_cast %scan3A_145 : i32 to index
        %swap3A_160 = arith.constant 0 : index
        %swap3A_161 = tpu.vector_load %arg18[%swap3A, %swap3A_160] {strides = array<i32>} : memref<128x16xf32, #tpu.memory_space<vmem>>, vector<1x16xf32>,
        %swap3A_162 = vector.shape_cast %swap3A_161 : vector<1x16xf32> to vector<16xf32>
        %swap3A_163 = vector.shape_cast %exp3A : vector<16xf32> to vector<1x16xf32>
        tpu.vector_store %arg18[%swap3A, %swap3A_160], %swap3A_163 {strides = array<i32>} : memref<128x16xf32, #tpu.memory_space<vmem>>, vector<1x16xf32>,
      }
      %scan3A_112 = arith.constant 128 : i32
      %mul3A_113 = arith.constant 32 : i32
      %mul3A_114 = arith.muli %add3A_95, %mul3A_113 : i32
      %add3A_115 = arith.addi %mul3A_114, %add3A : i32
      %mul3A_116 = arith.constant 128 : i32
      %mul3A_117 = arith.muli %add3A_115, %mul3A_116 : i32
      %dma_start3A_118 = arith.constant 0 : i32
      %dma_start3A_119 = tpu.memref_slice %arg11[%mul3A_117, %dma_start3A_118] : memref<335872x16xf32, #tpu.memory_space<hbm>> -> memref<128x16xf32, #tpu.memory_space<hbm>>
      %dma_start3A_120 = arith.constant 0 : i32
      %dma_start3A_121 = tpu.memref_slice %arg11[%mul3A_117, %dma_start3A_120] : memref<335872x16xf32, #tpu.memory_space<hbm>> -> memref<128x16xf32, #tpu.memory_space<hbm>>
      tpu.enqueue_dma source(%arg18 : memref<128x16xf32, #tpu.memory_space<vmem>>) target(%dma_start3A_121 : memref<128x16xf32, #tpu.memory_space<hbm>>) target_semaphore(%arg28 : memref<!tpu.dma_semaphore, #tpu.memory_space<semaphore_mem>>)
      %add3A_122 = arith.constant 1 : i32
      %add3A_123 = arith.addi %add3A_95, %add3A_122 : i32
      %lt3A_124 = arith.constant 82 : i32
      %lt3A_125 = arith.cmpi slt, %add3A_123, %lt3A_124 : i32
      %convert_element_type3A_126 = arith.extui %lt3A_125 : i1 to i32
      %cond3A_127 = arith.constant 0 : i32
      %cond3A_128 = arith.cmpi ne, %convert_element_type3A_126, %cond3A_127 : i32
      scf.if %cond3A_128 {
        %mul3A_145 = arith.constant 10496 : i32
        %mul3A_146 = arith.muli %add3A, %mul3A_145 : i32
        %dma_wait3A_147 = tpu.memref_slice %arg5[%mul3A_146] : memref<335872xi32, #tpu.memory_space<hbm>> -> memref<128xi32, #tpu.memory_space<hbm>>
        %dma_wait3A_148 = tpu.memref_slice %arg5[%mul3A_146] : memref<335872xi32, #tpu.memory_space<hbm>> -> memref<128xi32, #tpu.memory_space<hbm>>
        tpu.wait_dma2 semaphore(%arg23 : memref<!tpu.dma_semaphore, #tpu.memory_space<semaphore_mem>>) src(%dma_wait3A_148 : memref<128xi32, #tpu.memory_space<hbm>>) dst(%arg12 : memref<128xi32, #tpu.memory_space<vmem>>)
        %dma_wait3A_149 = tpu.memref_slice %arg6[%mul3A_146] : memref<335872xi32, #tpu.memory_space<hbm>> -> memref<128xi32, #tpu.memory_space<hbm>>
        %dma_wait3A_150 = tpu.memref_slice %arg6[%mul3A_146] : memref<335872xi32, #tpu.memory_space<hbm>> -> memref<128xi32, #tpu.memory_space<hbm>>
        tpu.wait_dma2 semaphore(%arg23 : memref<!tpu.dma_semaphore, #tpu.memory_space<semaphore_mem>>) src(%dma_wait3A_150 : memref<128xi32, #tpu.memory_space<hbm>>) dst(%arg14 : memref<128xi32, #tpu.memory_space<vmem>>)
        %dma_start3A_151 = arith.constant 0 : i32
        %dma_start3A_152 = arith.constant 0 : i32
        %dma_start3A_153 = tpu.memref_slice %arg3[%dma_start3A_151, %dma_start3A_152] : memref<10112x16xf32, #tpu.memory_space<hbm>> -> memref<10112x16xf32, #tpu.memory_space<hbm>>
        tpu.enqueue_indirect_dma source(%dma_start3A_153 : memref<10112x16xf32, #tpu.memory_space<hbm>>) target(%arg16 : memref<128x16xf32, #tpu.memory_space<vmem>>) offsets(%arg12 : memref<128xi32, #tpu.memory_space<vmem>>) semaphore(%arg27 : memref<!tpu.dma_semaphore, #tpu.memory_space<semaphore_mem>>)
        %dma_start3A_154 = arith.constant 0 : i32
        %dma_start3A_155 = arith.constant 0 : i32
        %dma_start3A_156 = tpu.memref_slice %arg4[%dma_start3A_154, %dma_start3A_155] : memref<10112x16xf32, #tpu.memory_space<hbm>> -> memref<10112x16xf32, #tpu.memory_space<hbm>>
        tpu.enqueue_indirect_dma source(%dma_start3A_156 : memref<10112x16xf32, #tpu.memory_space<hbm>>) target(%arg17 : memref<128x16xf32, #tpu.memory_space<vmem>>) offsets(%arg14 : memref<128xi32, #tpu.memory_space<vmem>>) semaphore(%arg27 : memref<!tpu.dma_semaphore, #tpu.memory_space<semaphore_mem>>)
        %dma_start3A_157 = arith.constant 0 : i32
        %dma_start3A_158 = arith.constant 0 : i32
        %dma_start3A_159 = tpu.memref_slice %arg2[%dma_start3A_157, %dma_start3A_158] : memref<10112x128xf32, #tpu.memory_space<hbm>> -> memref<10112x128xf32, #tpu.memory_space<hbm>>
        tpu.enqueue_indirect_dma source(%dma_start3A_159 : memref<10112x128xf32, #tpu.memory_space<hbm>>) target(%arg19 : memref<128x128xf32, #tpu.memory_space<vmem>>) offsets(%arg12 : memref<128xi32, #tpu.memory_space<vmem>>) semaphore(%arg25 : memref<!tpu.dma_semaphore, #tpu.memory_space<semaphore_mem>>)
      } else {
      }
      %dma_wait3A_129 = arith.constant 0 : i32
      %dma_wait3A_130 = arith.constant 0 : i32
      %dma_wait3A_131 = tpu.memref_slice %arg2[%dma_wait3A_129, %dma_wait3A_130] : memref<10112x128xf32, #tpu.memory_space<hbm>> -> memref<10112x128xf32, #tpu.memory_space<hbm>>
      tpu.wait_indirect_dma semaphore(%arg26 : memref<!tpu.dma_semaphore, #tpu.memory_space<semaphore_mem>>) src(%dma_wait3A_131 : memref<10112x128xf32, #tpu.memory_space<hbm>>) dst(%arg20 : memref<128x128xf32, #tpu.memory_space<vmem>>)
      %scan3A_132 = arith.constant 0 : i32
      %scan3A_133 = arith.constant 0 : i32
      %scan3A_134 = arith.constant 128 : i32
      %scan3A_135 = arith.addi %scan3A_133, %scan3A_134 : i32
      %scan3A_136 = arith.constant 1 : i32
      scf.for %scan3A_145 = %scan3A_133 to %scan3A_135 step %scan3A_136  : i32 {
        %get3A = arith.index_cast %scan3A_145 : i32 to index
        %get3A_146 = arith.constant 0 : index
        %get3A_147 = tpu.vector_load %arg18[%get3A, %get3A_146] {strides = array<i32>} : memref<128x16xf32, #tpu.memory_space<vmem>>, vector<1x16xf32>,
        %get3A_148 = vector.shape_cast %get3A_147 : vector<1x16xf32> to vector<16xf32>
        %slice3A = vector.extract_strided_slice %get3A_148 {offsets = [0], sizes = [1], strides = [1]} : vector<16xf32> to vector<1xf32>
        %squeeze3A = vector.extract %slice3A[0] : f32 from vector<1xf32>
        %get3A_149 = arith.index_cast %scan3A_145 : i32 to index
        %get3A_150 = arith.constant 0 : index
        %get3A_151 = tpu.vector_load %arg20[%get3A_149, %get3A_150] {strides = array<i32>} : memref<128x128xf32, #tpu.memory_space<vmem>>, vector<1x16xf32>,
        %get3A_152 = vector.shape_cast %get3A_151 : vector<1x16xf32> to vector<16xf32>
        %mul3A_153 = vector.broadcast %squeeze3A : f32 to vector<16xf32>
        %mul3A_154 = arith.mulf %get3A_152, %mul3A_153 : vector<16xf32>
        %swap3A = arith.index_cast %scan3A_145 : i32 to index
        %swap3A_155 = arith.constant 0 : index
        %swap3A_156 = tpu.vector_load %arg20[%swap3A, %swap3A_155] {strides = array<i32>} : memref<128x128xf32, #tpu.memory_space<vmem>>, vector<1x16xf32>,
        %swap3A_157 = vector.shape_cast %swap3A_156 : vector<1x16xf32> to vector<16xf32>
        %swap3A_158 = vector.shape_cast %mul3A_154 : vector<16xf32> to vector<1x16xf32>
        tpu.vector_store %arg20[%swap3A, %swap3A_155], %swap3A_158 {strides = array<i32>} : memref<128x128xf32, #tpu.memory_space<vmem>>, vector<1x16xf32>,
        %slice3A_159 = vector.extract_strided_slice %get3A_148 {offsets = [0], sizes = [1], strides = [1]} : vector<16xf32> to vector<1xf32>
        %squeeze3A_160 = vector.extract %slice3A_159[0] : f32 from vector<1xf32>
        %get3A_161 = arith.index_cast %scan3A_145 : i32 to index
        %get3A_162 = arith.constant 16 : index
        %get3A_163 = tpu.vector_load %arg20[%get3A_161, %get3A_162] {strides = array<i32>} : memref<128x128xf32, #tpu.memory_space<vmem>>, vector<1x16xf32>,
        %get3A_164 = vector.shape_cast %get3A_163 : vector<1x16xf32> to vector<16xf32>
        %mul3A_165 = vector.broadcast %squeeze3A_160 : f32 to vector<16xf32>
        %mul3A_166 = arith.mulf %get3A_164, %mul3A_165 : vector<16xf32>
        %swap3A_167 = arith.index_cast %scan3A_145 : i32 to index
        %swap3A_168 = arith.constant 16 : index
        %swap3A_169 = tpu.vector_load %arg20[%swap3A_167, %swap3A_168] {strides = array<i32>} : memref<128x128xf32, #tpu.memory_space<vmem>>, vector<1x16xf32>,
        %swap3A_170 = vector.shape_cast %swap3A_169 : vector<1x16xf32> to vector<16xf32>
        %swap3A_171 = vector.shape_cast %mul3A_166 : vector<16xf32> to vector<1x16xf32>
        tpu.vector_store %arg20[%swap3A_167, %swap3A_168], %swap3A_171 {strides = array<i32>} : memref<128x128xf32, #tpu.memory_space<vmem>>, vector<1x16xf32>,
        %slice3A_172 = vector.extract_strided_slice %get3A_148 {offsets = [1], sizes = [1], strides = [1]} : vector<16xf32> to vector<1xf32>
        %squeeze3A_173 = vector.extract %slice3A_172[0] : f32 from vector<1xf32>
        %get3A_174 = arith.index_cast %scan3A_145 : i32 to index
        %get3A_175 = arith.constant 32 : index
        %get3A_176 = tpu.vector_load %arg20[%get3A_174, %get3A_175] {strides = array<i32>} : memref<128x128xf32, #tpu.memory_space<vmem>>, vector<1x16xf32>,
        %get3A_177 = vector.shape_cast %get3A_176 : vector<1x16xf32> to vector<16xf32>
        %mul3A_178 = vector.broadcast %squeeze3A_173 : f32 to vector<16xf32>
        %mul3A_179 = arith.mulf %get3A_177, %mul3A_178 : vector<16xf32>
        %swap3A_180 = arith.index_cast %scan3A_145 : i32 to index
        %swap3A_181 = arith.constant 32 : index
        %swap3A_182 = tpu.vector_load %arg20[%swap3A_180, %swap3A_181] {strides = array<i32>} : memref<128x128xf32, #tpu.memory_space<vmem>>, vector<1x16xf32>,
        %swap3A_183 = vector.shape_cast %swap3A_182 : vector<1x16xf32> to vector<16xf32>
        %swap3A_184 = vector.shape_cast %mul3A_179 : vector<16xf32> to vector<1x16xf32>
        tpu.vector_store %arg20[%swap3A_180, %swap3A_181], %swap3A_184 {strides = array<i32>} : memref<128x128xf32, #tpu.memory_space<vmem>>, vector<1x16xf32>,
        %slice3A_185 = vector.extract_strided_slice %get3A_148 {offsets = [1], sizes = [1], strides = [1]} : vector<16xf32> to vector<1xf32>
        %squeeze3A_186 = vector.extract %slice3A_185[0] : f32 from vector<1xf32>
        %get3A_187 = arith.index_cast %scan3A_145 : i32 to index
        %get3A_188 = arith.constant 48 : index
        %get3A_189 = tpu.vector_load %arg20[%get3A_187, %get3A_188] {strides = array<i32>} : memref<128x128xf32, #tpu.memory_space<vmem>>, vector<1x16xf32>,
        %get3A_190 = vector.shape_cast %get3A_189 : vector<1x16xf32> to vector<16xf32>
        %mul3A_191 = vector.broadcast %squeeze3A_186 : f32 to vector<16xf32>
        %mul3A_192 = arith.mulf %get3A_190, %mul3A_191 : vector<16xf32>
        %swap3A_193 = arith.index_cast %scan3A_145 : i32 to index
        %swap3A_194 = arith.constant 48 : index
        %swap3A_195 = tpu.vector_load %arg20[%swap3A_193, %swap3A_194] {strides = array<i32>} : memref<128x128xf32, #tpu.memory_space<vmem>>, vector<1x16xf32>,
        %swap3A_196 = vector.shape_cast %swap3A_195 : vector<1x16xf32> to vector<16xf32>
        %swap3A_197 = vector.shape_cast %mul3A_192 : vector<16xf32> to vector<1x16xf32>
        tpu.vector_store %arg20[%swap3A_193, %swap3A_194], %swap3A_197 {strides = array<i32>} : memref<128x128xf32, #tpu.memory_space<vmem>>, vector<1x16xf32>,
        %slice3A_198 = vector.extract_strided_slice %get3A_148 {offsets = [2], sizes = [1], strides = [1]} : vector<16xf32> to vector<1xf32>
        %squeeze3A_199 = vector.extract %slice3A_198[0] : f32 from vector<1xf32>
        %get3A_200 = arith.index_cast %scan3A_145 : i32 to index
        %get3A_201 = arith.constant 64 : index
        %get3A_202 = tpu.vector_load %arg20[%get3A_200, %get3A_201] {strides = array<i32>} : memref<128x128xf32, #tpu.memory_space<vmem>>, vector<1x16xf32>,
        %get3A_203 = vector.shape_cast %get3A_202 : vector<1x16xf32> to vector<16xf32>
        %mul3A_204 = vector.broadcast %squeeze3A_199 : f32 to vector<16xf32>
        %mul3A_205 = arith.mulf %get3A_203, %mul3A_204 : vector<16xf32>
        %swap3A_206 = arith.index_cast %scan3A_145 : i32 to index
        %swap3A_207 = arith.constant 64 : index
        %swap3A_208 = tpu.vector_load %arg20[%swap3A_206, %swap3A_207] {strides = array<i32>} : memref<128x128xf32, #tpu.memory_space<vmem>>, vector<1x16xf32>,
        %swap3A_209 = vector.shape_cast %swap3A_208 : vector<1x16xf32> to vector<16xf32>
        %swap3A_210 = vector.shape_cast %mul3A_205 : vector<16xf32> to vector<1x16xf32>
        tpu.vector_store %arg20[%swap3A_206, %swap3A_207], %swap3A_210 {strides = array<i32>} : memref<128x128xf32, #tpu.memory_space<vmem>>, vector<1x16xf32>,
        %slice3A_211 = vector.extract_strided_slice %get3A_148 {offsets = [2], sizes = [1], strides = [1]} : vector<16xf32> to vector<1xf32>
        %squeeze3A_212 = vector.extract %slice3A_211[0] : f32 from vector<1xf32>
        %get3A_213 = arith.index_cast %scan3A_145 : i32 to index
        %get3A_214 = arith.constant 80 : index
        %get3A_215 = tpu.vector_load %arg20[%get3A_213, %get3A_214] {strides = array<i32>} : memref<128x128xf32, #tpu.memory_space<vmem>>, vector<1x16xf32>,
        %get3A_216 = vector.shape_cast %get3A_215 : vector<1x16xf32> to vector<16xf32>
        %mul3A_217 = vector.broadcast %squeeze3A_212 : f32 to vector<16xf32>
        %mul3A_218 = arith.mulf %get3A_216, %mul3A_217 : vector<16xf32>
        %swap3A_219 = arith.index_cast %scan3A_145 : i32 to index
        %swap3A_220 = arith.constant 80 : index
        %swap3A_221 = tpu.vector_load %arg20[%swap3A_219, %swap3A_220] {strides = array<i32>} : memref<128x128xf32, #tpu.memory_space<vmem>>, vector<1x16xf32>,
        %swap3A_222 = vector.shape_cast %swap3A_221 : vector<1x16xf32> to vector<16xf32>
        %swap3A_223 = vector.shape_cast %mul3A_218 : vector<16xf32> to vector<1x16xf32>
        tpu.vector_store %arg20[%swap3A_219, %swap3A_220], %swap3A_223 {strides = array<i32>} : memref<128x128xf32, #tpu.memory_space<vmem>>, vector<1x16xf32>,
        %slice3A_224 = vector.extract_strided_slice %get3A_148 {offsets = [3], sizes = [1], strides = [1]} : vector<16xf32> to vector<1xf32>
        %squeeze3A_225 = vector.extract %slice3A_224[0] : f32 from vector<1xf32>
        %get3A_226 = arith.index_cast %scan3A_145 : i32 to index
        %get3A_227 = arith.constant 96 : index
        %get3A_228 = tpu.vector_load %arg20[%get3A_226, %get3A_227] {strides = array<i32>} : memref<128x128xf32, #tpu.memory_space<vmem>>, vector<1x16xf32>,
        %get3A_229 = vector.shape_cast %get3A_228 : vector<1x16xf32> to vector<16xf32>
        %mul3A_230 = vector.broadcast %squeeze3A_225 : f32 to vector<16xf32>
        %mul3A_231 = arith.mulf %get3A_229, %mul3A_230 : vector<16xf32>
        %swap3A_232 = arith.index_cast %scan3A_145 : i32 to index
        %swap3A_233 = arith.constant 96 : index
        %swap3A_234 = tpu.vector_load %arg20[%swap3A_232, %swap3A_233] {strides = array<i32>} : memref<128x128xf32, #tpu.memory_space<vmem>>, vector<1x16xf32>,
        %swap3A_235 = vector.shape_cast %swap3A_234 : vector<1x16xf32> to vector<16xf32>
        %swap3A_236 = vector.shape_cast %mul3A_231 : vector<16xf32> to vector<1x16xf32>
        tpu.vector_store %arg20[%swap3A_232, %swap3A_233], %swap3A_236 {strides = array<i32>} : memref<128x128xf32, #tpu.memory_space<vmem>>, vector<1x16xf32>,
        %slice3A_237 = vector.extract_strided_slice %get3A_148 {offsets = [3], sizes = [1], strides = [1]} : vector<16xf32> to vector<1xf32>
        %squeeze3A_238 = vector.extract %slice3A_237[0] : f32 from vector<1xf32>
        %get3A_239 = arith.index_cast %scan3A_145 : i32 to index
        %get3A_240 = arith.constant 112 : index
        %get3A_241 = tpu.vector_load %arg20[%get3A_239, %get3A_240] {strides = array<i32>} : memref<128x128xf32, #tpu.memory_space<vmem>>, vector<1x16xf32>,
        %get3A_242 = vector.shape_cast %get3A_241 : vector<1x16xf32> to vector<16xf32>
        %mul3A_243 = vector.broadcast %squeeze3A_238 : f32 to vector<16xf32>
        %mul3A_244 = arith.mulf %get3A_242, %mul3A_243 : vector<16xf32>
        %swap3A_245 = arith.index_cast %scan3A_145 : i32 to index
        %swap3A_246 = arith.constant 112 : index
        %swap3A_247 = tpu.vector_load %arg20[%swap3A_245, %swap3A_246] {strides = array<i32>} : memref<128x128xf32, #tpu.memory_space<vmem>>, vector<1x16xf32>,
        %swap3A_248 = vector.shape_cast %swap3A_247 : vector<1x16xf32> to vector<16xf32>
        %swap3A_249 = vector.shape_cast %mul3A_244 : vector<16xf32> to vector<1x16xf32>
        tpu.vector_store %arg20[%swap3A_245, %swap3A_246], %swap3A_249 {strides = array<i32>} : memref<128x128xf32, #tpu.memory_space<vmem>>, vector<1x16xf32>,
      }
      %scan3A_137 = arith.constant 128 : i32
      "tpu.region"() ({
        %run_scoped3A = tpu.sem_alloc : memref<!tpu.dma_semaphore, #tpu.memory_space<semaphore_mem>>
        %dma_start3A_145 = arith.constant 0 : i32
        %dma_start3A_146 = arith.constant 0 : i32
        %dma_start3A_147 = tpu.memref_slice %arg22[%dma_start3A_145, %dma_start3A_146] : memref<10112x16xf32, #tpu.memory_space<vmem_shared>> -> memref<10112x16xf32, #tpu.memory_space<vmem_shared>>
        tpu.enqueue_indirect_dma source(%arg18 : memref<128x16xf32, #tpu.memory_space<vmem>>) target(%dma_start3A_147 : memref<10112x16xf32, #tpu.memory_space<vmem_shared>>) offsets(%arg15 : memref<128xi32, #tpu.memory_space<vmem>>) semaphore(%run_scoped3A : memref<!tpu.dma_semaphore, #tpu.memory_space<semaphore_mem>>) {add = true}
        %dma_wait3A_148 = arith.constant 0 : i32
        %dma_wait3A_149 = arith.constant 0 : i32
        %dma_wait3A_150 = tpu.memref_slice %arg22[%dma_wait3A_148, %dma_wait3A_149] : memref<10112x16xf32, #tpu.memory_space<vmem_shared>> -> memref<10112x16xf32, #tpu.memory_space<vmem_shared>>
        tpu.wait_indirect_dma semaphore(%run_scoped3A : memref<!tpu.dma_semaphore, #tpu.memory_space<semaphore_mem>>) src(%arg18 : memref<128x16xf32, #tpu.memory_space<vmem>>) dst(%dma_wait3A_150 : memref<10112x16xf32, #tpu.memory_space<vmem_shared>>)
        tpu.yield
      }) : () -> ()
      "tpu.region"() ({
        %run_scoped3A = tpu.sem_alloc : memref<!tpu.dma_semaphore, #tpu.memory_space<semaphore_mem>>
        %dma_start3A_145 = arith.constant 0 : i32
        %dma_start3A_146 = arith.constant 0 : i32
        %dma_start3A_147 = tpu.memref_slice %arg21[%dma_start3A_145, %dma_start3A_146] : memref<10112x128xf32, #tpu.memory_space<vmem_shared>> -> memref<10112x128xf32, #tpu.memory_space<vmem_shared>>
        tpu.enqueue_indirect_dma source(%arg20 : memref<128x128xf32, #tpu.memory_space<vmem>>) target(%dma_start3A_147 : memref<10112x128xf32, #tpu.memory_space<vmem_shared>>) offsets(%arg15 : memref<128xi32, #tpu.memory_space<vmem>>) semaphore(%run_scoped3A : memref<!tpu.dma_semaphore, #tpu.memory_space<semaphore_mem>>) {add = true}
        %dma_wait3A_148 = arith.constant 0 : i32
        %dma_wait3A_149 = arith.constant 0 : i32
        %dma_wait3A_150 = tpu.memref_slice %arg21[%dma_wait3A_148, %dma_wait3A_149] : memref<10112x128xf32, #tpu.memory_space<vmem_shared>> -> memref<10112x128xf32, #tpu.memory_space<vmem_shared>>
        tpu.wait_indirect_dma semaphore(%run_scoped3A : memref<!tpu.dma_semaphore, #tpu.memory_space<semaphore_mem>>) src(%arg20 : memref<128x128xf32, #tpu.memory_space<vmem>>) dst(%dma_wait3A_150 : memref<10112x128xf32, #tpu.memory_space<vmem_shared>>)
        tpu.yield
      }) : () -> ()
      %add3A_138 = arith.constant 2 : i32
      %add3A_139 = arith.addi %add3A_95, %add3A_138 : i32
      %lt3A_140 = arith.constant 82 : i32
      %lt3A_141 = arith.cmpi slt, %add3A_139, %lt3A_140 : i32
      %convert_element_type3A_142 = arith.extui %lt3A_141 : i1 to i32
      %cond3A_143 = arith.constant 0 : i32
      %cond3A_144 = arith.cmpi ne, %convert_element_type3A_142, %cond3A_143 : i32
      scf.if %cond3A_144 {
        %add3A_145 = arith.constant 2 : i32
        %add3A_146 = arith.addi %add3A_95, %add3A_145 : i32
        %mul3A_147 = arith.constant 32 : i32
        %mul3A_148 = arith.muli %add3A_146, %mul3A_147 : i32
        %add3A_149 = arith.addi %mul3A_148, %add3A : i32
        %mul3A_150 = arith.constant 128 : i32
        %mul3A_151 = arith.muli %add3A_149, %mul3A_150 : i32
        %dma_start3A_152 = tpu.memref_slice %arg5[%mul3A_151] : memref<335872xi32, #tpu.memory_space<hbm>> -> memref<128xi32, #tpu.memory_space<hbm>>
        %dma_start3A_153 = tpu.memref_slice %arg5[%mul3A_151] : memref<335872xi32, #tpu.memory_space<hbm>> -> memref<128xi32, #tpu.memory_space<hbm>>
        tpu.enqueue_dma source(%dma_start3A_153 : memref<128xi32, #tpu.memory_space<hbm>>) target(%arg13 : memref<128xi32, #tpu.memory_space<vmem>>) target_semaphore(%arg24 : memref<!tpu.dma_semaphore, #tpu.memory_space<semaphore_mem>>)
        %dma_start3A_154 = tpu.memref_slice %arg6[%mul3A_151] : memref<335872xi32, #tpu.memory_space<hbm>> -> memref<128xi32, #tpu.memory_space<hbm>>
        %dma_start3A_155 = tpu.memref_slice %arg6[%mul3A_151] : memref<335872xi32, #tpu.memory_space<hbm>> -> memref<128xi32, #tpu.memory_space<hbm>>
        tpu.enqueue_dma source(%dma_start3A_155 : memref<128xi32, #tpu.memory_space<hbm>>) target(%arg15 : memref<128xi32, #tpu.memory_space<vmem>>) target_semaphore(%arg24 : memref<!tpu.dma_semaphore, #tpu.memory_space<semaphore_mem>>)
      } else {
      }
    }
    %scan3A_27 = arith.constant 41 : i32
    %add3A_28 = arith.constant 2592 : i32
    %add3A_29 = arith.addi %add3A_28, %add3A : i32
    %mul3A_30 = arith.constant 128 : i32
    %mul3A_31 = arith.muli %add3A_29, %mul3A_30 : i32
    %dma_wait3A = arith.constant 0 : i32
    %dma_wait3A_32 = tpu.memref_slice %arg11[%mul3A_31, %dma_wait3A] : memref<335872x16xf32, #tpu.memory_space<hbm>> -> memref<128x16xf32, #tpu.memory_space<hbm>>
    %dma_wait3A_33 = arith.constant 0 : i32
    %dma_wait3A_34 = tpu.memref_slice %arg11[%mul3A_31, %dma_wait3A_33] : memref<335872x16xf32, #tpu.memory_space<hbm>> -> memref<128x16xf32, #tpu.memory_space<hbm>>
    tpu.wait_dma2 semaphore(%arg28 : memref<!tpu.dma_semaphore, #tpu.memory_space<semaphore_mem>>) src(%arg18 : memref<128x16xf32, #tpu.memory_space<vmem>>) dst(%dma_wait3A_34 : memref<128x16xf32, #tpu.memory_space<hbm>>)
    %barrier3A_35 = arith.constant 0 : index
    tpu.barrier barrier_id(%barrier3A_35)
    %mul3A_36 = arith.constant 10112 : i32
    %mul3A_37 = arith.muli %arg0, %mul3A_36 : i32
    %add3A_38 = arith.addi %mul3A_37, %mul3A_2 : i32
    "tpu.region"() ({
      %run_scoped3A = tpu.sem_alloc : memref<!tpu.dma_semaphore, #tpu.memory_space<semaphore_mem>>
      %dma_start3A_42 = arith.constant 0 : i32
      %dma_start3A_43 = tpu.memref_slice %arg9[%add3A_38, %dma_start3A_42] : memref<20224x128xf32, #tpu.memory_space<hbm>> -> memref<632x128xf32, #tpu.memory_space<hbm>>
      %dma_start3A_44 = arith.constant 0 : i32
      %dma_start3A_45 = tpu.memref_slice %arg21[%mul3A_2, %dma_start3A_44] : memref<10112x128xf32, #tpu.memory_space<vmem_shared>> -> memref<632x128xf32, #tpu.memory_space<vmem_shared>>
      tpu.enqueue_dma source(%dma_start3A_45 : memref<632x128xf32, #tpu.memory_space<vmem_shared>>) target(%dma_start3A_43 : memref<632x128xf32, #tpu.memory_space<hbm>>) target_semaphore(%run_scoped3A : memref<!tpu.dma_semaphore, #tpu.memory_space<semaphore_mem>>)
      %dma_wait3A_46 = arith.constant 0 : i32
      %dma_wait3A_47 = tpu.memref_slice %arg9[%add3A_38, %dma_wait3A_46] : memref<20224x128xf32, #tpu.memory_space<hbm>> -> memref<632x128xf32, #tpu.memory_space<hbm>>
      %dma_wait3A_48 = arith.constant 0 : i32
      %dma_wait3A_49 = tpu.memref_slice %arg21[%mul3A_2, %dma_wait3A_48] : memref<10112x128xf32, #tpu.memory_space<vmem_shared>> -> memref<632x128xf32, #tpu.memory_space<vmem_shared>>
      tpu.wait_dma2 semaphore(%run_scoped3A : memref<!tpu.dma_semaphore, #tpu.memory_space<semaphore_mem>>) src(%dma_wait3A_49 : memref<632x128xf32, #tpu.memory_space<vmem_shared>>) dst(%dma_wait3A_47 : memref<632x128xf32, #tpu.memory_space<hbm>>)
      tpu.yield
    }) : () -> ()
    %mul3A_39 = arith.constant 10112 : i32
    %mul3A_40 = arith.muli %arg0, %mul3A_39 : i32
    %add3A_41 = arith.addi %mul3A_40, %mul3A_2 : i32
    "tpu.region"() ({
      %run_scoped3A = tpu.sem_alloc : memref<!tpu.dma_semaphore, #tpu.memory_space<semaphore_mem>>
      %dma_start3A_42 = arith.constant 0 : i32
      %dma_start3A_43 = tpu.memref_slice %arg10[%add3A_41, %dma_start3A_42] : memref<20224x16xf32, #tpu.memory_space<hbm>> -> memref<632x16xf32, #tpu.memory_space<hbm>>
      %dma_start3A_44 = arith.constant 0 : i32
      %dma_start3A_45 = tpu.memref_slice %arg22[%mul3A_2, %dma_start3A_44] : memref<10112x16xf32, #tpu.memory_space<vmem_shared>> -> memref<632x16xf32, #tpu.memory_space<vmem_shared>>
      tpu.enqueue_dma source(%dma_start3A_45 : memref<632x16xf32, #tpu.memory_space<vmem_shared>>) target(%dma_start3A_43 : memref<632x16xf32, #tpu.memory_space<hbm>>) target_semaphore(%run_scoped3A : memref<!tpu.dma_semaphore, #tpu.memory_space<semaphore_mem>>)
      %dma_wait3A_46 = arith.constant 0 : i32
      %dma_wait3A_47 = tpu.memref_slice %arg10[%add3A_41, %dma_wait3A_46] : memref<20224x16xf32, #tpu.memory_space<hbm>> -> memref<632x16xf32, #tpu.memory_space<hbm>>
      %dma_wait3A_48 = arith.constant 0 : i32
      %dma_wait3A_49 = tpu.memref_slice %arg22[%mul3A_2, %dma_wait3A_48] : memref<10112x16xf32, #tpu.memory_space<vmem_shared>> -> memref<632x16xf32, #tpu.memory_space<vmem_shared>>
      tpu.wait_dma2 semaphore(%run_scoped3A : memref<!tpu.dma_semaphore, #tpu.memory_space<semaphore_mem>>) src(%dma_wait3A_49 : memref<632x16xf32, #tpu.memory_space<vmem_shared>>) dst(%dma_wait3A_47 : memref<632x16xf32, #tpu.memory_space<hbm>>)
      tpu.yield
    }) : () -> ()
    return
  }
}

module attributes {stable_mosaic.version = 14 : i64} {
  func.func @body(%arg0: i32, %arg1: memref<400x128xf32, #tpu.memory_space<vmem>>, %arg2: memref<128x288xf32, #tpu.memory_space<vmem>>, %arg3: memref<400x288xf32, #tpu.memory_space<vmem>>) attributes {dimension_semantics = [#tpu.dimension_semantics<arbitrary>], iteration_bounds = array<i64: 25>, scalar_prefetch = 0 : i64, scratch_operands = 0 : i64, tpu.core_type = #tpu.core_type<tc>, window_params = [{transform_indices = @transform_0, window_bounds = array<i64: 400, 128>}, {pipeline_mode = #tpu.pipeline_mode<synchronous>, transform_indices = @transform_1, window_bounds = array<i64: 128, 288>}, {transform_indices = @transform_2, window_bounds = array<i64: 400, 288>}]} {
    %get3A = arith.constant 0 : index
    %get3A_0 = arith.constant 0 : index
    %get3A_1 = vector.load %arg1[%get3A, %get3A_0] : memref<400x128xf32, #tpu.memory_space<vmem>>, vector<400x128xf32>
    %get3A_2 = arith.constant 0 : index
    %get3A_3 = arith.constant 0 : index
    %get3A_4 = vector.load %arg2[%get3A_2, %get3A_3] : memref<128x288xf32, #tpu.memory_space<vmem>>, vector<128x288xf32>
    %dot_general3A = arith.constant dense<0.000000e+00> : vector<400x288xf32>
    %dot_general3A_5 = tpu.matmul %get3A_1, %get3A_4, %dot_general3A {dimension_numbers = #tpu.dot_dimension_numbers<[1], [0], [0], [1], [0, 0, 1, 1], [], []>, transpose_lhs_hint = false} : vector<400x128xf32>, vector<128x288xf32>, vector<400x288xf32> -> vector<400x288xf32>
    %swap3A = arith.constant 0 : index
    %swap3A_6 = arith.constant 0 : index
    %swap3A_7 = vector.load %arg3[%swap3A, %swap3A_6] : memref<400x288xf32, #tpu.memory_space<vmem>>, vector<400x288xf32>
    tpu.vector_store %arg3[%swap3A, %swap3A_6], %dot_general3A_5 {strides = array<i32>} : memref<400x288xf32, #tpu.memory_space<vmem>>, vector<400x288xf32>,
    return
  }
  func.func @transform_0(%arg0: i32) -> (i32, i32) {
    %c0_i32 = arith.constant 0 : i32
    %c0_i32_0 = arith.constant 0 : i32
    return %arg0, %c0_i32 : i32, i32
  }
  func.func @transform_1(%arg0: i32) -> (i32, i32) {
    %c0_i32 = arith.constant 0 : i32
    %c0_i32_0 = arith.constant 0 : i32
    %c0_i32_1 = arith.constant 0 : i32
    return %c0_i32, %c0_i32_0 : i32, i32
  }
  func.func @transform_2(%arg0: i32) -> (i32, i32) {
    %c0_i32 = arith.constant 0 : i32
    %c0_i32_0 = arith.constant 0 : i32
    return %arg0, %c0_i32 : i32, i32
  }
}

module attributes {stable_mosaic.version = 14 : i64} {
  func.func @body(%arg0: i32, %arg1: memref<400x128xf32, #tpu.memory_space<vmem>>, %arg2: memref<400x128xf32, #tpu.memory_space<vmem>>, %arg3: memref<400x128xf32, #tpu.memory_space<vmem>>, %arg4: memref<400x128xf32, #tpu.memory_space<vmem>>, %arg5: memref<400x16xf32, #tpu.memory_space<vmem>>, %arg6: memref<400x16xf32, #tpu.memory_space<vmem>>, %arg7: memref<16x256xf32, #tpu.memory_space<vmem>>, %arg8: memref<1x256xf32, #tpu.memory_space<vmem>>, %arg9: memref<256x64xf32, #tpu.memory_space<vmem>>, %arg10: memref<400x64xf32, #tpu.memory_space<vmem>>) attributes {dimension_semantics = [#tpu.dimension_semantics<arbitrary>], iteration_bounds = array<i64: 25>, scalar_prefetch = 0 : i64, scratch_operands = 0 : i64, tpu.core_type = #tpu.core_type<tc>, window_params = [{transform_indices = @transform_0, window_bounds = array<i64: 400, 128>}, {transform_indices = @transform_1, window_bounds = array<i64: 400, 128>}, {transform_indices = @transform_2, window_bounds = array<i64: 400, 128>}, {transform_indices = @transform_3, window_bounds = array<i64: 400, 128>}, {transform_indices = @transform_4, window_bounds = array<i64: 400, 16>}, {transform_indices = @transform_5, window_bounds = array<i64: 400, 16>}, {pipeline_mode = #tpu.pipeline_mode<synchronous>, transform_indices = @transform_6, window_bounds = array<i64: 16, 256>}, {pipeline_mode = #tpu.pipeline_mode<synchronous>, transform_indices = @transform_7, window_bounds = array<i64: 1, 256>}, {pipeline_mode = #tpu.pipeline_mode<synchronous>, transform_indices = @transform_8, window_bounds = array<i64: 256, 64>}, {transform_indices = @transform_9, window_bounds = array<i64: 400, 64>}]} {
    %get3A = arith.constant 0 : index
    %get3A_0 = arith.constant 0 : index
    %get3A_1 = vector.load %arg5[%get3A, %get3A_0] : memref<400x16xf32, #tpu.memory_space<vmem>>, vector<400x16xf32>
    %get3A_2 = arith.constant 0 : index
    %get3A_3 = arith.constant 0 : index
    %get3A_4 = vector.load %arg6[%get3A_2, %get3A_3] : memref<400x16xf32, #tpu.memory_space<vmem>>, vector<400x16xf32>
    %add3A = arith.addf %get3A_1, %get3A_4 : vector<400x16xf32>
    %get3A_5 = arith.constant 0 : index
    %get3A_6 = arith.constant 0 : index
    %get3A_7 = vector.load %arg7[%get3A_5, %get3A_6] : memref<16x256xf32, #tpu.memory_space<vmem>>, vector<16x256xf32>
    %dot_general3A = arith.constant dense<0.000000e+00> : vector<400x256xf32>
    %dot_general3A_8 = tpu.matmul %add3A, %get3A_7, %dot_general3A {dimension_numbers = #tpu.dot_dimension_numbers<[1], [0], [0], [1], [0, 0, 1, 1], [], []>, transpose_lhs_hint = false} : vector<400x16xf32>, vector<16x256xf32>, vector<400x256xf32> -> vector<400x256xf32>
    %add3A_9 = arith.constant 1.000000e-16 : f32
    %add3A_10 = vector.broadcast %add3A_9 : f32 to vector<400x256xf32>
    %add3A_11 = arith.addf %dot_general3A_8, %add3A_10 : vector<400x256xf32>
    %get3A_12 = arith.constant 0 : index
    %get3A_13 = arith.constant 0 : index
    %get3A_14 = vector.load %arg1[%get3A_12, %get3A_13] : memref<400x128xf32, #tpu.memory_space<vmem>>, vector<400x128xf32>
    %get3A_15 = arith.constant 0 : index
    %get3A_16 = arith.constant 0 : index
    %get3A_17 = vector.load %arg2[%get3A_15, %get3A_16] : memref<400x128xf32, #tpu.memory_space<vmem>>, vector<400x128xf32>
    %add3A_18 = arith.addf %get3A_14, %get3A_17 : vector<400x128xf32>
    %slice3A = vector.extract_strided_slice %add3A_11 {offsets = [0, 0], sizes = [400, 128], strides = [1, 1]} : vector<400x256xf32> to vector<400x128xf32>
    %div3A = arith.divf %add3A_18, %slice3A : vector<400x128xf32>
    %get3A_19 = arith.constant 0 : index
    %get3A_20 = arith.constant 0 : index
    %get3A_21 = vector.load %arg8[%get3A_19, %get3A_20] : memref<1x256xf32, #tpu.memory_space<vmem>>, vector<1x128xf32>
    %add3A_22 = vector.broadcast %get3A_21 : vector<1x128xf32> to vector<400x128xf32>
    %add3A_23 = arith.addf %div3A, %add3A_22 : vector<400x128xf32>
    %max3A = arith.constant 0.000000e+00 : f32
    %max3A_24 = vector.broadcast %max3A : f32 to vector<400x128xf32>
    %max3A_25 = arith.maximumf %add3A_23, %max3A_24 : vector<400x128xf32>
    %get3A_26 = arith.constant 0 : index
    %get3A_27 = arith.constant 0 : index
    %get3A_28 = vector.load %arg3[%get3A_26, %get3A_27] : memref<400x128xf32, #tpu.memory_space<vmem>>, vector<400x128xf32>
    %get3A_29 = arith.constant 0 : index
    %get3A_30 = arith.constant 0 : index
    %get3A_31 = vector.load %arg4[%get3A_29, %get3A_30] : memref<400x128xf32, #tpu.memory_space<vmem>>, vector<400x128xf32>
    %add3A_32 = arith.addf %get3A_28, %get3A_31 : vector<400x128xf32>
    %slice3A_33 = vector.extract_strided_slice %add3A_11 {offsets = [0, 128], sizes = [400, 128], strides = [1, 1]} : vector<400x256xf32> to vector<400x128xf32>
    %div3A_34 = arith.divf %add3A_32, %slice3A_33 : vector<400x128xf32>
    %get3A_35 = arith.constant 0 : index
    %get3A_36 = arith.constant 128 : index
    %get3A_37 = vector.load %arg8[%get3A_35, %get3A_36] : memref<1x256xf32, #tpu.memory_space<vmem>>, vector<1x128xf32>
    %add3A_38 = vector.broadcast %get3A_37 : vector<1x128xf32> to vector<400x128xf32>
    %add3A_39 = arith.addf %div3A_34, %add3A_38 : vector<400x128xf32>
    %max3A_40 = arith.constant 0.000000e+00 : f32
    %max3A_41 = vector.broadcast %max3A_40 : f32 to vector<400x128xf32>
    %max3A_42 = arith.maximumf %add3A_39, %max3A_41 : vector<400x128xf32>
    %get3A_43 = arith.constant 0 : index
    %get3A_44 = arith.constant 0 : index
    %get3A_45 = vector.load %arg9[%get3A_43, %get3A_44] : memref<256x64xf32, #tpu.memory_space<vmem>>, vector<128x64xf32>
    %dot_general3A_46 = arith.constant dense<0.000000e+00> : vector<400x64xf32>
    %dot_general3A_47 = tpu.matmul %max3A_25, %get3A_45, %dot_general3A_46 {dimension_numbers = #tpu.dot_dimension_numbers<[1], [0], [0], [1], [0, 0, 1, 1], [], []>, transpose_lhs_hint = false} : vector<400x128xf32>, vector<128x64xf32>, vector<400x64xf32> -> vector<400x64xf32>
    %get3A_48 = arith.constant 128 : index
    %get3A_49 = arith.constant 0 : index
    %get3A_50 = vector.load %arg9[%get3A_48, %get3A_49] : memref<256x64xf32, #tpu.memory_space<vmem>>, vector<128x64xf32>
    %dot_general3A_51 = arith.constant dense<0.000000e+00> : vector<400x64xf32>
    %dot_general3A_52 = tpu.matmul %max3A_42, %get3A_50, %dot_general3A_51 {dimension_numbers = #tpu.dot_dimension_numbers<[1], [0], [0], [1], [0, 0, 1, 1], [], []>, transpose_lhs_hint = false} : vector<400x128xf32>, vector<128x64xf32>, vector<400x64xf32> -> vector<400x64xf32>
    %add3A_53 = arith.addf %dot_general3A_47, %dot_general3A_52 : vector<400x64xf32>
    %swap3A = arith.constant 0 : index
    %swap3A_54 = arith.constant 0 : index
    %swap3A_55 = vector.load %arg10[%swap3A, %swap3A_54] : memref<400x64xf32, #tpu.memory_space<vmem>>, vector<400x64xf32>
    tpu.vector_store %arg10[%swap3A, %swap3A_54], %add3A_53 {strides = array<i32>} : memref<400x64xf32, #tpu.memory_space<vmem>>, vector<400x64xf32>,
    return
  }
  func.func @transform_0(%arg0: i32) -> (i32, i32) {
    %c0_i32 = arith.constant 0 : i32
    %c0_i32_0 = arith.constant 0 : i32
    return %arg0, %c0_i32 : i32, i32
  }
  func.func @transform_1(%arg0: i32) -> (i32, i32) {
    %c0_i32 = arith.constant 0 : i32
    %c0_i32_0 = arith.constant 0 : i32
    return %arg0, %c0_i32 : i32, i32
  }
  func.func @transform_2(%arg0: i32) -> (i32, i32) {
    %c0_i32 = arith.constant 0 : i32
    %c0_i32_0 = arith.constant 0 : i32
    return %arg0, %c0_i32 : i32, i32
  }
  func.func @transform_3(%arg0: i32) -> (i32, i32) {
    %c0_i32 = arith.constant 0 : i32
    %c0_i32_0 = arith.constant 0 : i32
    return %arg0, %c0_i32 : i32, i32
  }
  func.func @transform_4(%arg0: i32) -> (i32, i32) {
    %c0_i32 = arith.constant 0 : i32
    %c0_i32_0 = arith.constant 0 : i32
    return %arg0, %c0_i32 : i32, i32
  }
  func.func @transform_5(%arg0: i32) -> (i32, i32) {
    %c0_i32 = arith.constant 0 : i32
    %c0_i32_0 = arith.constant 0 : i32
    return %arg0, %c0_i32 : i32, i32
  }
  func.func @transform_6(%arg0: i32) -> (i32, i32) {
    %c0_i32 = arith.constant 0 : i32
    %c0_i32_0 = arith.constant 0 : i32
    %c0_i32_1 = arith.constant 0 : i32
    return %c0_i32, %c0_i32_0 : i32, i32
  }
  func.func @transform_7(%arg0: i32) -> (i32, i32) {
    %c0_i32 = arith.constant 0 : i32
    %c0_i32_0 = arith.constant 0 : i32
    %c0_i32_1 = arith.constant 0 : i32
    return %c0_i32, %c0_i32_0 : i32, i32
  }
  func.func @transform_8(%arg0: i32) -> (i32, i32) {
    %c0_i32 = arith.constant 0 : i32
    %c0_i32_0 = arith.constant 0 : i32
    %c0_i32_1 = arith.constant 0 : i32
    return %c0_i32, %c0_i32_0 : i32, i32
  }
  func.func @transform_9(%arg0: i32) -> (i32, i32) {
    %c0_i32 = arith.constant 0 : i32
    %c0_i32_0 = arith.constant 0 : i32
    return %arg0, %c0_i32 : i32, i32
  }
}

module attributes {stable_mosaic.version = 14 : i64} {
  func.func @body(%arg0: i32, %arg1: memref<400x32xf32, #tpu.memory_space<vmem>>, %arg2: memref<400x32xf32, #tpu.memory_space<vmem>>, %arg3: memref<400x16xf32, #tpu.memory_space<vmem>>, %arg4: memref<400x16xf32, #tpu.memory_space<vmem>>, %arg5: memref<16x32xf32, #tpu.memory_space<vmem>>, %arg6: memref<1x32xf32, #tpu.memory_space<vmem>>, %arg7: memref<400x32xf32, #tpu.memory_space<vmem>>) attributes {dimension_semantics = [#tpu.dimension_semantics<arbitrary>], iteration_bounds = array<i64: 25>, scalar_prefetch = 0 : i64, scratch_operands = 0 : i64, tpu.core_type = #tpu.core_type<tc>, window_params = [{transform_indices = @transform_0, window_bounds = array<i64: 400, 32>}, {transform_indices = @transform_1, window_bounds = array<i64: 400, 32>}, {transform_indices = @transform_2, window_bounds = array<i64: 400, 16>}, {transform_indices = @transform_3, window_bounds = array<i64: 400, 16>}, {pipeline_mode = #tpu.pipeline_mode<synchronous>, transform_indices = @transform_4, window_bounds = array<i64: 16, 32>}, {pipeline_mode = #tpu.pipeline_mode<synchronous>, transform_indices = @transform_5, window_bounds = array<i64: 1, 32>}, {transform_indices = @transform_6, window_bounds = array<i64: 400, 32>}]} {
    %get3A = arith.constant 0 : index
    %get3A_0 = arith.constant 0 : index
    %get3A_1 = vector.load %arg3[%get3A, %get3A_0] : memref<400x16xf32, #tpu.memory_space<vmem>>, vector<400x16xf32>
    %get3A_2 = arith.constant 0 : index
    %get3A_3 = arith.constant 0 : index
    %get3A_4 = vector.load %arg4[%get3A_2, %get3A_3] : memref<400x16xf32, #tpu.memory_space<vmem>>, vector<400x16xf32>
    %add3A = arith.addf %get3A_1, %get3A_4 : vector<400x16xf32>
    %get3A_5 = arith.constant 0 : index
    %get3A_6 = arith.constant 0 : index
    %get3A_7 = vector.load %arg5[%get3A_5, %get3A_6] : memref<16x32xf32, #tpu.memory_space<vmem>>, vector<16x32xf32>
    %dot_general3A = arith.constant dense<0.000000e+00> : vector<400x32xf32>
    %dot_general3A_8 = tpu.matmul %add3A, %get3A_7, %dot_general3A {dimension_numbers = #tpu.dot_dimension_numbers<[1], [0], [0], [1], [0, 0, 1, 1], [], []>, transpose_lhs_hint = false} : vector<400x16xf32>, vector<16x32xf32>, vector<400x32xf32> -> vector<400x32xf32>
    %add3A_9 = arith.constant 1.000000e-16 : f32
    %add3A_10 = vector.broadcast %add3A_9 : f32 to vector<400x32xf32>
    %add3A_11 = arith.addf %dot_general3A_8, %add3A_10 : vector<400x32xf32>
    %get3A_12 = arith.constant 0 : index
    %get3A_13 = arith.constant 0 : index
    %get3A_14 = vector.load %arg1[%get3A_12, %get3A_13] : memref<400x32xf32, #tpu.memory_space<vmem>>, vector<400x32xf32>
    %get3A_15 = arith.constant 0 : index
    %get3A_16 = arith.constant 0 : index
    %get3A_17 = vector.load %arg2[%get3A_15, %get3A_16] : memref<400x32xf32, #tpu.memory_space<vmem>>, vector<400x32xf32>
    %add3A_18 = arith.addf %get3A_14, %get3A_17 : vector<400x32xf32>
    %div3A = arith.divf %add3A_18, %add3A_11 : vector<400x32xf32>
    %get3A_19 = arith.constant 0 : index
    %get3A_20 = arith.constant 0 : index
    %get3A_21 = vector.load %arg6[%get3A_19, %get3A_20] : memref<1x32xf32, #tpu.memory_space<vmem>>, vector<1x32xf32>
    %add3A_22 = vector.broadcast %get3A_21 : vector<1x32xf32> to vector<400x32xf32>
    %add3A_23 = arith.addf %div3A, %add3A_22 : vector<400x32xf32>
    %max3A = arith.constant 0.000000e+00 : f32
    %max3A_24 = vector.broadcast %max3A : f32 to vector<400x32xf32>
    %max3A_25 = arith.maximumf %add3A_23, %max3A_24 : vector<400x32xf32>
    %swap3A = arith.constant 0 : index
    %swap3A_26 = arith.constant 0 : index
    %swap3A_27 = vector.load %arg7[%swap3A, %swap3A_26] : memref<400x32xf32, #tpu.memory_space<vmem>>, vector<400x32xf32>
    tpu.vector_store %arg7[%swap3A, %swap3A_26], %max3A_25 {strides = array<i32>} : memref<400x32xf32, #tpu.memory_space<vmem>>, vector<400x32xf32>,
    return
  }
  func.func @transform_0(%arg0: i32) -> (i32, i32) {
    %c0_i32 = arith.constant 0 : i32
    %c0_i32_0 = arith.constant 0 : i32
    return %arg0, %c0_i32 : i32, i32
  }
  func.func @transform_1(%arg0: i32) -> (i32, i32) {
    %c0_i32 = arith.constant 0 : i32
    %c0_i32_0 = arith.constant 0 : i32
    return %arg0, %c0_i32 : i32, i32
  }
  func.func @transform_2(%arg0: i32) -> (i32, i32) {
    %c0_i32 = arith.constant 0 : i32
    %c0_i32_0 = arith.constant 0 : i32
    return %arg0, %c0_i32 : i32, i32
  }
  func.func @transform_3(%arg0: i32) -> (i32, i32) {
    %c0_i32 = arith.constant 0 : i32
    %c0_i32_0 = arith.constant 0 : i32
    return %arg0, %c0_i32 : i32, i32
  }
  func.func @transform_4(%arg0: i32) -> (i32, i32) {
    %c0_i32 = arith.constant 0 : i32
    %c0_i32_0 = arith.constant 0 : i32
    %c0_i32_1 = arith.constant 0 : i32
    return %c0_i32, %c0_i32_0 : i32, i32
  }
  func.func @transform_5(%arg0: i32) -> (i32, i32) {
    %c0_i32 = arith.constant 0 : i32
    %c0_i32_0 = arith.constant 0 : i32
    %c0_i32_1 = arith.constant 0 : i32
    return %c0_i32, %c0_i32_0 : i32, i32
  }
  func.func @transform_6(%arg0: i32) -> (i32, i32) {
    %c0_i32 = arith.constant 0 : i32
    %c0_i32_0 = arith.constant 0 : i32
    return %arg0, %c0_i32 : i32, i32
  }
}

</mosaic_0001>

<sc_bundles>
// kernel: kernel.11.cloned.1.call-start
scs
__scs_entry_jumppad:
0x0: {  	(pc) =	sbr.rel $0x88, $3  }
0x1: {  	(tag) =	ssettag $0x0;
	lr =	simm.s32 $0x1  }
0x2: {  	[smem:$0x3F97] =	sst lr;
	_ =	strace $0xD0000000  }
0x3: {  	_ = 	snop  }
0x4: {  	_ = 	snop  }
0x5: {  	_ = 	snop  }
0x6: {  	_ = 	snop  }
0x7: {  	_ = 	snop  }
__scs_overlays_trampoline_lowered:
0x8: {  	[smem:$0x3FA6] =	sst s0  }
0x9: {  	[smem:$0x3FA7] =	sst s1  }
0xa: {  	[smem:$0x3FA8] =	sst s2  }
0xb: {  	[smem:$0x3FA9] =	sst s3  }
0xc: {  	[smem:$0x3FAA] =	sst s4  }
0xd: {  	[smem:$0x3FAB] =	sst s5  }
0xe: {  	[smem:$0x3FAC] =	sst s6  }
0xf: {  	[smem:$0x3FAD] =	sst s7  }
0x10: {  	[smem:$0x3FAE] =	sst s8  }
0x11: {  	[smem:$0x3FAF] =	sst s9;
	s0 =	simm.s32 @!p0 $0x0  }
0x12: {  	s1 =	sld [smem:$0x3F95];
	s0 =	simm.s32 @p0 $0x1  }
0x13: {  	[smem:$0x3FB0] =	sst s0;
	s0 =	simm.s32 @!p1 $0x0  }
0x14: {  	s2 =	sld [smem:$0x3F94];
	s0 =	simm.s32 @p1 $0x1  }
0x15: {  	[smem:$0x3FB1] =	sst s0;
	s0 =	simm.s32 @!p2 $0x0  }
0x16: {  	s3 =	sld [smem:$0x3FDB];
	s0 =	simm.s32 @p2 $0x1  }
0x17: {  	s4 =	simm.s32 $0x1BF5;
	[smem:$0x3FB3] =	sst s0  }
0x18: {  	s0 =	sld [smem:$0x3F96];
	_ =	swait.ge [sflag:s4], $0x0  }
0x19: {  	s7 =	sld [smem:$0x3F97]  }
0x1a: {  	s8 =	sadd.s32 $0xFFFFE003, lr  }
0x1b: {  	s9 =	sadd.s32 $0xFFFFFEF7, lr;
	s5 =	simm.s32 $0xFFFFFFFF;
	p2 =	slt.u32 s8, $0xFFFFF086  }
0x1c: {  	p1 =	slt.u32 s9, $0xF7A;
	s5 =	simm.s32 @!p2 $0x0  }
0x1d: {  	s5 =	simm.s32 @p1 $0x1;
	p0 =	seq.s32 s7, s2  }
0x1e: {  	s7 =	smul.u32 @!p0 $0xF7A, s2;
	p2 =	seq.s32 @!p0 s5, $0x0  }
0x1f: {  	s9 =	smul.u32 $0xF7A, s1;
	s8 =	simm.s32 @!p0 $0x1BF5;
	p2 =	por !p2, p0  }
0x20: {  	[sflag:s8] =	ssyncset.s32 @!p0 $0xFFFFF086;
	s6 =	sadd.s32 @!p0 s3, s7;
	s7 =	simm.s32 @!p0 $0x108  }
0x21: {  	s3 =	sadd.s32 s3, s9;
	s6 =	sadd.s32 @!p0 $0x88, s6;
	s7 =	simm.s32 @p2 $0x1082  }
0x22: {  	[simem:s7], [sflag:s8] =	dma.local @!p0 [hbm:s6], $0xF7A  }
0x23: {  	s9 =	sor.u32 $0xD0000000, s2;
	s6 =	simm.s32 $0x108;
	_ =	swait.ge @!p0 [sflag:s8], $0x0  }
0x24: {  	s3 =	sadd.s32 $0x88, s3;
	s6 =	simm.s32 @!p1 $0x1082;
	[sflag:s4] =	ssyncset.s32 $0xFFFFF086  }
0x25: {  	[simem:s6], [sflag:s4] =	dma.local [hbm:s3], $0xF7A  }
0x26: {  	[smem:$0x3F97] =	sst s1;
	(tag) =	ssettag s2;
	_ =	strace s9  }
0x27: {  	s1 =	sld [smem:$0x3FA7]  }
0x28: {  	s2 =	sld [smem:$0x3FA8]  }
0x29: {  	s4 =	sld [smem:$0x3FAA]  }
0x2a: {  	p0 =	seq.s32 s5, $0x0;
	s5 =	sld [smem:$0x3FAB]  }
0x2b: {  	s6 =	sld [smem:$0x3FAC]  }
0x2c: {  	s7 =	sld [smem:$0x3FAD]  }
0x2d: {  	s3 =	simm.s32 $0x108;
	s8 =	sld [smem:$0x3FAE]  }
0x2e: {  	s3 =	simm.s32 @!p0 $0x1082;
	s9 =	sld [smem:$0x3FAF]  }
0x2f: {  	lr =	sadd.s32 s0, s3;
	s0 =	sld [smem:$0x3FA6]  }
0x30: {  	s3 =	sld [smem:$0x3FA9]  }
0x31: {  	[smem:$0x3FB2] =	sst s10  }
0x32: {  	s10 =	sld [smem:$0x3FB0];
	_ =	sdelay $0x3  }
0x33: {  	p0 =	seq.s32 s10, $0x1;
	s10 =	sld [smem:$0x3FB2];
	_ =	sdelay $0x3  }
0x34: {  	[smem:$0x3FB2] =	sst s10  }
0x35: {  	s10 =	sld [smem:$0x3FB1];
	_ =	sdelay $0x3  }
0x36: {  	p1 =	seq.s32 s10, $0x1;
	s10 =	sld [smem:$0x3FB2];
	_ =	sdelay $0x3  }
0x37: {  	[smem:$0x3FB2] =	sst s10  }
0x38: {  	s10 =	sld [smem:$0x3FB3]  }
0x39: {  	_ = 	snop;
	(pc) =	sbr.ind lr, $3  }
0x3a: {  	_ = 	snop  }
0x3b: {  	_ = 	snop  }
0x3c: {  	p2 =	seq.s32 s10, $0x1;
	s10 =	sld [smem:$0x3FB2]  }
0x3d: {  	_ =	shalt  }
0x3e: {  	_ =	shalt  }
0x3f: {  	_ =	shalt  }
0x40: {  	_ =	shalt  }
0x41: {  	_ =	shalt  }
0x42: {  	_ =	shalt  }
0x43: {  	_ =	shalt  }
0x44: {  	_ =	shalt  }
0x45: {  	_ =	shalt  }
0x46: {  	_ =	shalt  }
0x47: {  	_ =	shalt  }
0x48: {  	_ =	shalt  }
0x49: {  	_ =	shalt  }
0x4a: {  	_ =	shalt  }
0x4b: {  	_ =	shalt  }
0x4c: {  	_ =	shalt  }
0x4d: {  	_ =	shalt  }
0x4e: {  	_ =	shalt  }
0x4f: {  	_ =	shalt  }
0x50: {  	_ =	shalt  }
0x51: {  	_ =	shalt  }
0x52: {  	_ =	shalt  }
0x53: {  	_ =	shalt  }
0x54: {  	_ =	shalt  }
0x55: {  	_ =	shalt  }
0x56: {  	_ =	shalt  }
0x57: {  	_ =	shalt  }
0x58: {  	_ =	shalt  }
0x59: {  	_ =	shalt  }
0x5a: {  	_ =	shalt  }
0x5b: {  	_ =	shalt  }
0x5c: {  	_ =	shalt  }
0x5d: {  	_ =	shalt  }
0x5e: {  	_ =	shalt  }
0x5f: {  	_ =	shalt  }
0x60: {  	_ =	shalt  }
0x61: {  	_ =	shalt  }
0x62: {  	_ =	shalt  }
0x63: {  	_ =	shalt  }
0x64: {  	_ =	shalt  }
0x65: {  	_ =	shalt  }
0x66: {  	_ =	shalt  }
0x67: {  	_ =	shalt  }
0x68: {  	_ =	shalt  }
0x69: {  	_ =	shalt  }
0x6a: {  	_ =	shalt  }
0x6b: {  	_ =	shalt  }
0x6c: {  	_ =	shalt  }
0x6d: {  	_ =	shalt  }
0x6e: {  	_ =	shalt  }
0x6f: {  	_ =	shalt  }
0x70: {  	_ =	shalt  }
0x71: {  	_ =	shalt  }
0x72: {  	_ =	shalt  }
0x73: {  	_ =	shalt  }
0x74: {  	_ =	shalt  }
0x75: {  	_ =	shalt  }
0x76: {  	_ =	shalt  }
0x77: {  	_ =	shalt  }
0x78: {  	_ =	shalt  }
0x79: {  	_ =	shalt  }
0x7a: {  	_ =	shalt  }
0x7b: {  	_ =	shalt  }
0x7c: {  	_ =	shalt  }
0x7d: {  	_ =	shalt  }
0x7e: {  	_ =	shalt  }
0x7f: {  	_ =	shalt  }
0x80: {  	_ =	shalt  }
0x81: {  	_ =	shalt  }
0x82: {  	_ =	shalt  }
0x83: {  	_ =	shalt  }
0x84: {  	_ =	shalt  }
0x85: {  	_ =	shalt  }
0x86: {  	_ =	shalt  }
0x87: {  	_ =	shalt  }
.Lfunc_end0:
.L_simem_size_0:
called_computation.1_lowered:
.L_overlay_start_0:
0x88: {  	s2 =	sld [smem:$0x3FD9]  }
0x89: {  	s3 =	sld [smem:$0x3FFE];
	_ =	sdelay $0x1  }
0x8a: {  	s1 =	srdreg.scid  }
0x8b: {  	s0 =	sand.u32 $0x1, s1  }
0x8c: {  	s16 =	sshll.u32 s0, $0xA;
	s2 =	sadd.s32 s3, s2  }
0x8d: {  	s2 =	sadd.s32 s2, s16  }
0x8e: {  	[smem:$0x3FBE] =	sst s2  }
0x8f: {  	_ = 	snop  }
0x90: {  	(tm) =	ssettm $0x1  }
0x91: {  	s17 =	sld [smem:$0x3FFB];
	_ =	sdelay $0x3  }
0x92: {  	_ =	strace s17  }
0x93: {  	s2 =	sld [smem:$0x3FFC];
	_ =	sdelay $0x3  }
0x94: {  	_ =	strace s2  }
0x95: {  	s2 =	sld [smem:$0x3FFD];
	_ =	sdelay $0x3  }
0x96: {  	_ =	strace s2  }
0x97: {  	_ =	strace $0x8FFFFFFF  }
0x98: {  	s18 =	sld [smem:$0x3FDB];
	_ =	sdelay $0x1  }
0x99: {  	s19 =	simm.s32 $_scs_section_size  }
0x9a: {  	s4 =	simm.s32 $_size__tile_overlayer_lowered;
	s5 =	simm.s32 $_tile_overlayer_lowered  }
0x9b: {  	s22 =	simm.s32 $0x1BFF;
	s21 =	sshll.u32 s5, $0x1;
	s2 =	sadd.s32 s19, s18  }
0x9c: {  	s6 =	simm.s32 $0x0;
	s20 =	sshll.u32 s4, $0x1;
	s4 =	sadd.s32 s21, s2  }
0x9d: {  	[timem:s6], [sflag:s22] =	dma.local [hbm:s4], s20  }
0x9e: {  	_ =	swait.ge [sflag:s22], s20  }
0x9f: {  	s3 =	ssub.s32 $0x0, s20;
	[sflag:s22] =	ssyncset.done $0x0  }
0xa0: {  	[sflag:s22] =	ssyncadd.s32 s3;
	_ =	sdelay $0x1  }
0xa1: {  	s23 =	simm.s32 $0x1B8B  }
0xa2: {  	_ =	swait.ge [sflag:s23], $0x1  }
0xa3: {  	[sflag:s23] =	ssyncset.done $0x0  }
0xa4: {  	s25 =	simm.s32 $0x1B8E;
	s24 =	sld [smem:$0x3FFE];
	[sflag:s23] =	ssyncadd.s32 $0xFFFFFFFF  }
0xa5: {  	s26 =	simm.s32 $execute0_lowered;
	[smem:$0x3FD2] =	sst s25  }
0xa6: {  	s4 =	sshll.u32 s26, $0x1;
	_ =	strace $0x80000049;
	[dreg:$0x1] =	wrdreg $0xFFFFFFFF  }
0xa7: {  	s28 =	simm.s32 $_size_execute0_lowered;
	s2 =	sadd.s32 s2, s4;
	[dreg:$0x0] =	wrdreg $0x0  }
0xa8: {  	s4 =	sshll.u32 s28, $0x1;
	[dreg:$0x2] =	wrdreg s2  }
0xa9: {  	[dreg:$0x3] =	wrdreg s4  }
0xaa: {  	[dreg:$0x4] =	wrdreg $0xC0  }
0xab: {  	_ =	task [dreg:s6], $0x5FFFF  }
0xac: {  	[dreg:$0x1] =	wrdreg $0xFFFFFFFF  }
0xad: {  	[dreg:$0x0] =	wrdreg $0x60  }
0xae: {  	[dreg:$0x2] =	wrdreg s24  }
0xaf: {  	[dreg:$0x3] =	wrdreg $0x8A000  }
0xb0: {  	[dreg:$0x4] =	wrdreg $0x9  }
0xb1: {  	_ =	task.clear_ibuf [dreg:s6], $0x5FFFF;
	_ =	strace $0x90000049  }
0xb2: {  	s29 =	simm.s32 $0x9;
	_ =	strace $0x8000004B  }
0xb3: {  	_ =	swait.ge [sflag:s29], $0x1  }
0xb4: {  	[sflag:s29] =	ssyncadd.s32 $0xFFFFFFFF  }
0xb5: {  	_ =	strace $0x9000004B  }
0xb6: {  	_ =	sfence  }
0xb7: {  	s30 =	sld [smem:$0x0];
	_ =	sdelay $0x2  }
0xb8: {  	s31 =	sshll.u32 s1, $0xD;
	s1 =	sshrl.u32 s1, $0x2  }
0xb9: {  	s3 =	sand.u32 $0x4000, s31;
	s1 =	sadd.s32 s1, s30  }
0xba: {  	s0 =	sor.u32 s3, s0;
	s1 =	sshll.u32 s1, $0x11  }
0xbb: {  	s0 =	sor.u32 s1, s0  }
0xbc: {  	s0 =	sadd.s32 $0x8F2B, s0  }
0xbd: {  	[sflag:s0] =	ssyncadd.remote.s32 $0x1  }
0xbe: {  	_ =	sfence.sel $0xFFFF  }
0xbf: {  	[dreg:$0x0] =	wrdreg $0xFFFFFFFF;
	(pc) =	sbr.abs _section_cstart, $3  }
0xc0: {  	[dreg:$0x1] =	wrdreg $0xFFFFFFFF  }
0xc1: {  	_ =	task.clear_ibuf [dreg:s6], $0x2FFFF;
	_ =	strace $0x9FFFFFFF  }
0xc2: {  	(tm) =	ssettm $0x7FFFFFFF  }
0xc3: {  	_ =	shalt  }
tec
execute0_lowered:
.L_overlay_start_1:
0x0: {  	(tag) =	ssettag $0x1  }
0x1: {  	s0 =	rddreg [dreg:$0x0]  }
0x2: {  	s1 =	rddreg [dreg:$0x1]  }
0x3: {  	s3 =	simm.s32 $0x0;
	s14 =	stileid.u32;
	s2 =	srdreg.scid  }
0x4: {  	s28 =	simm.s32 $0x2;
	s29 =	simm.s32 $0x4A00;
	s30 =	simm.s32 $0x3  }
0x5: {  	s31 =	simm.s32 $0x4;
	[smem:$0x7FF] =	sst s3;
	s4 =	sadd.s32 $0x171600, s0  }
0x6: {  	s5 =	sadd.s32 $0x12800, s0;
	s7 =	smul.u32 $0x13C00, s14;
	s2 =	sand.u32 $0x1, s2  }
0x7: {  	s6 =	sadd.s32 $0x8400, s0;
	s9 =	smul.u32 $0x2780, s14;
	s22 =	sshll.u32 s14, $0x6  }
0x8: {  	_ =	strace $0x8000004A;
	s8 =	sshll.u32 s2, $0x4;
	s11 =	smul.u32 $0x27800, s2  }
0x9: {  	s2 =	ssub.s32 $0x2, s2;
	s10 =	sshrl.u32 s7, $0x3;
	s8 =	sor.u32 s14, s8  }
0xa: {  	s20 =	sshrl.u32 s2, $0x1;
	s7 =	sadd.s32 s7, s1;
	s10 =	sadd.s32 s10, s0  }
0xb: {  	s12 =	sshll.u32 s8, $0x8;
	s9 =	sadd.s32 s9, s11;
	s2 =	ssub.s32 s2, s20  }
0xc: {  	s8 =	sshll.u32 s8, $0x4;
	s19 =	sshrl.u32 s7, $0x3;
	s20 =	simm.s32 $0x6  }
0xd: {  	s13 =	sadd.s32 s12, s0;
	s0 =	sadd.s32 s9, s0;
	s21 =	sadd.s32 $0x56E00, s10  }
0xe: {  	s9 =	sor.u32 $0x1C06, s22;
	s23 =	sadd.s32 s5, s8;
	s24 =	sor.u32 $0x200, s8  }
0xf: {  	s25 =	sadd.s32 s6, s8;
	s15 =	sor.u32 $0x600, s8;
	[dreg:$0x3] =	wrdreg s21  }
0x10: {  	s18 =	smax.u32 s2, $0x1;
	s22 =	simm.s32 $0x200;
	[dreg:$0x4] =	wrdreg s23  }
.Ltmp0:
0x11: {  	[dreg:$0x5] =	wrdreg s25;
	s12 =	sadd.s32 $0x7E600, s13;
	(pc) =	sbr.rel .LBB2_1-.Ltmp0, $4  }
0x12: {  	s26 =	sadd.s32 s5, s24;
	s10 =	sadd.s32 s6, s24;
	s16 =	sadd.s32 $0x80600, s13  }
0x13: {  	s17 =	sadd.s32 $0x198E00, s0;
	s21 =	simm.s32 $0x100;
	s23 =	simm.s32 $0x80  }
0x14: {  	s24 =	simm.s32 $0xA00;
	s25 =	simm.s32 $0x180;
	[dreg:$0x6] =	wrdreg s26  }
0x15: {  	s0 =	simm.s32 $0x0;
	[dreg:$0x7] =	wrdreg s10;
	s26 =	simm.s32 $0x5  }
.LBB2_8:
0x16: {  	s0 =	sadd.s32 $0x1, s0  }
0x17: {  	p0 =	sne.s32 s0, s18  }
.Ltmp1:
0x18: {  	[bflag:$0x0] =	sbarrier.arrive $0xFFFF;
	(pc) =	sbr.rel @!p0 .LBB2_9-.Ltmp1, $4  }
0x19: {  	[hbm:s17], [sflag:s9] =	dma.local [spmem:s19], $0x2780  }
0x1a: {  	_ =	swait.ge [sflag:s20], $0x2780  }
0x1b: {  	[sflag:s20] =	ssyncset.done $0x0  }
0x1c: {  	[sflag:s20] =	ssyncadd.s32 $0xFFFFD880  }
.LBB2_1:
0x1d: {  	s2 =	rddreg [dreg:$0x3]  }
0x1e: {  	[spmem:s19], [sflag:s9] =	dma.local [hbm:s2], $0x2780  }
0x1f: {  	_ =	swait.ge [sflag:s20], $0x2780  }
0x20: {  	[sflag:s20] =	ssyncset.done $0x0  }
0x21: {  	[sflag:s20] =	ssyncadd.s32 $0xFFFFD880  }
0x22: {  	[bflag:$0x0] =	sbarrier.arrive $0xFFFF  }
0x23: {  	s10 =	rddreg [dreg:$0x4]  }
0x24: {  	[tilespmem:s3], [sflag:$0x6] =	stream.linear.gather [hbm4b:s10+s3], $0x80, $0x38;
	[tilespmem:$0x1C600] =	vst v63  }
0x25: {  	_ =	swait.ge [sflag:s20], $0x80  }
0x26: {  	[sflag:s20] =	ssyncset.done $0x0  }
0x27: {  	s11 =	rddreg [dreg:$0x5];
	[sflag:s20] =	ssyncadd.s32 $0xFFFFFF80  }
0x28: {  	[tilespmem:s21], [sflag:$0x6] =	stream.linear.gather [hbm4b:s11+s3], $0x80, $0x38;
	[tilespmem:$0x1C600] =	vst v63  }
0x29: {  	_ =	swait.ge [sflag:s20], $0x80  }
0x2a: {  	[sflag:s20] =	ssyncset.done $0x0  }
0x2b: {  	[sflag:s20] =	ssyncadd.s32 $0xFFFFFF80  }
0x2c: {  	[tilespmem:s22], [sflag:$0x5] =	stream.linear.gather [hbm4b:s12+s3], $0x800, $0x38;
	[tilespmem:$0x1C600] =	vst v63  }
0x2d: {  	_ = 	snop  }
0x2e: {  	[tilespmem:s24], [sflag:$0x3] =	stream.indirect.gather [hbm4b:s4+s23], $0x80, s3, s23, $0xb8;
	[tilespmem:$0x1C600] =	vst v63  }
0x2f: {  	s13 =	rddreg [dreg:$0x6]  }
0x30: {  	[tilespmem:s23], [sflag:$0x2] =	stream.linear.gather [hbm4b:s13+s3], $0x80, $0x38;
	[tilespmem:$0x1C600] =	vst v63  }
0x31: {  	s2 =	simm.s32 $0x0;
	s14 =	rddreg [dreg:$0x7]  }
0x32: {  	[tilespmem:s25], [sflag:$0x2] =	stream.linear.gather [hbm4b:s14+s3], $0x80, $0x38;
	[tilespmem:$0x1C600] =	vst v63  }
.LBB2_2:
0x33: {  	_ =	swait.ge [sflag:s26], $0x800  }
0x34: {  	[sflag:s26] =	ssyncset.done $0x0  }
0x35: {  	[sflag:s26] =	ssyncadd.s32 $0xFFFFF800  }
0x36: {  	_ =	swait.ge [sflag:s28], $0x80  }
0x37: {  	[sflag:s28] =	ssyncset.done $0x0  }
0x38: {  	[sflag:s28] =	ssyncadd.s32 $0xFFFFFF80  }
0x39: {  	_ =	swait.ge [sflag:s28], $0x80  }
0x3a: {  	[sflag:s28] =	ssyncset.done $0x0  }
0x3b: {  	[sflag:s28] =	ssyncadd.s32 $0xFFFFFF80  }
0x3c: {  	[tilespmem:s29], [sflag:$0x4] =	stream.indirect.gather [hbm4b:s4+s23], $0x80, s23, s23, $0xb8;
	[tilespmem:$0x1C600] =	vst v63  }
0x3d: {  	_ =	swait.ge [sflag:s30], $0x4000  }
0x3e: {  	[sflag:s30] =	ssyncset.done $0x0  }
0x3f: {  	s7 =	simm.s32 $0xA40;
	[sflag:s30] =	ssyncadd.s32 $0xFFFFC000  }
0x40: {  	s10 =	simm.s32 $0x0;
	v7 =	vld [tilespmem:s7+$0xFFFFFFD0]  }
0x41: {  	v2 =	vld [tilespmem:s10+$0x200]  }
0x42: {  	v5 =	vld [tilespmem:s7+$0x20]  }
0x43: {  	v8 =	vld [tilespmem:s7+$0xFFFFFFC0]  }
0x44: {  	v11 =	vld [tilespmem:s7+$0xFFFFFFE0]  }
0x45: {  	v0 =	vld [tilespmem:s7+$0xFFFFFFF0]  }
0x46: {  	v1 =	vld [tilespmem:s7+$0x30];
	v9 =	vbroadcast v2, $0x4;
	v6 =	vbroadcast v2, $0x7  }
0x47: {  	v3 =	vld [tilespmem:s7+$0x0];
	v4 =	vbroadcast v2, $0x5  }
0x48: {  	v10 =	vmul.f32 v9, v8;
	v8 =	vmul.f32 v5, v6;
	v5 =	vld [tilespmem:s7+$0x10]  }
0x49: {  	v2 =	vbroadcast v2, $0x6  }
0x4a: {  	s11 =	simm.s32 $0xA40;
	s10 =	simm.s32 $0x40;
	v9 =	vmul.f32 v7, v9;
	v7 =	vmul.f32 v11, v4  }
.LBB2_3:
0x4b: {  	p0 =	sne.s32 s10, $0x1FC0  }
0x4c: {  	[tilespmem:s7+$0xFFFFFFC0] =	vst v10;
	v3 =	vmul.f32 v3, v2;
	v1 =	vmul.f32 v1, v6;
	s11 =	sadd.s32 $0x80, s11;
	s13 =	smov.u32 s10;
	s10 =	sadd.s32 $0x40, s10  }
0x4d: {  	v4 =	vmul.f32 v0, v4;
	v2 =	vmul.f32 v5, v2;
	[tilespmem:s7+$0x20] =	vst v8  }
0x4e: {  	[tilespmem:s7+$0xFFFFFFD0] =	vst v9  }
0x4f: {  	[tilespmem:s7+$0xFFFFFFE0] =	vst v7  }
0x50: {  	[tilespmem:s7+$0x30] =	vst v1  }
0x51: {  	v0 =	vld [tilespmem:s11+$0xFFFFFFF0];
	[tilespmem:s7+$0x10] =	vst v2  }
0x52: {  	v7 =	vld [tilespmem:s11+$0xFFFFFFD0];
	[tilespmem:s7+$0xFFFFFFF0] =	vst v4  }
0x53: {  	s13 =	sshra.s32 s13, $0x2;
	v8 =	vld [tilespmem:s11+$0x20];
	[tilespmem:s7+$0x0] =	vst v3;
	s7 =	smov.u32 s11  }
0x54: {  	v2 =	vld [tilespmem:s13+$0x200]  }
0x55: {  	v1 =	vld [tilespmem:s11+$0x30]  }
0x56: {  	v9 =	vld [tilespmem:s11+$0xFFFFFFC0]  }
0x57: {  	v11 =	vld [tilespmem:s11+$0xFFFFFFE0]  }
.Ltmp2:
0x58: {  	v3 =	vld [tilespmem:s11+$0x0];
	(pc) =	sbr.rel @p0 .LBB2_3-.Ltmp2, $4  }
0x59: {  	v12 =	vbroadcast v2, $0x4;
	v5 =	vld [tilespmem:s11+$0x10];
	v6 =	vbroadcast v2, $0x7  }
0x5a: {  	v4 =	vbroadcast v2, $0x5;
	v2 =	vbroadcast v2, $0x6  }
0x5b: {  	v10 =	vmul.f32 v12, v9;
	v8 =	vmul.f32 v8, v6  }
0x5c: {  	v9 =	vmul.f32 v7, v12;
	v7 =	vmul.f32 v11, v4  }
0x5d: {  	[tilespmem:s7+$0xFFFFFFC0] =	vst v10  }
0x5e: {  	[tilespmem:s7+$0x20] =	vst v8  }
0x5f: {  	v1 =	vmul.f32 v1, v6;
	[tilespmem:s7+$0xFFFFFFD0] =	vst v9  }
0x60: {  	v0 =	vmul.f32 v0, v4;
	[tilespmem:s7+$0xFFFFFFE0] =	vst v7  }
0x61: {  	v5 =	vmul.f32 v5, v2;
	[tilespmem:s7+$0x30] =	vst v1  }
0x62: {  	v1 =	vmul.f32 v3, v2;
	[tilespmem:s7+$0xFFFFFFF0] =	vst v0  }
0x63: {  	[tilespmem:s7+$0x10] =	vst v5  }
0x64: {  	[tilespmem:s7+$0x0] =	vst v1  }
0x65: {  	[spmem:s1] =	stream.indirect.scatter.add.f32 [tilespmem:s24], [sflag:$0x6], $0x80, s21, s23, $0xb8;
	[tilespmem:$0x1C600] =	vst v63  }
0x66: {  	_ =	swait.ge [sflag:s20], $0x4000  }
0x67: {  	s11 =	sshll.u32 s2, $0xE;
	s13 =	sshll.u32 s2, $0x1;
	[sflag:s20] =	ssyncset.done $0x0  }
0x68: {  	p0 =	seq.s32 s2, $0x28;
	s7 =	sadd.s32 s11, s16;
	[sflag:s20] =	ssyncadd.s32 $0xFFFFC000  }
0x69: {  	[tilespmem:s22], [sflag:$0x5] =	stream.linear.gather [hbm4b:s7+s3], $0x800, $0x38;
	[tilespmem:$0x1C600] =	vst v63  }
0x6a: {  	s10 =	simm.s32 @p0 $0x5;
	s7 =	sadd.s32 $0x2, s13  }
0x6b: {  	_ =	swait.ge @p0 [sflag:s10], $0x800;
	s11 =	sshll.u32 @!p0 s7, $0x9  }
0x6c: {  	[sflag:s10] =	ssyncset.done @p0 $0x0;
	s11 =	sor.u32 @!p0 s8, s11  }
0x6d: {  	s13 =	simm.s32 @!p0 $0x0;
	[sflag:s10] =	ssyncadd.s32 @p0 $0xFFFFF800;
	s10 =	sadd.s32 @!p0 s5, s11  }
0x6e: {  	[tilespmem:s13], [sflag:$0x1] =	stream.linear.gather @!p0 [hbm4b:s10+s13], $0x80, $0x38;
	[tilespmem:$0x1C600] =	vst v63  }
0x6f: {  	s10 =	sadd.s32 @!p0 s6, s11;
	s11 =	simm.s32 @!p0 $0x100  }
0x70: {  	[tilespmem:s11], [sflag:$0x1] =	stream.linear.gather @!p0 [hbm4b:s10+s13], $0x80, $0x38;
	[tilespmem:$0x1C600] =	vst v63  }
0x71: {  	s10 =	simm.s32 @!p0 $0x5  }
0x72: {  	_ =	swait.ge @!p0 [sflag:s10], $0x800  }
0x73: {  	[sflag:s10] =	ssyncset.done @!p0 $0x0  }
0x74: {  	[sflag:s10] =	ssyncadd.s32 @!p0 $0xFFFFF800;
	s10 =	simm.s32 @!p0 $0x1  }
0x75: {  	_ =	swait.ge @!p0 [sflag:s10], $0x80  }
0x76: {  	[sflag:s10] =	ssyncset.done @!p0 $0x0  }
0x77: {  	[sflag:s10] =	ssyncadd.s32 @!p0 $0xFFFFFF80  }
0x78: {  	_ =	swait.ge @!p0 [sflag:s10], $0x80  }
0x79: {  	[sflag:s10] =	ssyncset.done @!p0 $0x0  }
0x7a: {  	s11 =	simm.s32 @!p0 $0xA00;
	[sflag:s10] =	ssyncadd.s32 @!p0 $0xFFFFFF80;
	s10 =	simm.s32 @!p0 $0x80  }
0x7b: {  	[tilespmem:s11], [sflag:$0x3] =	stream.indirect.gather @!p0 [hbm4b:s4+s10], $0x80, s13, s10, $0xb8;
	[tilespmem:$0x1C600] =	vst v63  }
0x7c: {  	_ =	swait.ge [sflag:s31], $0x4000  }
0x7d: {  	[sflag:s31] =	ssyncset.done $0x0  }
0x7e: {  	s10 =	simm.s32 $0x4A40;
	[sflag:s31] =	ssyncadd.s32 $0xFFFFC000  }
0x7f: {  	s14 =	simm.s32 $0x0;
	v7 =	vld [tilespmem:s10+$0xFFFFFFD0]  }
0x80: {  	v2 =	vld [tilespmem:s14+$0x200]  }
0x81: {  	v5 =	vld [tilespmem:s10+$0x20]  }
0x82: {  	v8 =	vld [tilespmem:s10+$0xFFFFFFC0]  }
0x83: {  	v11 =	vld [tilespmem:s10+$0xFFFFFFE0]  }
0x84: {  	v0 =	vld [tilespmem:s10+$0xFFFFFFF0]  }
0x85: {  	v1 =	vld [tilespmem:s10+$0x30];
	v9 =	vbroadcast v2, $0x4;
	v6 =	vbroadcast v2, $0x7  }
0x86: {  	v3 =	vld [tilespmem:s10+$0x0];
	v4 =	vbroadcast v2, $0x5  }
0x87: {  	v10 =	vmul.f32 v9, v8;
	v8 =	vmul.f32 v5, v6;
	v5 =	vld [tilespmem:s10+$0x10]  }
0x88: {  	v2 =	vbroadcast v2, $0x6  }
0x89: {  	s11 =	simm.s32 $0x40;
	s13 =	simm.s32 $0x4A40;
	v9 =	vmul.f32 v7, v9;
	v7 =	vmul.f32 v11, v4  }
.LBB2_5:
0x8a: {  	p1 =	sne.s32 s11, $0x1FC0  }
0x8b: {  	[tilespmem:s10+$0xFFFFFFC0] =	vst v10;
	v3 =	vmul.f32 v3, v2;
	v1 =	vmul.f32 v1, v6;
	s13 =	sadd.s32 $0x80, s13;
	s14 =	smov.u32 s11;
	s11 =	sadd.s32 $0x40, s11  }
0x8c: {  	v4 =	vmul.f32 v0, v4;
	v2 =	vmul.f32 v5, v2;
	[tilespmem:s10+$0x20] =	vst v8  }
0x8d: {  	[tilespmem:s10+$0xFFFFFFD0] =	vst v9  }
0x8e: {  	[tilespmem:s10+$0xFFFFFFE0] =	vst v7  }
0x8f: {  	[tilespmem:s10+$0x30] =	vst v1  }
0x90: {  	v0 =	vld [tilespmem:s13+$0xFFFFFFF0];
	[tilespmem:s10+$0x10] =	vst v2  }
0x91: {  	v7 =	vld [tilespmem:s13+$0xFFFFFFD0];
	[tilespmem:s10+$0xFFFFFFF0] =	vst v4  }
0x92: {  	s14 =	sshra.s32 s14, $0x2;
	v8 =	vld [tilespmem:s13+$0x20];
	[tilespmem:s10+$0x0] =	vst v3;
	s10 =	smov.u32 s13  }
0x93: {  	v2 =	vld [tilespmem:s14+$0x200]  }
0x94: {  	v1 =	vld [tilespmem:s13+$0x30]  }
0x95: {  	v9 =	vld [tilespmem:s13+$0xFFFFFFC0]  }
0x96: {  	v11 =	vld [tilespmem:s13+$0xFFFFFFE0]  }
.Ltmp3:
0x97: {  	v3 =	vld [tilespmem:s13+$0x0];
	(pc) =	sbr.rel @p1 .LBB2_5-.Ltmp3, $4  }
0x98: {  	v12 =	vbroadcast v2, $0x4;
	v5 =	vld [tilespmem:s13+$0x10];
	v6 =	vbroadcast v2, $0x7  }
0x99: {  	v4 =	vbroadcast v2, $0x5;
	v2 =	vbroadcast v2, $0x6  }
0x9a: {  	v10 =	vmul.f32 v12, v9;
	v8 =	vmul.f32 v8, v6  }
0x9b: {  	v9 =	vmul.f32 v7, v12;
	v7 =	vmul.f32 v11, v4  }
0x9c: {  	[tilespmem:s10+$0xFFFFFFC0] =	vst v10  }
0x9d: {  	[tilespmem:s10+$0x20] =	vst v8  }
0x9e: {  	v1 =	vmul.f32 v1, v6;
	[tilespmem:s10+$0xFFFFFFD0] =	vst v9  }
0x9f: {  	v0 =	vmul.f32 v0, v4;
	[tilespmem:s10+$0xFFFFFFE0] =	vst v7  }
0xa0: {  	v63 =	vmul.f32 v3, v2;
	[tilespmem:s10+$0x30] =	vst v1  }
0xa1: {  	v5 =	vmul.f32 v5, v2;
	[tilespmem:s10+$0xFFFFFFF0] =	vst v0  }
0xa2: {  	[tilespmem:s10+$0x0] =	vst v63  }
.Ltmp4:
0xa3: {  	[tilespmem:s10+$0x10] =	vst v5;
	(pc) =	sbr.rel @p0 .LBB2_8-.Ltmp4, $4  }
0xa4: {  	[spmem:s1] =	stream.indirect.scatter.add.f32 [tilespmem:s29], [sflag:$0x6], $0x80, s25, s23, $0xb8;
	[tilespmem:$0x1C600] =	vst v63  }
0xa5: {  	_ =	swait.ge [sflag:s20], $0x4000  }
0xa6: {  	[sflag:s20] =	ssyncset.done $0x0  }
0xa7: {  	[sflag:s20] =	ssyncadd.s32 $0xFFFFC000  }
0xa8: {  	s7 =	sshll.u32 s7, $0xD  }
0xa9: {  	s14 =	sshll.u32 s2, $0xA;
	s7 =	sadd.s32 s7, s12  }
0xaa: {  	[tilespmem:s22], [sflag:$0x5] =	stream.linear.gather [hbm4b:s7+s3], $0x800, $0x38;
	[tilespmem:$0x1C600] =	vst v63  }
.Ltmp5:
0xab: {  	s7 =	sadd.s32 s15, s14;
	(pc) =	sbr.rel .LBB2_2-.Ltmp5, $4  }
0xac: {  	s10 =	sadd.s32 s5, s7  }
0xad: {  	[tilespmem:s23], [sflag:$0x2] =	stream.linear.gather [hbm4b:s10+s3], $0x80, $0x38;
	[tilespmem:$0x1C600] =	vst v63  }
0xae: {  	s2 =	sadd.s32 $0x1, s2;
	s7 =	sadd.s32 s6, s7  }
0xaf: {  	[tilespmem:s25], [sflag:$0x2] =	stream.linear.gather [hbm4b:s7+s3], $0x80, $0x38;
	[tilespmem:$0x1C600] =	vst v63  }
.LBB2_9:
0xb0: {  	_ =	sfence.sel $0x180000  }
0xb1: {  	[bflag:$0x0] =	sbarrier.arrive $0xFFFF  }
0xb2: {  	_ =	strace $0x9000004A  }
0xb3: {  	s0 =	stileid.u32;
	[bflag:$0x2] =	sbarrier.arrive $0xFFFF  }
0xb4: {  	p0 =	sne.s32 s0, $0x0;
	s0 =	rddreg [dreg:$0x2]  }
0xb5: {  	s0 =	sadd.s32 @!p0 $0x100000, s0  }
0xb6: {  	[sflag:s0] =	ssyncadd.tile.s32 @!p0 $0x1;
	_ =	shalt  }
.Lfunc_end2:
_tile_overlayer_lowered:
.L_overlay_start_2:
0xb7: {  	(tag) =	ssettag $0x2  }
0xb8: {  	s0 =	rddreg [dreg:$0x0];
	s2 =	stileid.u32  }
0xb9: {  	s1 =	rddreg [dreg:$0x1];
	p0 =	sne.s32 s2, $0x0  }
0xba: {  	s3 =	rddreg [dreg:$0x2];
	[bflag:$0x3] =	sbarrier.arrive $0xFFFF;
	s2 =	simm.s32 @!p0 $0x1C06  }
0xbb: {  	[timem:s3], [sflag:s2] =	dma.local @!p0 [hbm:s0], s1  }
0xbc: {  	s0 =	simm.s32 @!p0 $0x6  }
0xbd: {  	_ =	swait.ge @!p0 [sflag:s0], s1  }
0xbe: {  	s1 =	ssub.s32 @!p0 $0x0, s1;
	[sflag:s0] =	ssyncset.done @!p0 $0x0  }
0xbf: {  	[sflag:s0] =	ssyncadd.s32 @!p0 s1  }
0xc0: {  	[bflag:$0x3] =	sbarrier.arrive $0xFFFF  }
0xc1: {  	_ =	shalt  }

// kernel: kernel.14.cloned.1.call-start
scs
__scs_entry_jumppad:
0x0: {  	(pc) =	sbr.rel $0x88, $3  }
0x1: {  	(tag) =	ssettag $0x0;
	lr =	simm.s32 $0x1  }
0x2: {  	[smem:$0x3F97] =	sst lr;
	_ =	strace $0xD0000000  }
0x3: {  	_ = 	snop  }
0x4: {  	_ = 	snop  }
0x5: {  	_ = 	snop  }
0x6: {  	_ = 	snop  }
0x7: {  	_ = 	snop  }
__scs_overlays_trampoline_lowered:
0x8: {  	[smem:$0x3FA6] =	sst s0  }
0x9: {  	[smem:$0x3FA7] =	sst s1  }
0xa: {  	[smem:$0x3FA8] =	sst s2  }
0xb: {  	[smem:$0x3FA9] =	sst s3  }
0xc: {  	[smem:$0x3FAA] =	sst s4  }
0xd: {  	[smem:$0x3FAB] =	sst s5  }
0xe: {  	[smem:$0x3FAC] =	sst s6  }
0xf: {  	[smem:$0x3FAD] =	sst s7  }
0x10: {  	[smem:$0x3FAE] =	sst s8  }
0x11: {  	[smem:$0x3FAF] =	sst s9;
	s0 =	simm.s32 @!p0 $0x0  }
0x12: {  	s1 =	sld [smem:$0x3F95];
	s0 =	simm.s32 @p0 $0x1  }
0x13: {  	[smem:$0x3FB0] =	sst s0;
	s0 =	simm.s32 @!p1 $0x0  }
0x14: {  	s2 =	sld [smem:$0x3F94];
	s0 =	simm.s32 @p1 $0x1  }
0x15: {  	[smem:$0x3FB1] =	sst s0;
	s0 =	simm.s32 @!p2 $0x0  }
0x16: {  	s3 =	sld [smem:$0x3FDB];
	s0 =	simm.s32 @p2 $0x1  }
0x17: {  	s4 =	simm.s32 $0x1BF5;
	[smem:$0x3FB3] =	sst s0  }
0x18: {  	s0 =	sld [smem:$0x3F96];
	_ =	swait.ge [sflag:s4], $0x0  }
0x19: {  	s7 =	sld [smem:$0x3F97]  }
0x1a: {  	s8 =	sadd.s32 $0xFFFFE003, lr  }
0x1b: {  	s9 =	sadd.s32 $0xFFFFFEF7, lr;
	s5 =	simm.s32 $0xFFFFFFFF;
	p2 =	slt.u32 s8, $0xFFFFF086  }
0x1c: {  	p1 =	slt.u32 s9, $0xF7A;
	s5 =	simm.s32 @!p2 $0x0  }
0x1d: {  	s5 =	simm.s32 @p1 $0x1;
	p0 =	seq.s32 s7, s2  }
0x1e: {  	s7 =	smul.u32 @!p0 $0xF7A, s2;
	p2 =	seq.s32 @!p0 s5, $0x0  }
0x1f: {  	s9 =	smul.u32 $0xF7A, s1;
	s8 =	simm.s32 @!p0 $0x1BF5;
	p2 =	por !p2, p0  }
0x20: {  	[sflag:s8] =	ssyncset.s32 @!p0 $0xFFFFF086;
	s6 =	sadd.s32 @!p0 s3, s7;
	s7 =	simm.s32 @!p0 $0x108  }
0x21: {  	s3 =	sadd.s32 s3, s9;
	s6 =	sadd.s32 @!p0 $0x88, s6;
	s7 =	simm.s32 @p2 $0x1082  }
0x22: {  	[simem:s7], [sflag:s8] =	dma.local @!p0 [hbm:s6], $0xF7A  }
0x23: {  	s9 =	sor.u32 $0xD0000000, s2;
	s6 =	simm.s32 $0x108;
	_ =	swait.ge @!p0 [sflag:s8], $0x0  }
0x24: {  	s3 =	sadd.s32 $0x88, s3;
	s6 =	simm.s32 @!p1 $0x1082;
	[sflag:s4] =	ssyncset.s32 $0xFFFFF086  }
0x25: {  	[simem:s6], [sflag:s4] =	dma.local [hbm:s3], $0xF7A  }
0x26: {  	[smem:$0x3F97] =	sst s1;
	(tag) =	ssettag s2;
	_ =	strace s9  }
0x27: {  	s1 =	sld [smem:$0x3FA7]  }
0x28: {  	s2 =	sld [smem:$0x3FA8]  }
0x29: {  	s4 =	sld [smem:$0x3FAA]  }
0x2a: {  	p0 =	seq.s32 s5, $0x0;
	s5 =	sld [smem:$0x3FAB]  }
0x2b: {  	s6 =	sld [smem:$0x3FAC]  }
0x2c: {  	s7 =	sld [smem:$0x3FAD]  }
0x2d: {  	s3 =	simm.s32 $0x108;
	s8 =	sld [smem:$0x3FAE]  }
0x2e: {  	s3 =	simm.s32 @!p0 $0x1082;
	s9 =	sld [smem:$0x3FAF]  }
0x2f: {  	lr =	sadd.s32 s0, s3;
	s0 =	sld [smem:$0x3FA6]  }
0x30: {  	s3 =	sld [smem:$0x3FA9]  }
0x31: {  	[smem:$0x3FB2] =	sst s10  }
0x32: {  	s10 =	sld [smem:$0x3FB0];
	_ =	sdelay $0x3  }
0x33: {  	p0 =	seq.s32 s10, $0x1;
	s10 =	sld [smem:$0x3FB2];
	_ =	sdelay $0x3  }
0x34: {  	[smem:$0x3FB2] =	sst s10  }
0x35: {  	s10 =	sld [smem:$0x3FB1];
	_ =	sdelay $0x3  }
0x36: {  	p1 =	seq.s32 s10, $0x1;
	s10 =	sld [smem:$0x3FB2];
	_ =	sdelay $0x3  }
0x37: {  	[smem:$0x3FB2] =	sst s10  }
0x38: {  	s10 =	sld [smem:$0x3FB3]  }
0x39: {  	_ = 	snop;
	(pc) =	sbr.ind lr, $3  }
0x3a: {  	_ = 	snop  }
0x3b: {  	_ = 	snop  }
0x3c: {  	p2 =	seq.s32 s10, $0x1;
	s10 =	sld [smem:$0x3FB2]  }
0x3d: {  	_ =	shalt  }
0x3e: {  	_ =	shalt  }
0x3f: {  	_ =	shalt  }
0x40: {  	_ =	shalt  }
0x41: {  	_ =	shalt  }
0x42: {  	_ =	shalt  }
0x43: {  	_ =	shalt  }
0x44: {  	_ =	shalt  }
0x45: {  	_ =	shalt  }
0x46: {  	_ =	shalt  }
0x47: {  	_ =	shalt  }
0x48: {  	_ =	shalt  }
0x49: {  	_ =	shalt  }
0x4a: {  	_ =	shalt  }
0x4b: {  	_ =	shalt  }
0x4c: {  	_ =	shalt  }
0x4d: {  	_ =	shalt  }
0x4e: {  	_ =	shalt  }
0x4f: {  	_ =	shalt  }
0x50: {  	_ =	shalt  }
0x51: {  	_ =	shalt  }
0x52: {  	_ =	shalt  }
0x53: {  	_ =	shalt  }
0x54: {  	_ =	shalt  }
0x55: {  	_ =	shalt  }
0x56: {  	_ =	shalt  }
0x57: {  	_ =	shalt  }
0x58: {  	_ =	shalt  }
0x59: {  	_ =	shalt  }
0x5a: {  	_ =	shalt  }
0x5b: {  	_ =	shalt  }
0x5c: {  	_ =	shalt  }
0x5d: {  	_ =	shalt  }
0x5e: {  	_ =	shalt  }
0x5f: {  	_ =	shalt  }
0x60: {  	_ =	shalt  }
0x61: {  	_ =	shalt  }
0x62: {  	_ =	shalt  }
0x63: {  	_ =	shalt  }
0x64: {  	_ =	shalt  }
0x65: {  	_ =	shalt  }
0x66: {  	_ =	shalt  }
0x67: {  	_ =	shalt  }
0x68: {  	_ =	shalt  }
0x69: {  	_ =	shalt  }
0x6a: {  	_ =	shalt  }
0x6b: {  	_ =	shalt  }
0x6c: {  	_ =	shalt  }
0x6d: {  	_ =	shalt  }
0x6e: {  	_ =	shalt  }
0x6f: {  	_ =	shalt  }
0x70: {  	_ =	shalt  }
0x71: {  	_ =	shalt  }
0x72: {  	_ =	shalt  }
0x73: {  	_ =	shalt  }
0x74: {  	_ =	shalt  }
0x75: {  	_ =	shalt  }
0x76: {  	_ =	shalt  }
0x77: {  	_ =	shalt  }
0x78: {  	_ =	shalt  }
0x79: {  	_ =	shalt  }
0x7a: {  	_ =	shalt  }
0x7b: {  	_ =	shalt  }
0x7c: {  	_ =	shalt  }
0x7d: {  	_ =	shalt  }
0x7e: {  	_ =	shalt  }
0x7f: {  	_ =	shalt  }
0x80: {  	_ =	shalt  }
0x81: {  	_ =	shalt  }
0x82: {  	_ =	shalt  }
0x83: {  	_ =	shalt  }
0x84: {  	_ =	shalt  }
0x85: {  	_ =	shalt  }
0x86: {  	_ =	shalt  }
0x87: {  	_ =	shalt  }
.Lfunc_end0:
.L_simem_size_0:
called_computation.2_lowered:
.L_overlay_start_0:
0x88: {  	s2 =	sld [smem:$0x3FD9]  }
0x89: {  	s3 =	sld [smem:$0x3FFE];
	_ =	sdelay $0x1  }
0x8a: {  	s1 =	srdreg.scid  }
0x8b: {  	s0 =	sand.u32 $0x1, s1  }
0x8c: {  	s17 =	sshll.u32 s0, $0xA;
	s2 =	sadd.s32 s3, s2  }
0x8d: {  	s2 =	sadd.s32 s2, s17  }
0x8e: {  	[smem:$0x3FBE] =	sst s2  }
0x8f: {  	_ = 	snop  }
0x90: {  	s2 =	sld [smem:$0x3FD0];
	(tm) =	ssettm $0x1  }
0x91: {  	s18 =	sld [smem:$0x3FFB];
	_ =	sdelay $0x3  }
0x92: {  	_ =	strace s18  }
0x93: {  	s3 =	sld [smem:$0x3FFC];
	_ =	sdelay $0x3  }
0x94: {  	_ =	strace s3  }
0x95: {  	s3 =	sld [smem:$0x3FFD];
	_ =	sdelay $0x3  }
0x96: {  	_ =	strace s3  }
0x97: {  	_ =	strace $0x8FFFFFFF  }
0x98: {  	s19 =	sld [smem:$0x3FDB];
	_ =	sdelay $0x1  }
0x99: {  	s4 =	simm.s32 $_scs_section_size  }
0x9a: {  	s5 =	simm.s32 $_size__tile_overlayer_lowered;
	s6 =	simm.s32 $_tile_overlayer_lowered  }
0x9b: {  	s22 =	simm.s32 $0x1BFF;
	s21 =	sshll.u32 s6, $0x1;
	s3 =	sadd.s32 s4, s19  }
0x9c: {  	s7 =	simm.s32 $0x0;
	s20 =	sshll.u32 s5, $0x1;
	s5 =	sadd.s32 s21, s3  }
0x9d: {  	[timem:s7], [sflag:s22] =	dma.local [hbm:s5], s20  }
0x9e: {  	_ =	swait.ge [sflag:s22], s20  }
0x9f: {  	s4 =	ssub.s32 $0x0, s20;
	[sflag:s22] =	ssyncset.done $0x0  }
0xa0: {  	[sflag:s22] =	ssyncadd.s32 s4;
	_ =	sdelay $0x1  }
0xa1: {  	s23 =	simm.s32 $0x1B8B  }
0xa2: {  	_ =	swait.ge [sflag:s23], $0x1  }
0xa3: {  	[sflag:s23] =	ssyncset.done $0x0  }
0xa4: {  	s25 =	simm.s32 $0x1B8E;
	s24 =	sld [smem:$0x3FFE];
	[sflag:s23] =	ssyncadd.s32 $0xFFFFFFFF  }
0xa5: {  	s26 =	simm.s32 $execute0_lowered;
	[smem:$0x3FD2] =	sst s25  }
0xa6: {  	s5 =	sshll.u32 s26, $0x1;
	_ =	strace $0x8000004C;
	[dreg:$0x1] =	wrdreg $0xFFFFFFFF  }
0xa7: {  	s28 =	simm.s32 $_size_execute0_lowered;
	s3 =	sadd.s32 s3, s5;
	[dreg:$0x0] =	wrdreg $0x0  }
0xa8: {  	s5 =	sshll.u32 s28, $0x1;
	[dreg:$0x2] =	wrdreg s3  }
0xa9: {  	[dreg:$0x3] =	wrdreg s5  }
0xaa: {  	[dreg:$0x4] =	wrdreg $0xC0  }
0xab: {  	_ =	task [dreg:s7], $0x5FFFF  }
0xac: {  	[dreg:$0x1] =	wrdreg $0xFFFFFFFF  }
0xad: {  	[dreg:$0x0] =	wrdreg $0x60  }
0xae: {  	[dreg:$0x2] =	wrdreg s2  }
0xaf: {  	[dreg:$0x3] =	wrdreg s24  }
0xb0: {  	[dreg:$0x4] =	wrdreg $0x3A000  }
0xb1: {  	[dreg:$0x5] =	wrdreg $0x89000  }
0xb2: {  	[dreg:$0x6] =	wrdreg $0x9  }
0xb3: {  	_ =	task.clear_ibuf [dreg:s7], $0x7FFFF;
	_ =	strace $0x9000004C  }
0xb4: {  	s29 =	simm.s32 $0x9;
	_ =	strace $0x8000004E  }
0xb5: {  	_ =	swait.ge [sflag:s29], $0x1  }
0xb6: {  	[sflag:s29] =	ssyncadd.s32 $0xFFFFFFFF  }
0xb7: {  	_ =	strace $0x9000004E  }
0xb8: {  	_ =	sfence  }
0xb9: {  	s30 =	sld [smem:$0x0];
	_ =	sdelay $0x2  }
0xba: {  	s31 =	sshll.u32 s1, $0xD;
	s1 =	sshrl.u32 s1, $0x2  }
0xbb: {  	s3 =	sand.u32 $0x4000, s31;
	s1 =	sadd.s32 s1, s30  }
0xbc: {  	s0 =	sor.u32 s3, s0;
	s1 =	sshll.u32 s1, $0x11  }
0xbd: {  	s0 =	sor.u32 s1, s0  }
0xbe: {  	s0 =	sadd.s32 $0x8F2B, s0  }
0xbf: {  	[sflag:s0] =	ssyncadd.remote.s32 $0x1  }
0xc0: {  	_ =	sfence.sel $0xFFFF  }
0xc1: {  	[dreg:$0x0] =	wrdreg $0xFFFFFFFF;
	(pc) =	sbr.abs _section_cstart, $3  }
0xc2: {  	[dreg:$0x1] =	wrdreg $0xFFFFFFFF  }
0xc3: {  	_ =	task.clear_ibuf [dreg:s7], $0x2FFFF;
	_ =	strace $0x9FFFFFFF  }
0xc4: {  	(tm) =	ssettm $0x7FFFFFFF  }
0xc5: {  	_ =	shalt  }
tec
execute0_lowered:
.L_overlay_start_1:
0x0: {  	(tag) =	ssettag $0x1  }
0x1: {  	s1 =	rddreg [dreg:$0x0]  }
0x2: {  	s0 =	rddreg [dreg:$0x1]  }
0x3: {  	s2 =	rddreg [dreg:$0x2]  }
0x4: {  	s4 =	rddreg [dreg:$0x3]  }
0x5: {  	s5 =	simm.s32 $0x0;
	s18 =	stileid.u32;
	s8 =	srdreg.scid  }
0x6: {  	s28 =	simm.s32 $0x200;
	s29 =	simm.s32 $0xA00;
	s30 =	simm.s32 $0x1A00  }
0x7: {  	s31 =	simm.s32 $0x180;
	[smem:$0x7FF] =	sst s5;
	s3 =	smul.u32 $0x4F00, s18  }
0x8: {  	s6 =	sadd.s32 $0x21C00, s0;
	s10 =	smul.u32 $0x2780, s18;
	s7 =	sadd.s32 $0x3400, s0  }
0x9: {  	s11 =	sand.u32 $0x1, s8;
	s12 =	smul.u32 $0x278, s18;
	s8 =	sadd.s32 $0x12800, s0  }
0xa: {  	s9 =	sadd.s32 $0x8400, s0;
	s19 =	sshll.u32 s18, $0x4;
	_ =	strace $0x8000004D  }
0xb: {  	s14 =	smul.u32 $0x2780, s11;
	s25 =	ssub.s32 $0x2, s11;
	s13 =	sshrl.u32 s3, $0x3  }
0xc: {  	s15 =	sshrl.u32 s10, $0x3;
	s17 =	sshrl.u32 s25, $0x1;
	s3 =	sadd.s32 s3, s2  }
0xd: {  	s10 =	sadd.s32 s10, s4;
	s13 =	sadd.s32 s13, s0;
	s15 =	sadd.s32 s15, s0  }
0xe: {  	s12 =	sadd.s32 s12, s14;
	[dreg:$0x5] =	wrdreg s3;
	s14 =	sshll.u32 s11, $0x8  }
0xf: {  	[dreg:$0x8] =	wrdreg s10;
	s11 =	simm.s32 $0x3;
	s16 =	sshll.u32 s12, $0x2  }
0x10: {  	s12 =	sshll.u32 s12, $0x1;
	s26 =	sadd.s32 $0x26C00, s13;
	s13 =	sshll.u32 s18, $0x6  }
0x11: {  	s20 =	sadd.s32 $0x1CC00, s15;
	s3 =	sor.u32 s19, s14;
	s14 =	simm.s32 $0x4  }
0x12: {  	s15 =	simm.s32 $0x0;
	s16 =	sadd.s32 s16, s0;
	[dreg:$0x6] =	wrdreg s26  }
0x13: {  	s0 =	sadd.s32 s12, s0;
	[dreg:$0x9] =	wrdreg s20;
	s21 =	sadd.s32 s8, s3  }
0x14: {  	s12 =	ssub.s32 s25, s17;
	s22 =	sadd.s32 s9, s3;
	[dreg:$0xa] =	wrdreg s21  }
0x15: {  	s17 =	sor.u32 $0x1C06, s13;
	s23 =	sor.u32 $0x200, s3;
	[dreg:$0xb] =	wrdreg s22  }
0x16: {  	s19 =	sor.u32 $0x400, s3;
	s24 =	sadd.s32 s8, s23;
	[dreg:$0x7] =	wrdreg s17  }
0x17: {  	s20 =	sor.u32 $0x600, s3;
	s10 =	sadd.s32 s9, s23;
	[dreg:$0xc] =	wrdreg s24  }
.Ltmp0:
0x18: {  	s25 =	sadd.s32 $0x3A800, s16;
	[dreg:$0xd] =	wrdreg s10;
	(pc) =	sbr.rel .LBB2_1-.Ltmp0, $4  }
0x19: {  	s3 =	simm.s32 $0x2;
	s0 =	sadd.s32 $0x30A00, s0;
	[dreg:$0xe] =	wrdreg s25  }
0x1a: {  	s13 =	simm.s32 $0x1200;
	s26 =	smax.u32 s12, $0x1;
	[dreg:$0xf] =	wrdreg s0  }
0x1b: {  	[dreg:$0x10] =	wrdreg s26;
	s24 =	simm.s32 $0x6;
	s25 =	simm.s32 $0x100  }
0x1c: {  	s26 =	simm.s32 $0x80;
	s0 =	simm.s32 $0x5;
	s10 =	simm.s32 $0x2A00  }
.LBB2_12:
0x1d: {  	[bflag:$0x0] =	sbarrier.arrive $0xFFFF  }
0x1e: {  	s17 =	rddreg [dreg:$0x7]  }
0x1f: {  	s12 =	rddreg [dreg:$0xe]  }
0x20: {  	s15 =	rddreg [dreg:$0x12]  }
0x21: {  	[hbm:s12], [sflag:s17] =	dma.local [spmem:s15], $0x9E0  }
0x22: {  	_ =	swait.ge [sflag:s24], $0x9E0  }
0x23: {  	[sflag:s24] =	ssyncset.done $0x0;
	s18 =	rddreg [dreg:$0xf]  }
0x24: {  	s21 =	rddreg [dreg:$0x13];
	[sflag:s24] =	ssyncadd.s32 $0xFFFFF620  }
0x25: {  	[hbm:s18], [sflag:s17] =	dma.local [spmem:s21], $0x4F0  }
0x26: {  	_ =	swait.ge [sflag:s24], $0x4F0  }
0x27: {  	s22 =	rddreg [dreg:$0x11]  }
0x28: {  	s23 =	rddreg [dreg:$0x10];
	s15 =	sadd.s32 $0x1, s22  }
0x29: {  	p0 =	sne.s32 s15, s23  }
.Ltmp1:
0x2a: {  	_ = 	snop;
	(pc) =	sbr.rel @!p0 .LBB2_13-.Ltmp1, $3  }
0x2b: {  	_ =	sdelay $0x1  }
0x2c: {  	[sflag:s24] =	ssyncset.done $0x0  }
0x2d: {  	[sflag:s24] =	ssyncadd.s32 $0xFFFFFB10  }
.LBB2_1:
0x2e: {  	[dreg:$0x11] =	wrdreg s15  }
0x2f: {  	s12 =	rddreg [dreg:$0x5]  }
0x30: {  	s22 =	rddreg [dreg:$0x6];
	s21 =	sshrl.u32 s12, $0x3  }
0x31: {  	[dreg:$0x12] =	wrdreg s21  }
0x32: {  	[spmem:s21], [sflag:s17] =	dma.local [hbm:s22], $0x9E0  }
0x33: {  	_ =	swait.ge [sflag:s24], $0x9E0  }
0x34: {  	s23 =	rddreg [dreg:$0x8]  }
0x35: {  	[sflag:s24] =	ssyncset.done $0x0;
	s16 =	rddreg [dreg:$0x9];
	s12 =	sshrl.u32 s23, $0x3  }
0x36: {  	[sflag:s24] =	ssyncadd.s32 $0xFFFFF620;
	[dreg:$0x13] =	wrdreg s12  }
0x37: {  	[spmem:s12], [sflag:s17] =	dma.local [hbm:s16], $0x4F0  }
0x38: {  	_ =	swait.ge [sflag:s24], $0x4F0  }
0x39: {  	[sflag:s24] =	ssyncset.done $0x0  }
0x3a: {  	[sflag:s24] =	ssyncadd.s32 $0xFFFFFB10  }
0x3b: {  	[bflag:$0x0] =	sbarrier.arrive $0xFFFF  }
0x3c: {  	s18 =	rddreg [dreg:$0xa]  }
0x3d: {  	[tilespmem:s5], [sflag:$0x6] =	stream.linear.gather [hbm4b:s18+s5], $0x80, $0x38;
	[tilespmem:$0xB080] =	vst v63  }
0x3e: {  	_ =	swait.ge [sflag:s24], $0x80  }
0x3f: {  	[sflag:s24] =	ssyncset.done $0x0  }
0x40: {  	s21 =	rddreg [dreg:$0xb];
	[sflag:s24] =	ssyncadd.s32 $0xFFFFFF80  }
0x41: {  	[tilespmem:s25], [sflag:$0x6] =	stream.linear.gather [hbm4b:s21+s5], $0x80, $0x38;
	[tilespmem:$0xB080] =	vst v63  }
0x42: {  	_ =	swait.ge [sflag:s24], $0x80  }
0x43: {  	[sflag:s24] =	ssyncset.done $0x0  }
0x44: {  	[sflag:s24] =	ssyncadd.s32 $0xFFFFFF80  }
0x45: {  	[tilespmem:s28], [sflag:$0x5] =	stream.indirect.gather [hbm4b:s6+s26], $0x10, s5, s26, $0xb8;
	[tilespmem:$0xB080] =	vst v63  }
0x46: {  	_ = 	snop  }
0x47: {  	[tilespmem:s29], [sflag:$0x5] =	stream.indirect.gather [hbm4b:s7+s26], $0x10, s25, s26, $0xb8;
	[tilespmem:$0xB080] =	vst v63  }
0x48: {  	_ = 	snop  }
0x49: {  	[tilespmem:s30], [sflag:$0x3] =	stream.indirect.gather [hbm4b:s1+s26], $0x20, s5, s26, $0xb8;
	[tilespmem:$0xB080] =	vst v63  }
0x4a: {  	s22 =	rddreg [dreg:$0xc]  }
0x4b: {  	[tilespmem:s26], [sflag:$0x2] =	stream.linear.gather [hbm4b:s22+s5], $0x80, $0x38;
	[tilespmem:$0xB080] =	vst v63  }
0x4c: {  	s18 =	simm.s32 $0x0;
	s23 =	rddreg [dreg:$0xd]  }
0x4d: {  	[tilespmem:s31], [sflag:$0x2] =	stream.linear.gather [hbm4b:s23+s5], $0x80, $0x38;
	[tilespmem:$0xB080] =	vst v63  }
.LBB2_2:
0x4e: {  	_ =	swait.ge [sflag:s0], $0x800  }
0x4f: {  	[sflag:s0] =	ssyncset.done $0x0  }
0x50: {  	[sflag:s0] =	ssyncadd.s32 $0xFFFFF800  }
0x51: {  	_ =	swait.ge [sflag:s0], $0x800  }
0x52: {  	[sflag:s0] =	ssyncset.done $0x0  }
0x53: {  	s21 =	simm.s32 $0x0;
	[sflag:s0] =	ssyncadd.s32 $0xFFFFF800  }
0x54: {  	v0 =	vld [tilespmem:s21+$0x200]  }
0x55: {  	v1 =	vld [tilespmem:s21+$0xA00];
	_ =	sdelay $0x4  }
0x56: {  	v0 =	vadd.f32 v1, v0;
	_ =	sdelay $0x1  }
0x57: {  	s22 =	simm.s32 $0x10;
	v1 =	vmul.f32 $2.000000030e-01, v0  }
0x58: {  	v2 =	vld [tilespmem:s22+$0x200];
	vm0 =	vgt.f32 v0, $0.0e+00  }
0x59: {  	v3 =	vld [tilespmem:s22+$0xA00];
	v0 =	vsel vm0, v0, v1  }
0x5a: {  	s23 =	simm.s32 $0x20;
	v0 =	vmul.f32 $1.442695020e+00, v0  }
0x5b: {  	v1 =	vld [tilespmem:s23+$0x200]  }
0x5c: {  	(erf) = vpow2.f32 v0;
	v0 =	vld [tilespmem:s23+$0xA00];
	_ =	sdelay $0x1  }
0x5d: {  	v2 =	vadd.f32 v3, v2;
	_ =	sdelay $0x1  }
0x5e: {  	v3 =	vmul.f32 $2.000000030e-01, v2  }
0x5f: {  	vm14 =	vgt.f32 v2, $0.0e+00;
	v4 =	vadd.f32 v0, v1  }
0x60: {  	v0 =	vsel vm14, v2, v3  }
0x61: {  	s16 =	simm.s32 $0x30;
	v1 =	vmul.f32 $1.442695020e+00, v0;
	v2 =	vmul.f32 $2.000000030e-01, v4  }
0x62: {  	v0 =	vld [tilespmem:s16+$0x200]  }
0x63: {  	(erf) = vpow2.f32 v1;
	v1 =	vld [tilespmem:s16+$0xA00]  }
0x64: {  	vm15 =	vgt.f32 v4, $0.0e+00  }
0x65: {  	s17 =	simm.s32 $0x100;
	v3 =	vsel vm15, v4, v2;
	v2 =	vpop (erf)  }
.LBB2_3:
0x66: {  	s12 =	sshra.s32 s17, $0x2  }
0x67: {  	v3 =	vmul.f32 $1.442695020e+00, v3;
	[tilespmem:s21+$0x1200] =	vst v2;
	s21 =	smov.u32 s22;
	s22 =	smov.u32 s23;
	p0 =	sne.s32 s17, $0x1FC0  }
.Ltmp2:
0x68: {  	s17 =	sadd.s32 $0x40, s17;
	v2 =	vadd.f32 v1, v0;
	v0 =	vld [tilespmem:s12+$0x200];
	(pc) =	sbr.rel @p0 .LBB2_3-.Ltmp2, $4  }
0x69: {  	s23 =	smov.u32 s16;
	s16 =	smov.u32 s12;
	v1 =	vld [tilespmem:s12+$0xA00];
	(erf) = vpow2.f32 v3  }
0x6a: {  	v3 =	vmul.f32 $2.000000030e-01, v2  }
0x6b: {  	vm0 =	vgt.f32 v2, $0.0e+00  }
0x6c: {  	v3 =	vsel vm0, v2, v3;
	v2 =	vpop (erf)  }
0x6d: {  	_ = 	snop  }
0x6e: {  	v0 =	vadd.f32 v1, v0;
	_ =	sdelay $0x1  }
0x6f: {  	v1 =	vmul.f32 $2.000000030e-01, v0  }
0x70: {  	vm0 =	vgt.f32 v0, $0.0e+00  }
0x71: {  	v0 =	vsel vm0, v0, v1;
	v1 =	vmul.f32 $1.442695020e+00, v3  }
0x72: {  	v0 =	vmul.f32 $1.442695020e+00, v0  }
0x73: {  	(erf) = vpow2.f32 v1  }
0x74: {  	(erf) = vpow2.f32 v0;
	_ =	sdelay $0x6  }
0x75: {  	[tilespmem:s21+$0x1200] =	vst v2;
	v0 =	vpop (erf)  }
0x76: {  	[tilespmem:s22+$0x1200] =	vst v0;
	v0 =	vpop (erf)  }
0x77: {  	[tilespmem:s23+$0x1200] =	vst v0;
	v0 =	vpop (erf)  }
0x78: {  	[tilespmem:s16+$0x1200] =	vst v0  }
0x79: {  	_ =	swait.ge [sflag:s3], $0x80  }
0x7a: {  	[sflag:s3] =	ssyncset.done $0x0  }
0x7b: {  	[sflag:s3] =	ssyncadd.s32 $0xFFFFFF80  }
0x7c: {  	_ =	swait.ge [sflag:s3], $0x80  }
0x7d: {  	[sflag:s3] =	ssyncset.done $0x0  }
0x7e: {  	[sflag:s3] =	ssyncadd.s32 $0xFFFFFF80  }
0x7f: {  	[tilespmem:s28], [sflag:$0x5] =	stream.indirect.gather [hbm4b:s6+s26], $0x10, s26, s26, $0xb8;
	[tilespmem:$0xB080] =	vst v63  }
0x80: {  	_ = 	snop  }
0x81: {  	[tilespmem:s29], [sflag:$0x5] =	stream.indirect.gather [hbm4b:s7+s26], $0x10, s31, s26, $0xb8;
	[tilespmem:$0xB080] =	vst v63  }
0x82: {  	_ = 	snop  }
0x83: {  	[tilespmem:s10], [sflag:$0x4] =	stream.indirect.gather [hbm4b:s1+s26], $0x20, s26, s26, $0xb8;
	[tilespmem:$0xB080] =	vst v63  }
0x84: {  	_ =	swait.ge [sflag:s11], $0x1000  }
0x85: {  	[sflag:s11] =	ssyncset.done $0x0  }
0x86: {  	s16 =	simm.s32 $0x1A10;
	[sflag:s11] =	ssyncadd.s32 $0xFFFFF000  }
0x87: {  	s21 =	simm.s32 $0x0;
	s17 =	simm.s32 $0x40;
	s12 =	simm.s32 $0x1A10;
	v0 =	vld [tilespmem:s16+$0xFFFFFFF0]  }
.LBB2_5:
0x88: {  	p0 =	sne.s32 s17, $0x1FC0;
	v1 =	vld.msk [tilespmem:s21+$0x1200 ss:$0x0], $0xffff  }
0x89: {  	v2 =	vld [tilespmem:s16+$0x0];
	_ =	sdelay $0x3  }
.Ltmp3:
0x8a: {  	(pc) =	sbr.rel @p0 .LBB2_5-.Ltmp3, $3  }
0x8b: {  	v0 =	vmul.f32 v1, v0;
	v1 =	vmul.f32 v2, v1;
	_ =	sdelay $0x1  }
0x8c: {  	s16 =	sadd.s32 $0x20, s16;
	[tilespmem:s12+$0xFFFFFFF0] =	vst v0  }
0x8d: {  	s21 =	sshra.s32 s17, $0x2;
	s17 =	sadd.s32 $0x40, s17;
	v0 =	vld [tilespmem:s16+$0xFFFFFFF0];
	[tilespmem:s12+$0x0] =	vst v1;
	s12 =	smov.u32 s16  }
0x8e: {  	v1 =	vld.msk [tilespmem:s21+$0x1200 ss:$0x0], $0xffff  }
0x8f: {  	v2 =	vld [tilespmem:s16+$0x0];
	_ =	sdelay $0x3  }
0x90: {  	v0 =	vmul.f32 v1, v0  }
0x91: {  	v1 =	vmul.f32 v2, v1  }
0x92: {  	[tilespmem:s12+$0xFFFFFFF0] =	vst v0  }
0x93: {  	[tilespmem:s12+$0x0] =	vst v1  }
0x94: {  	[spmem:s4] =	stream.indirect.scatter.add.f32 [tilespmem:s13], [sflag:$0x6], $0x10, s25, s26, $0xb8;
	[tilespmem:$0xB080] =	vst v63  }
0x95: {  	_ =	swait.ge [sflag:s24], $0x800  }
0x96: {  	[sflag:s24] =	ssyncset.done $0x0  }
0x97: {  	[sflag:s24] =	ssyncadd.s32 $0xFFFFF800  }
0x98: {  	[spmem:s2] =	stream.indirect.scatter.add.f32 [tilespmem:s30], [sflag:$0x6], $0x20, s25, s26, $0xb8;
	[tilespmem:$0xB080] =	vst v63  }
0x99: {  	s21 =	sshll.u32 s18, $0xA;
	p0 =	seq.s32 s18, $0x28;
	_ =	swait.ge [sflag:s24], $0x1000  }
0x9a: {  	s12 =	sadd.s32 @!p0 s19, s21;
	[sflag:s24] =	ssyncset.done $0x0  }
0x9b: {  	s17 =	simm.s32 @!p0 $0x0;
	s16 =	sadd.s32 @!p0 s8, s12;
	[sflag:s24] =	ssyncadd.s32 $0xFFFFF000  }
0x9c: {  	[tilespmem:s17], [sflag:$0x1] =	stream.linear.gather @!p0 [hbm4b:s16+s17], $0x80, $0x38;
	[tilespmem:$0xB080] =	vst v63  }
0x9d: {  	s12 =	sadd.s32 @!p0 s9, s12;
	s16 =	simm.s32 @!p0 $0x100  }
0x9e: {  	[tilespmem:s16], [sflag:$0x1] =	stream.linear.gather @!p0 [hbm4b:s12+s17], $0x80, $0x38;
	[tilespmem:$0xB080] =	vst v63  }
0x9f: {  	_ =	swait.ge [sflag:s0], $0x800  }
0xa0: {  	[sflag:s0] =	ssyncset.done $0x0  }
0xa1: {  	[sflag:s0] =	ssyncadd.s32 $0xFFFFF800  }
0xa2: {  	_ =	swait.ge [sflag:s0], $0x800  }
0xa3: {  	[sflag:s0] =	ssyncset.done $0x0  }
0xa4: {  	s22 =	simm.s32 $0x0;
	[sflag:s0] =	ssyncadd.s32 $0xFFFFF800  }
0xa5: {  	v0 =	vld [tilespmem:s22+$0x200]  }
0xa6: {  	v1 =	vld [tilespmem:s22+$0xA00];
	_ =	sdelay $0x4  }
0xa7: {  	v0 =	vadd.f32 v1, v0;
	_ =	sdelay $0x1  }
0xa8: {  	s23 =	simm.s32 $0x10;
	v1 =	vmul.f32 $2.000000030e-01, v0  }
0xa9: {  	v2 =	vld [tilespmem:s23+$0x200];
	vm0 =	vgt.f32 v0, $0.0e+00  }
0xaa: {  	v3 =	vld [tilespmem:s23+$0xA00];
	v0 =	vsel vm0, v0, v1  }
0xab: {  	s16 =	simm.s32 $0x20;
	v0 =	vmul.f32 $1.442695020e+00, v0  }
0xac: {  	v1 =	vld [tilespmem:s16+$0x200]  }
0xad: {  	(erf) = vpow2.f32 v0;
	v0 =	vld [tilespmem:s16+$0xA00];
	_ =	sdelay $0x1  }
0xae: {  	v2 =	vadd.f32 v3, v2;
	_ =	sdelay $0x1  }
0xaf: {  	v3 =	vmul.f32 $2.000000030e-01, v2  }
0xb0: {  	vm14 =	vgt.f32 v2, $0.0e+00;
	v4 =	vadd.f32 v0, v1  }
0xb1: {  	v0 =	vsel vm14, v2, v3  }
0xb2: {  	s17 =	simm.s32 $0x30;
	v1 =	vmul.f32 $1.442695020e+00, v0;
	v2 =	vmul.f32 $2.000000030e-01, v4  }
0xb3: {  	v0 =	vld [tilespmem:s17+$0x200]  }
0xb4: {  	(erf) = vpow2.f32 v1;
	v1 =	vld [tilespmem:s17+$0xA00]  }
0xb5: {  	vm15 =	vgt.f32 v4, $0.0e+00  }
0xb6: {  	s12 =	simm.s32 $0x100;
	v3 =	vsel vm15, v4, v2;
	v2 =	vpop (erf)  }
.LBB2_7:
0xb7: {  	s15 =	sshra.s32 s12, $0x2  }
0xb8: {  	v3 =	vmul.f32 $1.442695020e+00, v3;
	[tilespmem:s22+$0x1200] =	vst v2;
	s22 =	smov.u32 s23;
	s23 =	smov.u32 s16;
	p1 =	sne.s32 s12, $0x1FC0  }
.Ltmp4:
0xb9: {  	s12 =	sadd.s32 $0x40, s12;
	v2 =	vadd.f32 v1, v0;
	v0 =	vld [tilespmem:s15+$0x200];
	(pc) =	sbr.rel @p1 .LBB2_7-.Ltmp4, $4  }
0xba: {  	s16 =	smov.u32 s17;
	s17 =	smov.u32 s15;
	v1 =	vld [tilespmem:s15+$0xA00];
	(erf) = vpow2.f32 v3  }
0xbb: {  	v3 =	vmul.f32 $2.000000030e-01, v2  }
0xbc: {  	vm0 =	vgt.f32 v2, $0.0e+00  }
0xbd: {  	v3 =	vsel vm0, v2, v3;
	v2 =	vpop (erf)  }
0xbe: {  	_ = 	snop  }
0xbf: {  	v0 =	vadd.f32 v1, v0;
	_ =	sdelay $0x1  }
0xc0: {  	v1 =	vmul.f32 $2.000000030e-01, v0  }
0xc1: {  	vm0 =	vgt.f32 v0, $0.0e+00  }
0xc2: {  	v0 =	vsel vm0, v0, v1;
	v1 =	vmul.f32 $1.442695020e+00, v3  }
0xc3: {  	v0 =	vmul.f32 $1.442695020e+00, v0  }
0xc4: {  	(erf) = vpow2.f32 v1  }
0xc5: {  	(erf) = vpow2.f32 v0;
	_ =	sdelay $0x6  }
0xc6: {  	[tilespmem:s22+$0x1200] =	vst v2;
	v0 =	vpop (erf)  }
0xc7: {  	[tilespmem:s23+$0x1200] =	vst v0;
	v0 =	vpop (erf)  }
0xc8: {  	[tilespmem:s16+$0x1200] =	vst v0;
	v0 =	vpop (erf)  }
0xc9: {  	s12 =	simm.s32 @!p0 $0x1;
	[tilespmem:s17+$0x1200] =	vst v0  }
0xca: {  	_ =	swait.ge @!p0 [sflag:s12], $0x80  }
0xcb: {  	[sflag:s12] =	ssyncset.done @!p0 $0x0  }
0xcc: {  	[sflag:s12] =	ssyncadd.s32 @!p0 $0xFFFFFF80  }
0xcd: {  	_ =	swait.ge @!p0 [sflag:s12], $0x80  }
0xce: {  	s15 =	simm.s32 @!p0 $0x0;
	[sflag:s12] =	ssyncset.done @!p0 $0x0  }
0xcf: {  	s16 =	simm.s32 @!p0 $0x200;
	[sflag:s12] =	ssyncadd.s32 @!p0 $0xFFFFFF80;
	s12 =	simm.s32 @!p0 $0x80  }
0xd0: {  	[tilespmem:s16], [sflag:$0x5] =	stream.indirect.gather @!p0 [hbm4b:s6+s12], $0x10, s15, s12, $0xb8;
	[tilespmem:$0xB080] =	vst v63  }
0xd1: {  	s17 =	simm.s32 @!p0 $0xA00;
	s16 =	simm.s32 @!p0 $0x100  }
0xd2: {  	[tilespmem:s17], [sflag:$0x5] =	stream.indirect.gather @!p0 [hbm4b:s7+s12], $0x10, s16, s12, $0xb8;
	[tilespmem:$0xB080] =	vst v63  }
0xd3: {  	s16 =	simm.s32 @!p0 $0x1A00  }
0xd4: {  	[tilespmem:s16], [sflag:$0x3] =	stream.indirect.gather @!p0 [hbm4b:s1+s12], $0x20, s15, s12, $0xb8;
	[tilespmem:$0xB080] =	vst v63  }
0xd5: {  	_ =	swait.ge [sflag:s14], $0x1000  }
0xd6: {  	[sflag:s14] =	ssyncset.done $0x0  }
0xd7: {  	s16 =	simm.s32 $0x2A10;
	[sflag:s14] =	ssyncadd.s32 $0xFFFFF000  }
0xd8: {  	s22 =	simm.s32 $0x0;
	s17 =	simm.s32 $0x40;
	s12 =	simm.s32 $0x2A10;
	v0 =	vld [tilespmem:s16+$0xFFFFFFF0]  }
.LBB2_9:
0xd9: {  	p1 =	sne.s32 s17, $0x1FC0;
	v1 =	vld.msk [tilespmem:s22+$0x1200 ss:$0x0], $0xffff  }
0xda: {  	v2 =	vld [tilespmem:s16+$0x0];
	_ =	sdelay $0x3  }
.Ltmp5:
0xdb: {  	(pc) =	sbr.rel @p1 .LBB2_9-.Ltmp5, $3  }
0xdc: {  	v0 =	vmul.f32 v1, v0;
	v1 =	vmul.f32 v2, v1;
	_ =	sdelay $0x1  }
0xdd: {  	s16 =	sadd.s32 $0x20, s16;
	[tilespmem:s12+$0xFFFFFFF0] =	vst v0  }
0xde: {  	s22 =	sshra.s32 s17, $0x2;
	s17 =	sadd.s32 $0x40, s17;
	v0 =	vld [tilespmem:s16+$0xFFFFFFF0];
	[tilespmem:s12+$0x0] =	vst v1;
	s12 =	smov.u32 s16  }
0xdf: {  	v1 =	vld.msk [tilespmem:s22+$0x1200 ss:$0x0], $0xffff  }
0xe0: {  	v2 =	vld [tilespmem:s16+$0x0];
	_ =	sdelay $0x3  }
0xe1: {  	v0 =	vmul.f32 v1, v0  }
0xe2: {  	v1 =	vmul.f32 v2, v1  }
0xe3: {  	[tilespmem:s12+$0xFFFFFFF0] =	vst v0  }
0xe4: {  	[tilespmem:s12+$0x0] =	vst v1  }
0xe5: {  	[spmem:s4] =	stream.indirect.scatter.add.f32 [tilespmem:s13], [sflag:$0x6], $0x10, s31, s26, $0xb8;
	[tilespmem:$0xB080] =	vst v63  }
0xe6: {  	_ =	swait.ge [sflag:s24], $0x800  }
0xe7: {  	[sflag:s24] =	ssyncset.done $0x0  }
.Ltmp6:
0xe8: {  	[sflag:s24] =	ssyncadd.s32 $0xFFFFF800;
	(pc) =	sbr.rel @p0 .LBB2_12-.Ltmp6, $4  }
0xe9: {  	[spmem:s2] =	stream.indirect.scatter.add.f32 [tilespmem:s10], [sflag:$0x6], $0x20, s31, s26, $0xb8;
	[tilespmem:$0xB080] =	vst v63  }
0xea: {  	_ =	swait.ge [sflag:s24], $0x1000  }
0xeb: {  	[sflag:s24] =	ssyncset.done $0x0  }
0xec: {  	[sflag:s24] =	ssyncadd.s32 $0xFFFFF000  }
.Ltmp7:
0xed: {  	s12 =	sadd.s32 s20, s21;
	(pc) =	sbr.rel .LBB2_2-.Ltmp7, $4  }
0xee: {  	s15 =	sadd.s32 s8, s12  }
0xef: {  	[tilespmem:s26], [sflag:$0x2] =	stream.linear.gather [hbm4b:s15+s5], $0x80, $0x38;
	[tilespmem:$0xB080] =	vst v63  }
0xf0: {  	s18 =	sadd.s32 $0x1, s18;
	s12 =	sadd.s32 s9, s12  }
0xf1: {  	[tilespmem:s31], [sflag:$0x2] =	stream.linear.gather [hbm4b:s12+s5], $0x80, $0x38;
	[tilespmem:$0xB080] =	vst v63  }
.LBB2_13:
0xf2: {  	_ =	sfence.sel $0x180000  }
0xf3: {  	[bflag:$0x0] =	sbarrier.arrive $0xFFFF  }
0xf4: {  	_ =	strace $0x9000004D  }
0xf5: {  	s0 =	stileid.u32;
	[bflag:$0x2] =	sbarrier.arrive $0xFFFF  }
0xf6: {  	p0 =	sne.s32 s0, $0x0;
	s0 =	rddreg [dreg:$0x4]  }
0xf7: {  	s0 =	sadd.s32 @!p0 $0x100000, s0  }
0xf8: {  	[sflag:s0] =	ssyncadd.tile.s32 @!p0 $0x1;
	_ =	shalt  }
.Lfunc_end2:
_tile_overlayer_lowered:
.L_overlay_start_2:
0xf9: {  	(tag) =	ssettag $0x2  }
0xfa: {  	s0 =	rddreg [dreg:$0x0];
	s2 =	stileid.u32  }
0xfb: {  	s1 =	rddreg [dreg:$0x1];
	p0 =	sne.s32 s2, $0x0  }
0xfc: {  	s3 =	rddreg [dreg:$0x2];
	[bflag:$0x3] =	sbarrier.arrive $0xFFFF;
	s2 =	simm.s32 @!p0 $0x1C06  }
0xfd: {  	[timem:s3], [sflag:s2] =	dma.local @!p0 [hbm:s0], s1  }
0xfe: {  	s0 =	simm.s32 @!p0 $0x6  }
0xff: {  	_ =	swait.ge @!p0 [sflag:s0], s1  }
0x100: {  	s1 =	ssub.s32 @!p0 $0x0, s1;
	[sflag:s0] =	ssyncset.done @!p0 $0x0  }
0x101: {  	[sflag:s0] =	ssyncadd.s32 @!p0 s1  }
0x102: {  	[bflag:$0x3] =	sbarrier.arrive $0xFFFF  }
0x103: {  	_ =	shalt  }

// kernel: kernel.8.cloned.1.call-start
scs
__scs_entry_jumppad:
0x0: {  	(pc) =	sbr.rel $0x88, $3  }
0x1: {  	(tag) =	ssettag $0x0;
	lr =	simm.s32 $0x1  }
0x2: {  	[smem:$0x3F97] =	sst lr;
	_ =	strace $0xD0000000  }
0x3: {  	_ = 	snop  }
0x4: {  	_ = 	snop  }
0x5: {  	_ = 	snop  }
0x6: {  	_ = 	snop  }
0x7: {  	_ = 	snop  }
__scs_overlays_trampoline_lowered:
0x8: {  	[smem:$0x3FA6] =	sst s0  }
0x9: {  	[smem:$0x3FA7] =	sst s1  }
0xa: {  	[smem:$0x3FA8] =	sst s2  }
0xb: {  	[smem:$0x3FA9] =	sst s3  }
0xc: {  	[smem:$0x3FAA] =	sst s4  }
0xd: {  	[smem:$0x3FAB] =	sst s5  }
0xe: {  	[smem:$0x3FAC] =	sst s6  }
0xf: {  	[smem:$0x3FAD] =	sst s7  }
0x10: {  	[smem:$0x3FAE] =	sst s8  }
0x11: {  	[smem:$0x3FAF] =	sst s9;
	s0 =	simm.s32 @!p0 $0x0  }
0x12: {  	s1 =	sld [smem:$0x3F95];
	s0 =	simm.s32 @p0 $0x1  }
0x13: {  	[smem:$0x3FB0] =	sst s0;
	s0 =	simm.s32 @!p1 $0x0  }
0x14: {  	s2 =	sld [smem:$0x3F94];
	s0 =	simm.s32 @p1 $0x1  }
0x15: {  	[smem:$0x3FB1] =	sst s0;
	s0 =	simm.s32 @!p2 $0x0  }
0x16: {  	s3 =	sld [smem:$0x3FDB];
	s0 =	simm.s32 @p2 $0x1  }
0x17: {  	s4 =	simm.s32 $0x1BF5;
	[smem:$0x3FB3] =	sst s0  }
0x18: {  	s0 =	sld [smem:$0x3F96];
	_ =	swait.ge [sflag:s4], $0x0  }
0x19: {  	s7 =	sld [smem:$0x3F97]  }
0x1a: {  	s8 =	sadd.s32 $0xFFFFE003, lr  }
0x1b: {  	s9 =	sadd.s32 $0xFFFFFEF7, lr;
	s5 =	simm.s32 $0xFFFFFFFF;
	p2 =	slt.u32 s8, $0xFFFFF086  }
0x1c: {  	p1 =	slt.u32 s9, $0xF7A;
	s5 =	simm.s32 @!p2 $0x0  }
0x1d: {  	s5 =	simm.s32 @p1 $0x1;
	p0 =	seq.s32 s7, s2  }
0x1e: {  	s7 =	smul.u32 @!p0 $0xF7A, s2;
	p2 =	seq.s32 @!p0 s5, $0x0  }
0x1f: {  	s9 =	smul.u32 $0xF7A, s1;
	s8 =	simm.s32 @!p0 $0x1BF5;
	p2 =	por !p2, p0  }
0x20: {  	[sflag:s8] =	ssyncset.s32 @!p0 $0xFFFFF086;
	s6 =	sadd.s32 @!p0 s3, s7;
	s7 =	simm.s32 @!p0 $0x108  }
0x21: {  	s3 =	sadd.s32 s3, s9;
	s6 =	sadd.s32 @!p0 $0x88, s6;
	s7 =	simm.s32 @p2 $0x1082  }
0x22: {  	[simem:s7], [sflag:s8] =	dma.local @!p0 [hbm:s6], $0xF7A  }
0x23: {  	s9 =	sor.u32 $0xD0000000, s2;
	s6 =	simm.s32 $0x108;
	_ =	swait.ge @!p0 [sflag:s8], $0x0  }
0x24: {  	s3 =	sadd.s32 $0x88, s3;
	s6 =	simm.s32 @!p1 $0x1082;
	[sflag:s4] =	ssyncset.s32 $0xFFFFF086  }
0x25: {  	[simem:s6], [sflag:s4] =	dma.local [hbm:s3], $0xF7A  }
0x26: {  	[smem:$0x3F97] =	sst s1;
	(tag) =	ssettag s2;
	_ =	strace s9  }
0x27: {  	s1 =	sld [smem:$0x3FA7]  }
0x28: {  	s2 =	sld [smem:$0x3FA8]  }
0x29: {  	s4 =	sld [smem:$0x3FAA]  }
0x2a: {  	p0 =	seq.s32 s5, $0x0;
	s5 =	sld [smem:$0x3FAB]  }
0x2b: {  	s6 =	sld [smem:$0x3FAC]  }
0x2c: {  	s7 =	sld [smem:$0x3FAD]  }
0x2d: {  	s3 =	simm.s32 $0x108;
	s8 =	sld [smem:$0x3FAE]  }
0x2e: {  	s3 =	simm.s32 @!p0 $0x1082;
	s9 =	sld [smem:$0x3FAF]  }
0x2f: {  	lr =	sadd.s32 s0, s3;
	s0 =	sld [smem:$0x3FA6]  }
0x30: {  	s3 =	sld [smem:$0x3FA9]  }
0x31: {  	[smem:$0x3FB2] =	sst s10  }
0x32: {  	s10 =	sld [smem:$0x3FB0];
	_ =	sdelay $0x3  }
0x33: {  	p0 =	seq.s32 s10, $0x1;
	s10 =	sld [smem:$0x3FB2];
	_ =	sdelay $0x3  }
0x34: {  	[smem:$0x3FB2] =	sst s10  }
0x35: {  	s10 =	sld [smem:$0x3FB1];
	_ =	sdelay $0x3  }
0x36: {  	p1 =	seq.s32 s10, $0x1;
	s10 =	sld [smem:$0x3FB2];
	_ =	sdelay $0x3  }
0x37: {  	[smem:$0x3FB2] =	sst s10  }
0x38: {  	s10 =	sld [smem:$0x3FB3]  }
0x39: {  	_ = 	snop;
	(pc) =	sbr.ind lr, $3  }
0x3a: {  	_ = 	snop  }
0x3b: {  	_ = 	snop  }
0x3c: {  	p2 =	seq.s32 s10, $0x1;
	s10 =	sld [smem:$0x3FB2]  }
0x3d: {  	_ =	shalt  }
0x3e: {  	_ =	shalt  }
0x3f: {  	_ =	shalt  }
0x40: {  	_ =	shalt  }
0x41: {  	_ =	shalt  }
0x42: {  	_ =	shalt  }
0x43: {  	_ =	shalt  }
0x44: {  	_ =	shalt  }
0x45: {  	_ =	shalt  }
0x46: {  	_ =	shalt  }
0x47: {  	_ =	shalt  }
0x48: {  	_ =	shalt  }
0x49: {  	_ =	shalt  }
0x4a: {  	_ =	shalt  }
0x4b: {  	_ =	shalt  }
0x4c: {  	_ =	shalt  }
0x4d: {  	_ =	shalt  }
0x4e: {  	_ =	shalt  }
0x4f: {  	_ =	shalt  }
0x50: {  	_ =	shalt  }
0x51: {  	_ =	shalt  }
0x52: {  	_ =	shalt  }
0x53: {  	_ =	shalt  }
0x54: {  	_ =	shalt  }
0x55: {  	_ =	shalt  }
0x56: {  	_ =	shalt  }
0x57: {  	_ =	shalt  }
0x58: {  	_ =	shalt  }
0x59: {  	_ =	shalt  }
0x5a: {  	_ =	shalt  }
0x5b: {  	_ =	shalt  }
0x5c: {  	_ =	shalt  }
0x5d: {  	_ =	shalt  }
0x5e: {  	_ =	shalt  }
0x5f: {  	_ =	shalt  }
0x60: {  	_ =	shalt  }
0x61: {  	_ =	shalt  }
0x62: {  	_ =	shalt  }
0x63: {  	_ =	shalt  }
0x64: {  	_ =	shalt  }
0x65: {  	_ =	shalt  }
0x66: {  	_ =	shalt  }
0x67: {  	_ =	shalt  }
0x68: {  	_ =	shalt  }
0x69: {  	_ =	shalt  }
0x6a: {  	_ =	shalt  }
0x6b: {  	_ =	shalt  }
0x6c: {  	_ =	shalt  }
0x6d: {  	_ =	shalt  }
0x6e: {  	_ =	shalt  }
0x6f: {  	_ =	shalt  }
0x70: {  	_ =	shalt  }
0x71: {  	_ =	shalt  }
0x72: {  	_ =	shalt  }
0x73: {  	_ =	shalt  }
0x74: {  	_ =	shalt  }
0x75: {  	_ =	shalt  }
0x76: {  	_ =	shalt  }
0x77: {  	_ =	shalt  }
0x78: {  	_ =	shalt  }
0x79: {  	_ =	shalt  }
0x7a: {  	_ =	shalt  }
0x7b: {  	_ =	shalt  }
0x7c: {  	_ =	shalt  }
0x7d: {  	_ =	shalt  }
0x7e: {  	_ =	shalt  }
0x7f: {  	_ =	shalt  }
0x80: {  	_ =	shalt  }
0x81: {  	_ =	shalt  }
0x82: {  	_ =	shalt  }
0x83: {  	_ =	shalt  }
0x84: {  	_ =	shalt  }
0x85: {  	_ =	shalt  }
0x86: {  	_ =	shalt  }
0x87: {  	_ =	shalt  }
.Lfunc_end0:
.L_simem_size_0:
called_computation_lowered:
.L_overlay_start_0:
0x88: {  	s2 =	sld [smem:$0x3FD9]  }
0x89: {  	s3 =	sld [smem:$0x3FFE];
	_ =	sdelay $0x1  }
0x8a: {  	s1 =	srdreg.scid  }
0x8b: {  	s0 =	sand.u32 $0x1, s1  }
0x8c: {  	s17 =	sshll.u32 s0, $0xA;
	s2 =	sadd.s32 s3, s2  }
0x8d: {  	s2 =	sadd.s32 s2, s17  }
0x8e: {  	[smem:$0x3FBE] =	sst s2  }
0x8f: {  	_ = 	snop  }
0x90: {  	s2 =	sld [smem:$0x3FD0];
	(tm) =	ssettm $0x1  }
0x91: {  	s18 =	sld [smem:$0x3FFB];
	_ =	sdelay $0x3  }
0x92: {  	_ =	strace s18  }
0x93: {  	s3 =	sld [smem:$0x3FFC];
	_ =	sdelay $0x3  }
0x94: {  	_ =	strace s3  }
0x95: {  	s3 =	sld [smem:$0x3FFD];
	_ =	sdelay $0x3  }
0x96: {  	_ =	strace s3  }
0x97: {  	_ =	strace $0x8FFFFFFF  }
0x98: {  	s19 =	sld [smem:$0x3FDB];
	_ =	sdelay $0x1  }
0x99: {  	s4 =	simm.s32 $_scs_section_size  }
0x9a: {  	s5 =	simm.s32 $_size__tile_overlayer_lowered;
	s6 =	simm.s32 $_tile_overlayer_lowered  }
0x9b: {  	s22 =	simm.s32 $0x1BFF;
	s21 =	sshll.u32 s6, $0x1;
	s3 =	sadd.s32 s4, s19  }
0x9c: {  	s7 =	simm.s32 $0x0;
	s20 =	sshll.u32 s5, $0x1;
	s5 =	sadd.s32 s21, s3  }
0x9d: {  	[timem:s7], [sflag:s22] =	dma.local [hbm:s5], s20  }
0x9e: {  	_ =	swait.ge [sflag:s22], s20  }
0x9f: {  	s4 =	ssub.s32 $0x0, s20;
	[sflag:s22] =	ssyncset.done $0x0  }
0xa0: {  	[sflag:s22] =	ssyncadd.s32 s4;
	_ =	sdelay $0x1  }
0xa1: {  	s23 =	simm.s32 $0x1B8B  }
0xa2: {  	_ =	swait.ge [sflag:s23], $0x1  }
0xa3: {  	[sflag:s23] =	ssyncset.done $0x0  }
0xa4: {  	s25 =	simm.s32 $0x1B8E;
	s24 =	sld [smem:$0x3FFE];
	[sflag:s23] =	ssyncadd.s32 $0xFFFFFFFF  }
0xa5: {  	s26 =	simm.s32 $execute0_lowered;
	[smem:$0x3FD2] =	sst s25  }
0xa6: {  	s5 =	sshll.u32 s26, $0x1;
	_ =	strace $0x80000046;
	[dreg:$0x1] =	wrdreg $0xFFFFFFFF  }
0xa7: {  	s28 =	simm.s32 $_size_execute0_lowered;
	s3 =	sadd.s32 s3, s5;
	[dreg:$0x0] =	wrdreg $0x0  }
0xa8: {  	s5 =	sshll.u32 s28, $0x1;
	[dreg:$0x2] =	wrdreg s3  }
0xa9: {  	[dreg:$0x3] =	wrdreg s5  }
0xaa: {  	[dreg:$0x4] =	wrdreg $0xC0  }
0xab: {  	_ =	task [dreg:s7], $0x5FFFF  }
0xac: {  	[dreg:$0x1] =	wrdreg $0xFFFFFFFF  }
0xad: {  	[dreg:$0x0] =	wrdreg $0x60  }
0xae: {  	[dreg:$0x2] =	wrdreg s24  }
0xaf: {  	[dreg:$0x3] =	wrdreg s2  }
0xb0: {  	[dreg:$0x4] =	wrdreg $0x9A000  }
0xb1: {  	[dreg:$0x5] =	wrdreg $0x1D6000  }
0xb2: {  	[dreg:$0x6] =	wrdreg $0x9  }
0xb3: {  	_ =	task.clear_ibuf [dreg:s7], $0x7FFFF;
	_ =	strace $0x90000046  }
0xb4: {  	s29 =	simm.s32 $0x9;
	_ =	strace $0x80000048  }
0xb5: {  	_ =	swait.ge [sflag:s29], $0x1  }
0xb6: {  	[sflag:s29] =	ssyncadd.s32 $0xFFFFFFFF  }
0xb7: {  	_ =	strace $0x90000048  }
0xb8: {  	_ =	sfence  }
0xb9: {  	s30 =	sld [smem:$0x0];
	_ =	sdelay $0x2  }
0xba: {  	s31 =	sshll.u32 s1, $0xD;
	s1 =	sshrl.u32 s1, $0x2  }
0xbb: {  	s3 =	sand.u32 $0x4000, s31;
	s1 =	sadd.s32 s1, s30  }
0xbc: {  	s0 =	sor.u32 s3, s0;
	s1 =	sshll.u32 s1, $0x11  }
0xbd: {  	s0 =	sor.u32 s1, s0  }
0xbe: {  	s0 =	sadd.s32 $0x8F2B, s0  }
0xbf: {  	[sflag:s0] =	ssyncadd.remote.s32 $0x1  }
0xc0: {  	_ =	sfence.sel $0xFFFF  }
0xc1: {  	[dreg:$0x0] =	wrdreg $0xFFFFFFFF;
	(pc) =	sbr.abs _section_cstart, $3  }
0xc2: {  	[dreg:$0x1] =	wrdreg $0xFFFFFFFF  }
0xc3: {  	_ =	task.clear_ibuf [dreg:s7], $0x2FFFF;
	_ =	strace $0x9FFFFFFF  }
0xc4: {  	(tm) =	ssettm $0x7FFFFFFF  }
0xc5: {  	_ =	shalt  }
tec
execute0_lowered:
.L_overlay_start_1:
0x0: {  	(tag) =	ssettag $0x1  }
0x1: {  	s0 =	rddreg [dreg:$0x0]  }
0x2: {  	s1 =	rddreg [dreg:$0x1]  }
0x3: {  	s3 =	rddreg [dreg:$0x2]  }
0x4: {  	s19 =	rddreg [dreg:$0x3];
	s4 =	simm.s32 $0x0;
	s18 =	stileid.u32  }
0x5: {  	s8 =	srdreg.scid;
	s28 =	simm.s32 $0x7;
	s29 =	simm.s32 $0x100  }
0x6: {  	s30 =	simm.s32 $0x80;
	[smem:$0x7FF] =	sst s4;
	s2 =	smul.u32 $0x13C00, s18  }
0x7: {  	s5 =	sadd.s32 $0x2F600, s0;
	s6 =	sadd.s32 $0x3400, s0;
	s10 =	smul.u32 $0x2780, s18  }
0x8: {  	s7 =	sadd.s32 $0x2A600, s0;
	s11 =	sand.u32 $0x1, s8;
	s12 =	smul.u32 $0x278, s18  }
0x9: {  	s8 =	sadd.s32 $0x12800, s0;
	s9 =	sadd.s32 $0x8400, s0;
	_ =	strace $0x80000047  }
0xa: {  	s14 =	smul.u32 $0x2780, s11;
	s26 =	ssub.s32 $0x2, s11;
	s11 =	sshll.u32 s11, $0x4  }
0xb: {  	s13 =	sshrl.u32 s2, $0x3;
	s15 =	sshrl.u32 s10, $0x3;
	s17 =	sshrl.u32 s26, $0x1  }
0xc: {  	s11 =	sor.u32 s18, s11;
	s2 =	sadd.s32 s2, s3;
	s13 =	sadd.s32 s13, s0  }
0xd: {  	s15 =	sadd.s32 s15, s0;
	s12 =	sadd.s32 s12, s14;
	s14 =	ssub.s32 s26, s17  }
0xe: {  	[dreg:$0x5] =	wrdreg s2;
	s17 =	sadd.s32 s10, s19;
	s16 =	sshll.u32 s12, $0x4  }
0xf: {  	s31 =	sadd.s32 $0x56E00, s13;
	s13 =	sshll.u32 s18, $0x6;
	[dreg:$0x8] =	wrdreg s17  }
0x10: {  	s18 =	sshll.u32 s11, $0x4;
	s19 =	sadd.s32 $0x1CC00, s15;
	s12 =	sshll.u32 s12, $0x1  }
0x11: {  	s15 =	simm.s32 $0x5A00;
	s17 =	simm.s32 $0x6;
	[dreg:$0x6] =	wrdreg s31  }
0x12: {  	s16 =	sadd.s32 s16, s0;
	s21 =	sor.u32 $0x1C07, s13;
	[dreg:$0x9] =	wrdreg s19  }
0x13: {  	s20 =	sadd.s32 s8, s18;
	s22 =	sor.u32 $0x200, s18;
	s23 =	sadd.s32 s9, s18  }
0x14: {  	s1 =	sadd.s32 s1, s12;
	s25 =	sor.u32 $0x600, s18;
	[dreg:$0xa] =	wrdreg s20  }
0x15: {  	s31 =	smax.u32 s14, $0x1;
	s13 =	simm.s32 $0x1200;
	[dreg:$0xb] =	wrdreg s23  }
0x16: {  	s14 =	simm.s32 $0x2;
	s24 =	sadd.s32 s8, s22;
	[dreg:$0xe] =	wrdreg s1  }
0x17: {  	s10 =	sadd.s32 s9, s22;
	s20 =	sor.u32 $0x400, s18;
	[dreg:$0xf] =	wrdreg s25  }
.Ltmp0:
0x18: {  	s22 =	sshll.u32 s11, $0x8;
	[dreg:$0x11] =	wrdreg s31;
	(pc) =	sbr.rel .LBB2_1-.Ltmp0, $4  }
0x19: {  	s23 =	sadd.s32 $0x7E600, s0;
	s26 =	sadd.s32 $0x122600, s16;
	[dreg:$0x7] =	wrdreg s21  }
0x1a: {  	s11 =	simm.s32 $0x5;
	s16 =	simm.s32 $0x3;
	[dreg:$0xc] =	wrdreg s24  }
0x1b: {  	s18 =	simm.s32 $0x4;
	s1 =	simm.s32 $0x0;
	[dreg:$0xd] =	wrdreg s10  }
0x1c: {  	s24 =	sadd.s32 $0x80600, s0;
	[dreg:$0x10] =	wrdreg s26;
	s10 =	simm.s32 $0x180  }
.LBB2_12:
0x1d: {  	_ =	swait.ge [sflag:s17], $0x800  }
0x1e: {  	[sflag:s17] =	ssyncset.done $0x0  }
0x1f: {  	[sflag:s17] =	ssyncadd.s32 $0xFFFFF800  }
0x20: {  	[bflag:$0x0] =	sbarrier.arrive $0xFFFF  }
0x21: {  	s21 =	rddreg [dreg:$0x7]  }
0x22: {  	s0 =	rddreg [dreg:$0x10]  }
0x23: {  	s1 =	rddreg [dreg:$0x13]  }
0x24: {  	[hbm:s0], [sflag:s21] =	dma.local [spmem:s1], $0x2780  }
0x25: {  	_ =	swait.ge [sflag:s28], $0x2780  }
0x26: {  	[sflag:s28] =	ssyncset.done $0x0;
	s19 =	rddreg [dreg:$0xe]  }
0x27: {  	s25 =	rddreg [dreg:$0x14];
	[sflag:s28] =	ssyncadd.s32 $0xFFFFD880  }
0x28: {  	[hbm:s19], [sflag:s21] =	dma.local [spmem:s25], $0x4F0  }
0x29: {  	_ =	swait.ge [sflag:s28], $0x4F0  }
0x2a: {  	s26 =	rddreg [dreg:$0x12]  }
0x2b: {  	s31 =	rddreg [dreg:$0x11];
	s1 =	sadd.s32 $0x1, s26  }
0x2c: {  	p0 =	sne.s32 s1, s31  }
.Ltmp1:
0x2d: {  	_ = 	snop;
	(pc) =	sbr.rel @!p0 .LBB2_13-.Ltmp1, $3  }
0x2e: {  	_ =	sdelay $0x1  }
0x2f: {  	[sflag:s28] =	ssyncset.done $0x0  }
0x30: {  	[sflag:s28] =	ssyncadd.s32 $0xFFFFFB10  }
.LBB2_1:
0x31: {  	[dreg:$0x12] =	wrdreg s1  }
0x32: {  	s0 =	rddreg [dreg:$0x5]  }
0x33: {  	s19 =	rddreg [dreg:$0x6];
	s12 =	sshrl.u32 s0, $0x3  }
0x34: {  	[dreg:$0x13] =	wrdreg s12  }
0x35: {  	[spmem:s12], [sflag:s21] =	dma.local [hbm:s19], $0x2780  }
0x36: {  	_ =	swait.ge [sflag:s28], $0x2780  }
0x37: {  	s25 =	rddreg [dreg:$0x8]  }
0x38: {  	[sflag:s28] =	ssyncset.done $0x0;
	s31 =	rddreg [dreg:$0x9];
	s26 =	sshrl.u32 s25, $0x3  }
0x39: {  	[sflag:s28] =	ssyncadd.s32 $0xFFFFD880;
	[dreg:$0x14] =	wrdreg s26  }
0x3a: {  	[spmem:s26], [sflag:s21] =	dma.local [hbm:s31], $0x4F0  }
0x3b: {  	_ =	swait.ge [sflag:s28], $0x4F0  }
0x3c: {  	[sflag:s28] =	ssyncset.done $0x0  }
0x3d: {  	[sflag:s28] =	ssyncadd.s32 $0xFFFFFB10  }
0x3e: {  	[bflag:$0x0] =	sbarrier.arrive $0xFFFF  }
0x3f: {  	s2 =	rddreg [dreg:$0xa]  }
0x40: {  	[tilespmem:s4], [sflag:$0x7] =	stream.linear.gather [hbm4b:s2+s4], $0x80, $0x38;
	[tilespmem:$0x1FD80] =	vst v63  }
0x41: {  	_ =	swait.ge [sflag:s28], $0x80  }
0x42: {  	[sflag:s28] =	ssyncset.done $0x0  }
0x43: {  	s12 =	rddreg [dreg:$0xb];
	[sflag:s28] =	ssyncadd.s32 $0xFFFFFF80  }
0x44: {  	[tilespmem:s29], [sflag:$0x7] =	stream.linear.gather [hbm4b:s12+s4], $0x80, $0x38;
	[tilespmem:$0x1FD80] =	vst v63  }
0x45: {  	_ =	swait.ge [sflag:s28], $0x80  }
0x46: {  	[sflag:s28] =	ssyncset.done $0x0  }
0x47: {  	s19 =	simm.s32 $0x200;
	[sflag:s28] =	ssyncadd.s32 $0xFFFFFF80  }
0x48: {  	[tilespmem:s19], [sflag:$0x5] =	stream.indirect.gather [hbm4b:s6+s30], $0x10, s4, s30, $0xb8;
	[tilespmem:$0x1FD80] =	vst v63  }
0x49: {  	s21 =	simm.s32 $0xA00  }
0x4a: {  	[tilespmem:s21], [sflag:$0x5] =	stream.indirect.gather [hbm4b:s7+s30], $0x10, s29, s30, $0xb8;
	[tilespmem:$0x1FD80] =	vst v63  }
0x4b: {  	s25 =	simm.s32 $0x1A00  }
0x4c: {  	[tilespmem:s25], [sflag:$0x3] =	stream.indirect.gather [hbm4b:s5+s30], $0x80, s4, s30, $0xb8;
	[tilespmem:$0x1FD80] =	vst v63  }
0x4d: {  	s26 =	rddreg [dreg:$0xc]  }
0x4e: {  	[tilespmem:s30], [sflag:$0x2] =	stream.linear.gather [hbm4b:s26+s4], $0x80, $0x38;
	[tilespmem:$0x1FD80] =	vst v63  }
0x4f: {  	s31 =	rddreg [dreg:$0xd];
	s25 =	simm.s32 $0x0  }
0x50: {  	[tilespmem:s10], [sflag:$0x2] =	stream.linear.gather [hbm4b:s31+s4], $0x80, $0x38;
	[tilespmem:$0x1FD80] =	vst v63  }
.LBB2_2:
0x51: {  	_ =	swait.ge [sflag:s11], $0x800  }
0x52: {  	[sflag:s11] =	ssyncset.done $0x0  }
0x53: {  	[sflag:s11] =	ssyncadd.s32 $0xFFFFF800  }
0x54: {  	_ =	swait.ge [sflag:s11], $0x800  }
0x55: {  	p0 =	seq.s32 s25, $0x0;
	[sflag:s11] =	ssyncset.done $0x0  }
0x56: {  	s0 =	simm.s32 @!p0 $0x6;
	[sflag:s11] =	ssyncadd.s32 $0xFFFFF800  }
0x57: {  	_ =	swait.ge @!p0 [sflag:s0], $0x800  }
0x58: {  	[sflag:s0] =	ssyncset.done @!p0 $0x0  }
0x59: {  	s12 =	simm.s32 $0x0;
	[sflag:s0] =	ssyncadd.s32 @!p0 $0xFFFFF800  }
0x5a: {  	v0 =	vld [tilespmem:s12+$0x200]  }
0x5b: {  	v1 =	vld [tilespmem:s12+$0xA00];
	_ =	sdelay $0x4  }
0x5c: {  	v0 =	vadd.f32 v1, v0;
	_ =	sdelay $0x1  }
0x5d: {  	s19 =	simm.s32 $0x10;
	v1 =	vmul.f32 $2.000000030e-01, v0  }
0x5e: {  	v2 =	vld [tilespmem:s19+$0x200];
	vm0 =	vgt.f32 v0, $0.0e+00  }
0x5f: {  	v3 =	vld [tilespmem:s19+$0xA00];
	v0 =	vsel vm0, v0, v1  }
0x60: {  	s31 =	simm.s32 $0x20;
	v0 =	vmul.f32 $1.442695020e+00, v0  }
0x61: {  	v1 =	vld [tilespmem:s31+$0x200]  }
0x62: {  	(erf) = vpow2.f32 v0;
	v0 =	vld [tilespmem:s31+$0xA00];
	_ =	sdelay $0x1  }
0x63: {  	v2 =	vadd.f32 v3, v2;
	_ =	sdelay $0x1  }
0x64: {  	v3 =	vmul.f32 $2.000000030e-01, v2  }
0x65: {  	vm14 =	vgt.f32 v2, $0.0e+00;
	v4 =	vadd.f32 v0, v1  }
0x66: {  	v0 =	vsel vm14, v2, v3  }
0x67: {  	s0 =	simm.s32 $0x30;
	v1 =	vmul.f32 $1.442695020e+00, v0;
	v2 =	vmul.f32 $2.000000030e-01, v4  }
0x68: {  	v0 =	vld [tilespmem:s0+$0x200]  }
0x69: {  	(erf) = vpow2.f32 v1;
	v1 =	vld [tilespmem:s0+$0xA00]  }
0x6a: {  	vm15 =	vgt.f32 v4, $0.0e+00  }
0x6b: {  	s26 =	sshll.u32 s25, $0xA;
	s2 =	simm.s32 $0x100;
	v3 =	vsel vm15, v4, v2;
	v2 =	vpop (erf)  }
.LBB2_3:
0x6c: {  	s1 =	sshra.s32 s2, $0x2  }
0x6d: {  	v3 =	vmul.f32 $1.442695020e+00, v3;
	[tilespmem:s12+$0x1200] =	vst v2;
	s12 =	smov.u32 s19;
	s19 =	smov.u32 s31;
	p0 =	sne.s32 s2, $0x1FC0  }
.Ltmp2:
0x6e: {  	s2 =	sadd.s32 $0x40, s2;
	v2 =	vadd.f32 v1, v0;
	v0 =	vld [tilespmem:s1+$0x200];
	(pc) =	sbr.rel @p0 .LBB2_3-.Ltmp2, $4  }
0x6f: {  	s31 =	smov.u32 s0;
	s0 =	smov.u32 s1;
	v1 =	vld [tilespmem:s1+$0xA00];
	(erf) = vpow2.f32 v3  }
0x70: {  	v3 =	vmul.f32 $2.000000030e-01, v2  }
0x71: {  	vm0 =	vgt.f32 v2, $0.0e+00  }
0x72: {  	v3 =	vsel vm0, v2, v3;
	v2 =	vpop (erf)  }
0x73: {  	_ = 	snop  }
0x74: {  	v0 =	vadd.f32 v1, v0;
	_ =	sdelay $0x1  }
0x75: {  	v1 =	vmul.f32 $2.000000030e-01, v0  }
0x76: {  	vm0 =	vgt.f32 v0, $0.0e+00  }
0x77: {  	v3 =	vmul.f32 $1.442695020e+00, v3;
	v0 =	vsel vm0, v0, v1  }
0x78: {  	v0 =	vmul.f32 $1.442695020e+00, v0  }
0x79: {  	(erf) = vpow2.f32 v3  }
0x7a: {  	(erf) = vpow2.f32 v0;
	_ =	sdelay $0x6  }
0x7b: {  	[tilespmem:s12+$0x1200] =	vst v2;
	v0 =	vpop (erf)  }
0x7c: {  	s1 =	sshll.u32 s25, $0xE;
	[tilespmem:s19+$0x1200] =	vst v0;
	v0 =	vpop (erf)  }
0x7d: {  	s12 =	sor.u32 s22, s1;
	[tilespmem:s31+$0x1200] =	vst v0;
	v0 =	vpop (erf)  }
0x7e: {  	s21 =	simm.s32 $0x0;
	s19 =	sadd.s32 s23, s12;
	[tilespmem:s0+$0x1200] =	vst v0  }
0x7f: {  	[hbm4b:s19+s21] =	stream.linear.scatter [tilespmem:s13], [sflag:$0x6], $0x800, $0x38;
	[tilespmem:$0x1FD80] =	vst v63  }
0x80: {  	_ =	swait.ge [sflag:s14], $0x80  }
0x81: {  	[sflag:s14] =	ssyncset.done $0x0  }
0x82: {  	[sflag:s14] =	ssyncadd.s32 $0xFFFFFF80  }
0x83: {  	_ =	swait.ge [sflag:s14], $0x80  }
0x84: {  	[sflag:s14] =	ssyncset.done $0x0  }
0x85: {  	s2 =	simm.s32 $0x200;
	[sflag:s14] =	ssyncadd.s32 $0xFFFFFF80  }
0x86: {  	[tilespmem:s2], [sflag:$0x5] =	stream.indirect.gather [hbm4b:s6+s30], $0x10, s30, s30, $0xb8;
	[tilespmem:$0x1FD80] =	vst v63  }
0x87: {  	s19 =	simm.s32 $0xA00  }
0x88: {  	[tilespmem:s19], [sflag:$0x5] =	stream.indirect.gather [hbm4b:s7+s30], $0x10, s10, s30, $0xb8;
	[tilespmem:$0x1FD80] =	vst v63  }
0x89: {  	_ = 	snop  }
0x8a: {  	[tilespmem:s15], [sflag:$0x4] =	stream.indirect.gather [hbm4b:s5+s30], $0x80, s30, s30, $0xb8;
	[tilespmem:$0x1FD80] =	vst v63  }
0x8b: {  	_ =	swait.ge [sflag:s16], $0x4000  }
0x8c: {  	[sflag:s16] =	ssyncset.done $0x0  }
0x8d: {  	s19 =	simm.s32 $0x1A40;
	[sflag:s16] =	ssyncadd.s32 $0xFFFFC000  }
0x8e: {  	s21 =	simm.s32 $0x0;
	v7 =	vld [tilespmem:s19+$0xFFFFFFD0]  }
0x8f: {  	v2 =	vld [tilespmem:s21+$0x1200]  }
0x90: {  	v5 =	vld [tilespmem:s19+$0x20]  }
0x91: {  	v8 =	vld [tilespmem:s19+$0xFFFFFFC0]  }
0x92: {  	v11 =	vld [tilespmem:s19+$0xFFFFFFE0]  }
0x93: {  	v0 =	vld [tilespmem:s19+$0xFFFFFFF0]  }
0x94: {  	v1 =	vld [tilespmem:s19+$0x30];
	v9 =	vbroadcast v2, $0x0;
	v6 =	vbroadcast v2, $0x3  }
0x95: {  	v3 =	vld [tilespmem:s19+$0x0];
	v4 =	vbroadcast v2, $0x1  }
0x96: {  	v10 =	vmul.f32 v9, v8;
	v8 =	vmul.f32 v5, v6;
	v5 =	vld [tilespmem:s19+$0x10]  }
0x97: {  	v2 =	vbroadcast v2, $0x2  }
0x98: {  	s31 =	simm.s32 $0x40;
	s0 =	simm.s32 $0x1A40;
	v9 =	vmul.f32 v7, v9;
	v7 =	vmul.f32 v11, v4  }
.LBB2_5:
0x99: {  	p0 =	sne.s32 s31, $0x1FC0  }
0x9a: {  	[tilespmem:s19+$0xFFFFFFC0] =	vst v10;
	v3 =	vmul.f32 v3, v2;
	v1 =	vmul.f32 v1, v6;
	s0 =	sadd.s32 $0x80, s0;
	s1 =	smov.u32 s31;
	s31 =	sadd.s32 $0x40, s31  }
0x9b: {  	v4 =	vmul.f32 v0, v4;
	v2 =	vmul.f32 v5, v2;
	[tilespmem:s19+$0x20] =	vst v8  }
0x9c: {  	[tilespmem:s19+$0xFFFFFFD0] =	vst v9  }
0x9d: {  	[tilespmem:s19+$0xFFFFFFE0] =	vst v7  }
0x9e: {  	[tilespmem:s19+$0x30] =	vst v1  }
0x9f: {  	v0 =	vld [tilespmem:s0+$0xFFFFFFF0];
	[tilespmem:s19+$0x10] =	vst v2  }
0xa0: {  	v7 =	vld [tilespmem:s0+$0xFFFFFFD0];
	[tilespmem:s19+$0xFFFFFFF0] =	vst v4  }
0xa1: {  	s1 =	sshra.s32 s1, $0x2;
	v8 =	vld [tilespmem:s0+$0x20];
	[tilespmem:s19+$0x0] =	vst v3;
	s19 =	smov.u32 s0  }
0xa2: {  	v2 =	vld [tilespmem:s1+$0x1200]  }
0xa3: {  	v1 =	vld [tilespmem:s0+$0x30]  }
0xa4: {  	v9 =	vld [tilespmem:s0+$0xFFFFFFC0]  }
0xa5: {  	v11 =	vld [tilespmem:s0+$0xFFFFFFE0]  }
.Ltmp3:
0xa6: {  	v3 =	vld [tilespmem:s0+$0x0];
	(pc) =	sbr.rel @p0 .LBB2_5-.Ltmp3, $4  }
0xa7: {  	v12 =	vbroadcast v2, $0x0;
	v5 =	vld [tilespmem:s0+$0x10];
	v6 =	vbroadcast v2, $0x3  }
0xa8: {  	v4 =	vbroadcast v2, $0x1;
	v2 =	vbroadcast v2, $0x2  }
0xa9: {  	v10 =	vmul.f32 v12, v9;
	v8 =	vmul.f32 v8, v6  }
0xaa: {  	v9 =	vmul.f32 v7, v12;
	v7 =	vmul.f32 v11, v4  }
0xab: {  	[tilespmem:s19+$0xFFFFFFC0] =	vst v10  }
0xac: {  	[tilespmem:s19+$0x20] =	vst v8  }
0xad: {  	v1 =	vmul.f32 v1, v6;
	[tilespmem:s19+$0xFFFFFFD0] =	vst v9  }
0xae: {  	v0 =	vmul.f32 v0, v4;
	[tilespmem:s19+$0xFFFFFFE0] =	vst v7  }
0xaf: {  	v5 =	vmul.f32 v5, v2;
	[tilespmem:s19+$0x30] =	vst v1  }
0xb0: {  	v1 =	vmul.f32 v3, v2;
	[tilespmem:s19+$0xFFFFFFF0] =	vst v0  }
0xb1: {  	[tilespmem:s19+$0x10] =	vst v5  }
0xb2: {  	s0 =	rddreg [dreg:$0x3];
	[tilespmem:s19+$0x0] =	vst v1  }
0xb3: {  	[spmem:s0] =	stream.indirect.scatter.add.f32 [tilespmem:s13], [sflag:$0x7], $0x10, s29, s30, $0xb8;
	[tilespmem:$0x1FD80] =	vst v63  }
0xb4: {  	_ =	swait.ge [sflag:s28], $0x800  }
0xb5: {  	[sflag:s28] =	ssyncset.done $0x0  }
0xb6: {  	s19 =	simm.s32 $0x1A00;
	[sflag:s28] =	ssyncadd.s32 $0xFFFFF800  }
0xb7: {  	[spmem:s3] =	stream.indirect.scatter.add.f32 [tilespmem:s19], [sflag:$0x7], $0x80, s29, s30, $0xb8;
	[tilespmem:$0x1FD80] =	vst v63  }
0xb8: {  	p0 =	seq.s32 s25, $0x28;
	_ =	swait.ge [sflag:s28], $0x4000  }
0xb9: {  	s0 =	sadd.s32 @!p0 s20, s26;
	[sflag:s28] =	ssyncset.done $0x0  }
0xba: {  	s2 =	simm.s32 @!p0 $0x0;
	s1 =	sadd.s32 @!p0 s8, s0;
	[sflag:s28] =	ssyncadd.s32 $0xFFFFC000  }
0xbb: {  	[tilespmem:s2], [sflag:$0x1] =	stream.linear.gather @!p0 [hbm4b:s1+s2], $0x80, $0x38;
	[tilespmem:$0x1FD80] =	vst v63  }
0xbc: {  	s0 =	sadd.s32 @!p0 s9, s0;
	s1 =	simm.s32 @!p0 $0x100  }
0xbd: {  	[tilespmem:s1], [sflag:$0x1] =	stream.linear.gather @!p0 [hbm4b:s0+s2], $0x80, $0x38;
	[tilespmem:$0x1FD80] =	vst v63  }
0xbe: {  	_ =	swait.ge [sflag:s11], $0x800  }
0xbf: {  	[sflag:s11] =	ssyncset.done $0x0  }
0xc0: {  	[sflag:s11] =	ssyncadd.s32 $0xFFFFF800  }
0xc1: {  	_ =	swait.ge [sflag:s11], $0x800  }
0xc2: {  	[sflag:s11] =	ssyncset.done $0x0  }
0xc3: {  	[sflag:s11] =	ssyncadd.s32 $0xFFFFF800  }
0xc4: {  	_ =	swait.ge [sflag:s17], $0x800  }
0xc5: {  	[sflag:s17] =	ssyncset.done $0x0  }
0xc6: {  	s19 =	simm.s32 $0x0;
	[sflag:s17] =	ssyncadd.s32 $0xFFFFF800  }
0xc7: {  	v0 =	vld [tilespmem:s19+$0x200]  }
0xc8: {  	v1 =	vld [tilespmem:s19+$0xA00];
	_ =	sdelay $0x4  }
0xc9: {  	s31 =	simm.s32 $0x10;
	v0 =	vadd.f32 v1, v0  }
0xca: {  	v2 =	vld [tilespmem:s31+$0x200]  }
0xcb: {  	v3 =	vld [tilespmem:s31+$0xA00];
	v1 =	vmul.f32 $2.000000030e-01, v0  }
0xcc: {  	vm0 =	vgt.f32 v0, $0.0e+00  }
0xcd: {  	v0 =	vsel vm0, v0, v1  }
0xce: {  	s0 =	simm.s32 $0x20;
	v0 =	vmul.f32 $1.442695020e+00, v0  }
0xcf: {  	v4 =	vld [tilespmem:s0+$0xA00]  }
0xd0: {  	v1 =	vld [tilespmem:s0+$0x200];
	(erf) = vpow2.f32 v0;
	v0 =	vadd.f32 v3, v2;
	_ =	sdelay $0x1  }
0xd1: {  	v2 =	vmul.f32 $2.000000030e-01, v0  }
0xd2: {  	vm14 =	vgt.f32 v0, $0.0e+00  }
0xd3: {  	v0 =	vsel vm14, v0, v2  }
0xd4: {  	s2 =	simm.s32 $0x30;
	v3 =	vadd.f32 v4, v1;
	v2 =	vmul.f32 $1.442695020e+00, v0  }
0xd5: {  	v1 =	vld [tilespmem:s2+$0xA00]  }
0xd6: {  	v4 =	vmul.f32 $2.000000030e-01, v3;
	v0 =	vld [tilespmem:s2+$0x200];
	(erf) = vpow2.f32 v2  }
0xd7: {  	vm15 =	vgt.f32 v3, $0.0e+00  }
0xd8: {  	s21 =	smov.u32 s3;
	s1 =	simm.s32 $0x100;
	v3 =	vsel vm15, v3, v4;
	v2 =	vpop (erf)  }
.LBB2_7:
0xd9: {  	s3 =	sshra.s32 s1, $0x2  }
0xda: {  	v3 =	vmul.f32 $1.442695020e+00, v3;
	[tilespmem:s19+$0x1200] =	vst v2;
	s19 =	smov.u32 s31;
	s31 =	smov.u32 s0;
	p1 =	sne.s32 s1, $0x1FC0  }
.Ltmp4:
0xdb: {  	s1 =	sadd.s32 $0x40, s1;
	v2 =	vadd.f32 v1, v0;
	v0 =	vld [tilespmem:s3+$0x200];
	(pc) =	sbr.rel @p1 .LBB2_7-.Ltmp4, $4  }
0xdc: {  	s0 =	smov.u32 s2;
	s2 =	smov.u32 s3;
	v1 =	vld [tilespmem:s3+$0xA00];
	(erf) = vpow2.f32 v3  }
0xdd: {  	v3 =	vmul.f32 $2.000000030e-01, v2  }
0xde: {  	vm0 =	vgt.f32 v2, $0.0e+00  }
0xdf: {  	v3 =	vsel vm0, v2, v3;
	v2 =	vpop (erf)  }
0xe0: {  	_ = 	snop  }
0xe1: {  	v0 =	vadd.f32 v1, v0;
	_ =	sdelay $0x1  }
0xe2: {  	v1 =	vmul.f32 $2.000000030e-01, v0  }
0xe3: {  	vm0 =	vgt.f32 v0, $0.0e+00  }
0xe4: {  	v3 =	vmul.f32 $1.442695020e+00, v3;
	v0 =	vsel vm0, v0, v1  }
0xe5: {  	v0 =	vmul.f32 $1.442695020e+00, v0  }
0xe6: {  	(erf) = vpow2.f32 v3  }
0xe7: {  	(erf) = vpow2.f32 v0;
	_ =	sdelay $0x6  }
0xe8: {  	[tilespmem:s19+$0x1200] =	vst v2;
	v0 =	vpop (erf)  }
0xe9: {  	[tilespmem:s31+$0x1200] =	vst v0;
	v0 =	vpop (erf)  }
0xea: {  	[tilespmem:s0+$0x1200] =	vst v0;
	v0 =	vpop (erf)  }
0xeb: {  	s19 =	sadd.s32 s12, s24;
	s0 =	simm.s32 @!p0 $0x1;
	[tilespmem:s2+$0x1200] =	vst v0  }
0xec: {  	[hbm4b:s19+s4] =	stream.linear.scatter [tilespmem:s13], [sflag:$0x6], $0x800, $0x38;
	[tilespmem:$0x1FD80] =	vst v63  }
0xed: {  	_ =	swait.ge @!p0 [sflag:s0], $0x80  }
0xee: {  	[sflag:s0] =	ssyncset.done @!p0 $0x0  }
0xef: {  	[sflag:s0] =	ssyncadd.s32 @!p0 $0xFFFFFF80  }
0xf0: {  	_ =	swait.ge @!p0 [sflag:s0], $0x80  }
0xf1: {  	s1 =	simm.s32 @!p0 $0x0;
	[sflag:s0] =	ssyncset.done @!p0 $0x0  }
0xf2: {  	s2 =	simm.s32 @!p0 $0x200;
	[sflag:s0] =	ssyncadd.s32 @!p0 $0xFFFFFF80;
	s0 =	simm.s32 @!p0 $0x80  }
0xf3: {  	[tilespmem:s2], [sflag:$0x5] =	stream.indirect.gather @!p0 [hbm4b:s6+s0], $0x10, s1, s0, $0xb8;
	[tilespmem:$0x1FD80] =	vst v63  }
0xf4: {  	s3 =	simm.s32 @!p0 $0xA00;
	s2 =	simm.s32 @!p0 $0x100  }
0xf5: {  	[tilespmem:s3], [sflag:$0x5] =	stream.indirect.gather @!p0 [hbm4b:s7+s0], $0x10, s2, s0, $0xb8;
	[tilespmem:$0x1FD80] =	vst v63  }
0xf6: {  	s2 =	simm.s32 @!p0 $0x1A00  }
0xf7: {  	[tilespmem:s2], [sflag:$0x3] =	stream.indirect.gather @!p0 [hbm4b:s5+s0], $0x80, s1, s0, $0xb8;
	[tilespmem:$0x1FD80] =	vst v63  }
0xf8: {  	_ =	swait.ge [sflag:s18], $0x4000  }
0xf9: {  	[sflag:s18] =	ssyncset.done $0x0  }
0xfa: {  	s12 =	simm.s32 $0x5A40;
	[sflag:s18] =	ssyncadd.s32 $0xFFFFC000  }
0xfb: {  	s31 =	simm.s32 $0x0;
	v7 =	vld [tilespmem:s12+$0xFFFFFFD0]  }
0xfc: {  	v2 =	vld [tilespmem:s31+$0x1200]  }
0xfd: {  	v5 =	vld [tilespmem:s12+$0x20]  }
0xfe: {  	v8 =	vld [tilespmem:s12+$0xFFFFFFC0]  }
0xff: {  	v11 =	vld [tilespmem:s12+$0xFFFFFFE0]  }
0x100: {  	v0 =	vld [tilespmem:s12+$0xFFFFFFF0]  }
0x101: {  	v1 =	vld [tilespmem:s12+$0x30];
	v9 =	vbroadcast v2, $0x0;
	v6 =	vbroadcast v2, $0x3  }
0x102: {  	v3 =	vld [tilespmem:s12+$0x0];
	v4 =	vbroadcast v2, $0x1  }
0x103: {  	v10 =	vmul.f32 v9, v8;
	v8 =	vmul.f32 v5, v6;
	v5 =	vld [tilespmem:s12+$0x10]  }
0x104: {  	v2 =	vbroadcast v2, $0x2  }
0x105: {  	s19 =	simm.s32 $0x40;
	s0 =	simm.s32 $0x5A40;
	v9 =	vmul.f32 v7, v9;
	v7 =	vmul.f32 v11, v4  }
.LBB2_9:
0x106: {  	p1 =	sne.s32 s19, $0x1FC0  }
0x107: {  	[tilespmem:s12+$0xFFFFFFC0] =	vst v10;
	v3 =	vmul.f32 v3, v2;
	v1 =	vmul.f32 v1, v6;
	s0 =	sadd.s32 $0x80, s0;
	s1 =	smov.u32 s19;
	s19 =	sadd.s32 $0x40, s19  }
0x108: {  	v4 =	vmul.f32 v0, v4;
	v2 =	vmul.f32 v5, v2;
	[tilespmem:s12+$0x20] =	vst v8  }
0x109: {  	[tilespmem:s12+$0xFFFFFFD0] =	vst v9  }
0x10a: {  	[tilespmem:s12+$0xFFFFFFE0] =	vst v7  }
0x10b: {  	[tilespmem:s12+$0x30] =	vst v1  }
0x10c: {  	v0 =	vld [tilespmem:s0+$0xFFFFFFF0];
	[tilespmem:s12+$0x10] =	vst v2  }
0x10d: {  	v7 =	vld [tilespmem:s0+$0xFFFFFFD0];
	[tilespmem:s12+$0xFFFFFFF0] =	vst v4  }
0x10e: {  	s1 =	sshra.s32 s1, $0x2;
	v8 =	vld [tilespmem:s0+$0x20];
	[tilespmem:s12+$0x0] =	vst v3;
	s12 =	smov.u32 s0  }
0x10f: {  	v2 =	vld [tilespmem:s1+$0x1200]  }
0x110: {  	v1 =	vld [tilespmem:s0+$0x30]  }
0x111: {  	v9 =	vld [tilespmem:s0+$0xFFFFFFC0]  }
0x112: {  	v11 =	vld [tilespmem:s0+$0xFFFFFFE0]  }
.Ltmp5:
0x113: {  	v3 =	vld [tilespmem:s0+$0x0];
	(pc) =	sbr.rel @p1 .LBB2_9-.Ltmp5, $4  }
0x114: {  	v12 =	vbroadcast v2, $0x0;
	v5 =	vld [tilespmem:s0+$0x10];
	v6 =	vbroadcast v2, $0x3  }
0x115: {  	v4 =	vbroadcast v2, $0x1;
	v2 =	vbroadcast v2, $0x2  }
0x116: {  	v10 =	vmul.f32 v12, v9;
	v8 =	vmul.f32 v8, v6  }
0x117: {  	v9 =	vmul.f32 v7, v12;
	v7 =	vmul.f32 v11, v4  }
0x118: {  	[tilespmem:s12+$0xFFFFFFC0] =	vst v10  }
0x119: {  	[tilespmem:s12+$0x20] =	vst v8  }
0x11a: {  	v1 =	vmul.f32 v1, v6;
	[tilespmem:s12+$0xFFFFFFD0] =	vst v9  }
0x11b: {  	v0 =	vmul.f32 v0, v4;
	[tilespmem:s12+$0xFFFFFFE0] =	vst v7  }
0x11c: {  	v63 =	vmul.f32 v3, v2;
	[tilespmem:s12+$0x30] =	vst v1  }
0x11d: {  	v5 =	vmul.f32 v5, v2;
	[tilespmem:s12+$0xFFFFFFF0] =	vst v0  }
0x11e: {  	[tilespmem:s12+$0x0] =	vst v63  }
0x11f: {  	s0 =	rddreg [dreg:$0x3];
	[tilespmem:s12+$0x10] =	vst v5  }
0x120: {  	[spmem:s0] =	stream.indirect.scatter.add.f32 [tilespmem:s13], [sflag:$0x7], $0x10, s10, s30, $0xb8;
	[tilespmem:$0x1FD80] =	vst v63  }
0x121: {  	_ =	swait.ge [sflag:s28], $0x800  }
0x122: {  	[sflag:s28] =	ssyncset.done $0x0  }
.Ltmp6:
0x123: {  	[sflag:s28] =	ssyncadd.s32 $0xFFFFF800;
	(pc) =	sbr.rel @p0 .LBB2_12-.Ltmp6, $4  }
0x124: {  	[spmem:s21] =	stream.indirect.scatter.add.f32 [tilespmem:s15], [sflag:$0x7], $0x80, s10, s30, $0xb8;
	[tilespmem:$0x1FD80] =	vst v63  }
0x125: {  	_ =	swait.ge [sflag:s28], $0x4000  }
0x126: {  	[sflag:s28] =	ssyncset.done $0x0  }
0x127: {  	s3 =	smov.u32 s21;
	[sflag:s28] =	ssyncadd.s32 $0xFFFFC000  }
0x128: {  	s0 =	rddreg [dreg:$0xf]  }
.Ltmp7:
0x129: {  	s0 =	sadd.s32 s0, s26;
	(pc) =	sbr.rel .LBB2_2-.Ltmp7, $4  }
0x12a: {  	s1 =	sadd.s32 s8, s0  }
0x12b: {  	[tilespmem:s30], [sflag:$0x2] =	stream.linear.gather [hbm4b:s1+s4], $0x80, $0x38;
	[tilespmem:$0x1FD80] =	vst v63  }
0x12c: {  	s25 =	sadd.s32 $0x1, s25;
	s0 =	sadd.s32 s9, s0  }
0x12d: {  	[tilespmem:s10], [sflag:$0x2] =	stream.linear.gather [hbm4b:s0+s4], $0x80, $0x38;
	[tilespmem:$0x1FD80] =	vst v63  }
.LBB2_13:
0x12e: {  	_ =	sfence.sel $0x180000  }
0x12f: {  	[bflag:$0x0] =	sbarrier.arrive $0xFFFF  }
0x130: {  	_ =	strace $0x90000047  }
0x131: {  	s0 =	stileid.u32;
	[bflag:$0x2] =	sbarrier.arrive $0xFFFF  }
0x132: {  	p0 =	sne.s32 s0, $0x0;
	s0 =	rddreg [dreg:$0x4]  }
0x133: {  	s0 =	sadd.s32 @!p0 $0x100000, s0  }
0x134: {  	[sflag:s0] =	ssyncadd.tile.s32 @!p0 $0x1;
	_ =	shalt  }
.Lfunc_end2:
_tile_overlayer_lowered:
.L_overlay_start_2:
0x135: {  	(tag) =	ssettag $0x2  }
0x136: {  	s0 =	rddreg [dreg:$0x0];
	s2 =	stileid.u32  }
0x137: {  	s1 =	rddreg [dreg:$0x1];
	p0 =	sne.s32 s2, $0x0  }
0x138: {  	s3 =	rddreg [dreg:$0x2];
	[bflag:$0x3] =	sbarrier.arrive $0xFFFF;
	s2 =	simm.s32 @!p0 $0x1C07  }
0x139: {  	[timem:s3], [sflag:s2] =	dma.local @!p0 [hbm:s0], s1  }
0x13a: {  	s0 =	simm.s32 @!p0 $0x7  }
0x13b: {  	_ =	swait.ge @!p0 [sflag:s0], s1  }
0x13c: {  	s1 =	ssub.s32 @!p0 $0x0, s1;
	[sflag:s0] =	ssyncset.done @!p0 $0x0  }
0x13d: {  	[sflag:s0] =	ssyncadd.s32 @!p0 s1  }
0x13e: {  	[bflag:$0x3] =	sbarrier.arrive $0xFFFF  }
0x13f: {  	_ =	shalt  }

</sc_bundles>
